<compile_context>
chip_gen: v7x
topology: tpu7x:2x2x1
jax: 0.10.2.dev20260603
libtpu: 0.0.44.dev20260713+nightly
codegen_flags: <defaults>
</compile_context>

<pallas_src>
import functools
import jax
import jax.numpy as jnp
from jax import lax
from jax.experimental import pallas as pl
from jax.experimental.pallas import tpu as pltpu
from jax.experimental.pallas import tpu_sc as plsc

_NC, _NS, _L = 2, 16, 16
_NW = _NC * _NS
_U = 8
_TS = 256


def _tc_body(x_ref, pe_ref, o_ref):
    o_ref[...] = x_ref[...] + pe_ref[...]


def _sc_tail(x, pos_embed, B, T, D):
    TT = T - _TS
    TW = _TS // _NW

    mesh = plsc.VectorSubcoreMesh(core_axis_name="c", subcore_axis_name="s")

    @functools.partial(
        pl.kernel,
        out_type=jax.ShapeDtypeStruct((B, _TS, D), jnp.float32),
        mesh=mesh,
        scratch_types=[
            pltpu.VMEM((TW, D), jnp.float32),
            pltpu.VMEM((B, TW, D), jnp.float32),
            pltpu.SemaphoreType.DMA,
        ],
    )
    def sc_add(x_hbm, pe_hbm, o_hbm, pebuf, xb, sem):
        wid = lax.axis_index("s") * _NC + lax.axis_index("c")
        t0 = TT + wid * TW
        h0 = pltpu.async_copy(pe_hbm.at[pl.ds(t0, TW), :], pebuf, sem)
        h1 = pltpu.async_copy(x_hbm.at[:, pl.ds(t0, TW), :], xb, sem)
        h0.wait()
        h1.wait()

        for r in range(TW):
            def vec_body(i, carry, r=r):
                s = i * (_U * _L)
                for u in range(_U):
                    o = s + u * _L
                    pv = pebuf[r, pl.ds(o, _L)]
                    for b in range(B):
                        plsc.addupdate(xb.at[b, r, pl.ds(o, _L)], pv)
                return carry

            lax.fori_loop(0, D // (_U * _L), vec_body, 0)

        pltpu.sync_copy(xb, o_hbm.at[:, pl.ds(wid * TW, TW), :])

    return sc_add(x, pos_embed)


def kernel(x, pos_embed):
    B, T, D = x.shape
    TT = T - _TS

    sc_out = _sc_tail(x, pos_embed, B, T, D)

    tc_big = pl.pallas_call(
        _tc_body,
        grid=(1, B),
        in_specs=[
            pl.BlockSpec((1, TT, D), lambda s, b: (b, s, 0)),
            pl.BlockSpec((TT, D), lambda s, b: (s, 0)),
        ],
        out_specs=pl.BlockSpec((1, TT, D), lambda s, b: (b, s, 0)),
        out_shape=jax.ShapeDtypeStruct((B, T, D), x.dtype),
    )(x, pos_embed)

    return lax.dynamic_update_slice(tc_big, sc_out, (0, TT, 0))

# --- scband reference (transcript-rebuilt; emitter-appended) ---
"""Pipeline reference for scband-learned-positional-encoding-24352464570219 (READ-ONLY COPY).

The authoritative reference and input builder live on the scoring server;
editing this copy changes nothing except your own understanding.
"""

import jax, jax.numpy as jnp
import numpy as np

N_EMBED = 1024
MAX_SEQ_LEN = 2048
BATCH = 4
SEQ = 2048

def setup_inputs(seed: int = 0) -> dict:
    key = jax.random.key(seed)
    kx, kw = jax.random.split(key)
    x = jax.random.normal(kx, (BATCH, SEQ, N_EMBED), dtype=jnp.float32)
    # learned positional embedding table, init normal(0, 0.02) like the torch module
    pos_embed = 0.02 * jax.random.normal(kw, (MAX_SEQ_LEN, N_EMBED), dtype=jnp.float32)
    return {"x": x, "pos_embed": pos_embed}

def reference(x, pos_embed):
    # positions = arange(T).unsqueeze(0); pos_embed(positions) -> [1, T, n_embed]
    T = x.shape[1]
    positions = jnp.arange(T)
    pe = jnp.take(pos_embed, positions, axis=0)[None, :, :]  # [1, T, n_embed]
    # dropout is identity in eval mode
    return x + pe

if __name__ == "__main__":
    import jax
    _d = setup_inputs()
    print(jax.jit(kernel)(*tuple(_d.values())))

</pallas_src>

<mosaic_0001>
#map = affine_map<(d0, d1) -> (0, 0, 0)>
#map1 = affine_map<(d0, d1) -> (0, 0)>
module attributes {stable_mosaic.version = 14 : i64} {
  func.func @sc_add(%arg0: i32, %arg1: i32, %arg2: memref<4x2048x1024xf32, #tpu.memory_space<hbm>>, %arg3: memref<2048x1024xf32, #tpu.memory_space<hbm>>, %arg4: memref<4x256x1024xf32, #tpu.memory_space<hbm>>, %arg5: memref<8x1024xf32, #tpu.memory_space<vmem>>, %arg6: memref<4x8x1024xf32, #tpu.memory_space<vmem>>, %arg7: memref<!tpu.dma_semaphore, #tpu.memory_space<semaphore_mem>>) attributes {dimension_semantics = [#tpu.dimension_semantics<core_parallel>, #tpu.dimension_semantics<subcore_parallel>], iteration_bounds = array<i64: 2, 16>, scalar_prefetch = 0 : i64, scratch_operands = 3 : i64, tpu.core_type = #tpu.core_type<sc_vector_subcore>, window_params = [{transform_indices = #map}, {transform_indices = #map1}, {transform_indices = #map}]} {
    %mul3A = arith.constant 2 : i32
    %mul3A_0 = arith.muli %arg1, %mul3A : i32
    %add3A = arith.addi %mul3A_0, %arg0 : i32
    %mul3A_1 = arith.constant 8 : i32
    %mul3A_2 = arith.muli %add3A, %mul3A_1 : i32
    %add3A_3 = arith.constant 1792 : i32
    %add3A_4 = arith.addi %add3A_3, %mul3A_2 : i32
    %dma_start3A = arith.constant 0 : i32
    %dma_start3A_5 = tpu.memref_slice %arg3[%add3A_4, %dma_start3A] : memref<2048x1024xf32, #tpu.memory_space<hbm>> -> memref<8x1024xf32, #tpu.memory_space<hbm>>
    %dma_start3A_6 = arith.constant 0 : i32
    %dma_start3A_7 = tpu.memref_slice %arg3[%add3A_4, %dma_start3A_6] : memref<2048x1024xf32, #tpu.memory_space<hbm>> -> memref<8x1024xf32, #tpu.memory_space<hbm>>
    tpu.enqueue_dma source(%dma_start3A_7 : memref<8x1024xf32, #tpu.memory_space<hbm>>) target(%arg5 : memref<8x1024xf32, #tpu.memory_space<vmem>>) target_semaphore(%arg7 : memref<!tpu.dma_semaphore, #tpu.memory_space<semaphore_mem>>)
    %dma_start3A_8 = arith.constant 0 : i32
    %dma_start3A_9 = arith.constant 0 : i32
    %dma_start3A_10 = tpu.memref_slice %arg2[%dma_start3A_8, %add3A_4, %dma_start3A_9] : memref<4x2048x1024xf32, #tpu.memory_space<hbm>> -> memref<4x8x1024xf32, #tpu.memory_space<hbm>>
    %dma_start3A_11 = arith.constant 0 : i32
    %dma_start3A_12 = arith.constant 0 : i32
    %dma_start3A_13 = tpu.memref_slice %arg2[%dma_start3A_11, %add3A_4, %dma_start3A_12] : memref<4x2048x1024xf32, #tpu.memory_space<hbm>> -> memref<4x8x1024xf32, #tpu.memory_space<hbm>>
    tpu.enqueue_dma source(%dma_start3A_13 : memref<4x8x1024xf32, #tpu.memory_space<hbm>>) target(%arg6 : memref<4x8x1024xf32, #tpu.memory_space<vmem>>) target_semaphore(%arg7 : memref<!tpu.dma_semaphore, #tpu.memory_space<semaphore_mem>>)
    %dma_wait3A = arith.constant 0 : i32
    %dma_wait3A_14 = tpu.memref_slice %arg3[%add3A_4, %dma_wait3A] : memref<2048x1024xf32, #tpu.memory_space<hbm>> -> memref<8x1024xf32, #tpu.memory_space<hbm>>
    %dma_wait3A_15 = arith.constant 0 : i32
    %dma_wait3A_16 = tpu.memref_slice %arg3[%add3A_4, %dma_wait3A_15] : memref<2048x1024xf32, #tpu.memory_space<hbm>> -> memref<8x1024xf32, #tpu.memory_space<hbm>>
    tpu.wait_dma2 semaphore(%arg7 : memref<!tpu.dma_semaphore, #tpu.memory_space<semaphore_mem>>) src(%dma_wait3A_16 : memref<8x1024xf32, #tpu.memory_space<hbm>>) dst(%arg5 : memref<8x1024xf32, #tpu.memory_space<vmem>>)
    %dma_wait3A_17 = arith.constant 0 : i32
    %dma_wait3A_18 = arith.constant 0 : i32
    %dma_wait3A_19 = tpu.memref_slice %arg2[%dma_wait3A_17, %add3A_4, %dma_wait3A_18] : memref<4x2048x1024xf32, #tpu.memory_space<hbm>> -> memref<4x8x1024xf32, #tpu.memory_space<hbm>>
    %dma_wait3A_20 = arith.constant 0 : i32
    %dma_wait3A_21 = arith.constant 0 : i32
    %dma_wait3A_22 = tpu.memref_slice %arg2[%dma_wait3A_20, %add3A_4, %dma_wait3A_21] : memref<4x2048x1024xf32, #tpu.memory_space<hbm>> -> memref<4x8x1024xf32, #tpu.memory_space<hbm>>
    tpu.wait_dma2 semaphore(%arg7 : memref<!tpu.dma_semaphore, #tpu.memory_space<semaphore_mem>>) src(%dma_wait3A_22 : memref<4x8x1024xf32, #tpu.memory_space<hbm>>) dst(%arg6 : memref<4x8x1024xf32, #tpu.memory_space<vmem>>)
    %scan3A = arith.constant 0 : i32
    %scan3A_23 = arith.constant 0 : i32
    %scan3A_24 = arith.constant 8 : i32
    %scan3A_25 = arith.addi %scan3A_23, %scan3A_24 : i32
    %scan3A_26 = arith.constant 1 : i32
    scf.for %scan3A_72 = %scan3A_23 to %scan3A_25 step %scan3A_26  : i32 {
      %mul3A_73 = arith.constant 128 : i32
      %mul3A_74 = arith.muli %scan3A_72, %mul3A_73 : i32
      %add3A_75 = arith.constant 0 : i32
      %add3A_76 = arith.addi %mul3A_74, %add3A_75 : i32
      %get3A = arith.constant 0 : i32
      %get3A_77 = arith.index_cast %get3A : i32 to index
      %get3A_78 = arith.index_cast %add3A_76 : i32 to index
      %get3A_79 = tpu.vector_load %arg5[%get3A_77, %get3A_78] {strides = array<i32>} : memref<8x1024xf32, #tpu.memory_space<vmem>>, vector<1x16xf32>,
      %get3A_80 = vector.shape_cast %get3A_79 : vector<1x16xf32> to vector<16xf32>
      %swap3A = arith.constant 0 : i32
      %swap3A_81 = arith.constant 0 : i32
      %swap3A_82 = arith.index_cast %swap3A : i32 to index
      %swap3A_83 = arith.index_cast %swap3A_81 : i32 to index
      %swap3A_84 = arith.index_cast %add3A_76 : i32 to index
      %swap3A_85 = tpu.vector_load %arg6[%swap3A_82, %swap3A_83, %swap3A_84] {strides = array<i32>} : memref<4x8x1024xf32, #tpu.memory_space<vmem>>, vector<1x1x16xf32>,
      %swap3A_86 = vector.shape_cast %swap3A_85 : vector<1x1x16xf32> to vector<16xf32>
      %swap3A_87 = vector.shape_cast %get3A_80 : vector<16xf32> to vector<1x1x16xf32>
      tpu.vector_store %arg6[%swap3A_82, %swap3A_83, %swap3A_84], %swap3A_87 {add = true, strides = array<i32>} : memref<4x8x1024xf32, #tpu.memory_space<vmem>>, vector<1x1x16xf32>,
      %swap3A_88 = arith.constant 1 : i32
      %swap3A_89 = arith.constant 0 : i32
      %swap3A_90 = arith.index_cast %swap3A_88 : i32 to index
      %swap3A_91 = arith.index_cast %swap3A_89 : i32 to index
      %swap3A_92 = arith.index_cast %add3A_76 : i32 to index
      %swap3A_93 = tpu.vector_load %arg6[%swap3A_90, %swap3A_91, %swap3A_92] {strides = array<i32>} : memref<4x8x1024xf32, #tpu.memory_space<vmem>>, vector<1x1x16xf32>,
      %swap3A_94 = vector.shape_cast %swap3A_93 : vector<1x1x16xf32> to vector<16xf32>
      %swap3A_95 = vector.shape_cast %get3A_80 : vector<16xf32> to vector<1x1x16xf32>
      tpu.vector_store %arg6[%swap3A_90, %swap3A_91, %swap3A_92], %swap3A_95 {add = true, strides = array<i32>} : memref<4x8x1024xf32, #tpu.memory_space<vmem>>, vector<1x1x16xf32>,
      %swap3A_96 = arith.constant 2 : i32
      %swap3A_97 = arith.constant 0 : i32
      %swap3A_98 = arith.index_cast %swap3A_96 : i32 to index
      %swap3A_99 = arith.index_cast %swap3A_97 : i32 to index
      %swap3A_100 = arith.index_cast %add3A_76 : i32 to index
      %swap3A_101 = tpu.vector_load %arg6[%swap3A_98, %swap3A_99, %swap3A_100] {strides = array<i32>} : memref<4x8x1024xf32, #tpu.memory_space<vmem>>, vector<1x1x16xf32>,
      %swap3A_102 = vector.shape_cast %swap3A_101 : vector<1x1x16xf32> to vector<16xf32>
      %swap3A_103 = vector.shape_cast %get3A_80 : vector<16xf32> to vector<1x1x16xf32>
      tpu.vector_store %arg6[%swap3A_98, %swap3A_99, %swap3A_100], %swap3A_103 {add = true, strides = array<i32>} : memref<4x8x1024xf32, #tpu.memory_space<vmem>>, vector<1x1x16xf32>,
      %swap3A_104 = arith.constant 3 : i32
      %swap3A_105 = arith.constant 0 : i32
      %swap3A_106 = arith.index_cast %swap3A_104 : i32 to index
      %swap3A_107 = arith.index_cast %swap3A_105 : i32 to index
      %swap3A_108 = arith.index_cast %add3A_76 : i32 to index
      %swap3A_109 = tpu.vector_load %arg6[%swap3A_106, %swap3A_107, %swap3A_108] {strides = array<i32>} : memref<4x8x1024xf32, #tpu.memory_space<vmem>>, vector<1x1x16xf32>,
      %swap3A_110 = vector.shape_cast %swap3A_109 : vector<1x1x16xf32> to vector<16xf32>
      %swap3A_111 = vector.shape_cast %get3A_80 : vector<16xf32> to vector<1x1x16xf32>
      tpu.vector_store %arg6[%swap3A_106, %swap3A_107, %swap3A_108], %swap3A_111 {add = true, strides = array<i32>} : memref<4x8x1024xf32, #tpu.memory_space<vmem>>, vector<1x1x16xf32>,
      %add3A_112 = arith.constant 16 : i32
      %add3A_113 = arith.addi %mul3A_74, %add3A_112 : i32
      %get3A_114 = arith.constant 0 : i32
      %get3A_115 = arith.index_cast %get3A_114 : i32 to index
      %get3A_116 = arith.index_cast %add3A_113 : i32 to index
      %get3A_117 = tpu.vector_load %arg5[%get3A_115, %get3A_116] {strides = array<i32>} : memref<8x1024xf32, #tpu.memory_space<vmem>>, vector<1x16xf32>,
      %get3A_118 = vector.shape_cast %get3A_117 : vector<1x16xf32> to vector<16xf32>
      %swap3A_119 = arith.constant 0 : i32
      %swap3A_120 = arith.constant 0 : i32
      %swap3A_121 = arith.index_cast %swap3A_119 : i32 to index
      %swap3A_122 = arith.index_cast %swap3A_120 : i32 to index
      %swap3A_123 = arith.index_cast %add3A_113 : i32 to index
      %swap3A_124 = tpu.vector_load %arg6[%swap3A_121, %swap3A_122, %swap3A_123] {strides = array<i32>} : memref<4x8x1024xf32, #tpu.memory_space<vmem>>, vector<1x1x16xf32>,
      %swap3A_125 = vector.shape_cast %swap3A_124 : vector<1x1x16xf32> to vector<16xf32>
      %swap3A_126 = vector.shape_cast %get3A_118 : vector<16xf32> to vector<1x1x16xf32>
      tpu.vector_store %arg6[%swap3A_121, %swap3A_122, %swap3A_123], %swap3A_126 {add = true, strides = array<i32>} : memref<4x8x1024xf32, #tpu.memory_space<vmem>>, vector<1x1x16xf32>,
      %swap3A_127 = arith.constant 1 : i32
      %swap3A_128 = arith.constant 0 : i32
      %swap3A_129 = arith.index_cast %swap3A_127 : i32 to index
      %swap3A_130 = arith.index_cast %swap3A_128 : i32 to index
      %swap3A_131 = arith.index_cast %add3A_113 : i32 to index
      %swap3A_132 = tpu.vector_load %arg6[%swap3A_129, %swap3A_130, %swap3A_131] {strides = array<i32>} : memref<4x8x1024xf32, #tpu.memory_space<vmem>>, vector<1x1x16xf32>,
      %swap3A_133 = vector.shape_cast %swap3A_132 : vector<1x1x16xf32> to vector<16xf32>
      %swap3A_134 = vector.shape_cast %get3A_118 : vector<16xf32> to vector<1x1x16xf32>
      tpu.vector_store %arg6[%swap3A_129, %swap3A_130, %swap3A_131], %swap3A_134 {add = true, strides = array<i32>} : memref<4x8x1024xf32, #tpu.memory_space<vmem>>, vector<1x1x16xf32>,
      %swap3A_135 = arith.constant 2 : i32
      %swap3A_136 = arith.constant 0 : i32
      %swap3A_137 = arith.index_cast %swap3A_135 : i32 to index
      %swap3A_138 = arith.index_cast %swap3A_136 : i32 to index
      %swap3A_139 = arith.index_cast %add3A_113 : i32 to index
      %swap3A_140 = tpu.vector_load %arg6[%swap3A_137, %swap3A_138, %swap3A_139] {strides = array<i32>} : memref<4x8x1024xf32, #tpu.memory_space<vmem>>, vector<1x1x16xf32>,
      %swap3A_141 = vector.shape_cast %swap3A_140 : vector<1x1x16xf32> to vector<16xf32>
      %swap3A_142 = vector.shape_cast %get3A_118 : vector<16xf32> to vector<1x1x16xf32>
      tpu.vector_store %arg6[%swap3A_137, %swap3A_138, %swap3A_139], %swap3A_142 {add = true, strides = array<i32>} : memref<4x8x1024xf32, #tpu.memory_space<vmem>>, vector<1x1x16xf32>,
      %swap3A_143 = arith.constant 3 : i32
      %swap3A_144 = arith.constant 0 : i32
      %swap3A_145 = arith.index_cast %swap3A_143 : i32 to index
      %swap3A_146 = arith.index_cast %swap3A_144 : i32 to index
      %swap3A_147 = arith.index_cast %add3A_113 : i32 to index
      %swap3A_148 = tpu.vector_load %arg6[%swap3A_145, %swap3A_146, %swap3A_147] {strides = array<i32>} : memref<4x8x1024xf32, #tpu.memory_space<vmem>>, vector<1x1x16xf32>,
      %swap3A_149 = vector.shape_cast %swap3A_148 : vector<1x1x16xf32> to vector<16xf32>
      %swap3A_150 = vector.shape_cast %get3A_118 : vector<16xf32> to vector<1x1x16xf32>
      tpu.vector_store %arg6[%swap3A_145, %swap3A_146, %swap3A_147], %swap3A_150 {add = true, strides = array<i32>} : memref<4x8x1024xf32, #tpu.memory_space<vmem>>, vector<1x1x16xf32>,
      %add3A_151 = arith.constant 32 : i32
      %add3A_152 = arith.addi %mul3A_74, %add3A_151 : i32
      %get3A_153 = arith.constant 0 : i32
      %get3A_154 = arith.index_cast %get3A_153 : i32 to index
      %get3A_155 = arith.index_cast %add3A_152 : i32 to index
      %get3A_156 = tpu.vector_load %arg5[%get3A_154, %get3A_155] {strides = array<i32>} : memref<8x1024xf32, #tpu.memory_space<vmem>>, vector<1x16xf32>,
      %get3A_157 = vector.shape_cast %get3A_156 : vector<1x16xf32> to vector<16xf32>
      %swap3A_158 = arith.constant 0 : i32
      %swap3A_159 = arith.constant 0 : i32
      %swap3A_160 = arith.index_cast %swap3A_158 : i32 to index
      %swap3A_161 = arith.index_cast %swap3A_159 : i32 to index
      %swap3A_162 = arith.index_cast %add3A_152 : i32 to index
      %swap3A_163 = tpu.vector_load %arg6[%swap3A_160, %swap3A_161, %swap3A_162] {strides = array<i32>} : memref<4x8x1024xf32, #tpu.memory_space<vmem>>, vector<1x1x16xf32>,
      %swap3A_164 = vector.shape_cast %swap3A_163 : vector<1x1x16xf32> to vector<16xf32>
      %swap3A_165 = vector.shape_cast %get3A_157 : vector<16xf32> to vector<1x1x16xf32>
      tpu.vector_store %arg6[%swap3A_160, %swap3A_161, %swap3A_162], %swap3A_165 {add = true, strides = array<i32>} : memref<4x8x1024xf32, #tpu.memory_space<vmem>>, vector<1x1x16xf32>,
      %swap3A_166 = arith.constant 1 : i32
      %swap3A_167 = arith.constant 0 : i32
      %swap3A_168 = arith.index_cast %swap3A_166 : i32 to index
      %swap3A_169 = arith.index_cast %swap3A_167 : i32 to index
      %swap3A_170 = arith.index_cast %add3A_152 : i32 to index
      %swap3A_171 = tpu.vector_load %arg6[%swap3A_168, %swap3A_169, %swap3A_170] {strides = array<i32>} : memref<4x8x1024xf32, #tpu.memory_space<vmem>>, vector<1x1x16xf32>,
      %swap3A_172 = vector.shape_cast %swap3A_171 : vector<1x1x16xf32> to vector<16xf32>
      %swap3A_173 = vector.shape_cast %get3A_157 : vector<16xf32> to vector<1x1x16xf32>
      tpu.vector_store %arg6[%swap3A_168, %swap3A_169, %swap3A_170], %swap3A_173 {add = true, strides = array<i32>} : memref<4x8x1024xf32, #tpu.memory_space<vmem>>, vector<1x1x16xf32>,
      %swap3A_174 = arith.constant 2 : i32
      %swap3A_175 = arith.constant 0 : i32
      %swap3A_176 = arith.index_cast %swap3A_174 : i32 to index
      %swap3A_177 = arith.index_cast %swap3A_175 : i32 to index
      %swap3A_178 = arith.index_cast %add3A_152 : i32 to index
      %swap3A_179 = tpu.vector_load %arg6[%swap3A_176, %swap3A_177, %swap3A_178] {strides = array<i32>} : memref<4x8x1024xf32, #tpu.memory_space<vmem>>, vector<1x1x16xf32>,
      %swap3A_180 = vector.shape_cast %swap3A_179 : vector<1x1x16xf32> to vector<16xf32>
      %swap3A_181 = vector.shape_cast %get3A_157 : vector<16xf32> to vector<1x1x16xf32>
      tpu.vector_store %arg6[%swap3A_176, %swap3A_177, %swap3A_178], %swap3A_181 {add = true, strides = array<i32>} : memref<4x8x1024xf32, #tpu.memory_space<vmem>>, vector<1x1x16xf32>,
      %swap3A_182 = arith.constant 3 : i32
      %swap3A_183 = arith.constant 0 : i32
      %swap3A_184 = arith.index_cast %swap3A_182 : i32 to index
      %swap3A_185 = arith.index_cast %swap3A_183 : i32 to index
      %swap3A_186 = arith.index_cast %add3A_152 : i32 to index
      %swap3A_187 = tpu.vector_load %arg6[%swap3A_184, %swap3A_185, %swap3A_186] {strides = array<i32>} : memref<4x8x1024xf32, #tpu.memory_space<vmem>>, vector<1x1x16xf32>,
      %swap3A_188 = vector.shape_cast %swap3A_187 : vector<1x1x16xf32> to vector<16xf32>
      %swap3A_189 = vector.shape_cast %get3A_157 : vector<16xf32> to vector<1x1x16xf32>
      tpu.vector_store %arg6[%swap3A_184, %swap3A_185, %swap3A_186], %swap3A_189 {add = true, strides = array<i32>} : memref<4x8x1024xf32, #tpu.memory_space<vmem>>, vector<1x1x16xf32>,
      %add3A_190 = arith.constant 48 : i32
      %add3A_191 = arith.addi %mul3A_74, %add3A_190 : i32
      %get3A_192 = arith.constant 0 : i32
      %get3A_193 = arith.index_cast %get3A_192 : i32 to index
      %get3A_194 = arith.index_cast %add3A_191 : i32 to index
      %get3A_195 = tpu.vector_load %arg5[%get3A_193, %get3A_194] {strides = array<i32>} : memref<8x1024xf32, #tpu.memory_space<vmem>>, vector<1x16xf32>,
      %get3A_196 = vector.shape_cast %get3A_195 : vector<1x16xf32> to vector<16xf32>
      %swap3A_197 = arith.constant 0 : i32
      %swap3A_198 = arith.constant 0 : i32
      %swap3A_199 = arith.index_cast %swap3A_197 : i32 to index
      %swap3A_200 = arith.index_cast %swap3A_198 : i32 to index
      %swap3A_201 = arith.index_cast %add3A_191 : i32 to index
      %swap3A_202 = tpu.vector_load %arg6[%swap3A_199, %swap3A_200, %swap3A_201] {strides = array<i32>} : memref<4x8x1024xf32, #tpu.memory_space<vmem>>, vector<1x1x16xf32>,
      %swap3A_203 = vector.shape_cast %swap3A_202 : vector<1x1x16xf32> to vector<16xf32>
      %swap3A_204 = vector.shape_cast %get3A_196 : vector<16xf32> to vector<1x1x16xf32>
      tpu.vector_store %arg6[%swap3A_199, %swap3A_200, %swap3A_201], %swap3A_204 {add = true, strides = array<i32>} : memref<4x8x1024xf32, #tpu.memory_space<vmem>>, vector<1x1x16xf32>,
      %swap3A_205 = arith.constant 1 : i32
      %swap3A_206 = arith.constant 0 : i32
      %swap3A_207 = arith.index_cast %swap3A_205 : i32 to index
      %swap3A_208 = arith.index_cast %swap3A_206 : i32 to index
      %swap3A_209 = arith.index_cast %add3A_191 : i32 to index
      %swap3A_210 = tpu.vector_load %arg6[%swap3A_207, %swap3A_208, %swap3A_209] {strides = array<i32>} : memref<4x8x1024xf32, #tpu.memory_space<vmem>>, vector<1x1x16xf32>,
      %swap3A_211 = vector.shape_cast %swap3A_210 : vector<1x1x16xf32> to vector<16xf32>
      %swap3A_212 = vector.shape_cast %get3A_196 : vector<16xf32> to vector<1x1x16xf32>
      tpu.vector_store %arg6[%swap3A_207, %swap3A_208, %swap3A_209], %swap3A_212 {add = true, strides = array<i32>} : memref<4x8x1024xf32, #tpu.memory_space<vmem>>, vector<1x1x16xf32>,
      %swap3A_213 = arith.constant 2 : i32
      %swap3A_214 = arith.constant 0 : i32
      %swap3A_215 = arith.index_cast %swap3A_213 : i32 to index
      %swap3A_216 = arith.index_cast %swap3A_214 : i32 to index
      %swap3A_217 = arith.index_cast %add3A_191 : i32 to index
      %swap3A_218 = tpu.vector_load %arg6[%swap3A_215, %swap3A_216, %swap3A_217] {strides = array<i32>} : memref<4x8x1024xf32, #tpu.memory_space<vmem>>, vector<1x1x16xf32>,
      %swap3A_219 = vector.shape_cast %swap3A_218 : vector<1x1x16xf32> to vector<16xf32>
      %swap3A_220 = vector.shape_cast %get3A_196 : vector<16xf32> to vector<1x1x16xf32>
      tpu.vector_store %arg6[%swap3A_215, %swap3A_216, %swap3A_217], %swap3A_220 {add = true, strides = array<i32>} : memref<4x8x1024xf32, #tpu.memory_space<vmem>>, vector<1x1x16xf32>,
      %swap3A_221 = arith.constant 3 : i32
      %swap3A_222 = arith.constant 0 : i32
      %swap3A_223 = arith.index_cast %swap3A_221 : i32 to index
      %swap3A_224 = arith.index_cast %swap3A_222 : i32 to index
      %swap3A_225 = arith.index_cast %add3A_191 : i32 to index
      %swap3A_226 = tpu.vector_load %arg6[%swap3A_223, %swap3A_224, %swap3A_225] {strides = array<i32>} : memref<4x8x1024xf32, #tpu.memory_space<vmem>>, vector<1x1x16xf32>,
      %swap3A_227 = vector.shape_cast %swap3A_226 : vector<1x1x16xf32> to vector<16xf32>
      %swap3A_228 = vector.shape_cast %get3A_196 : vector<16xf32> to vector<1x1x16xf32>
      tpu.vector_store %arg6[%swap3A_223, %swap3A_224, %swap3A_225], %swap3A_228 {add = true, strides = array<i32>} : memref<4x8x1024xf32, #tpu.memory_space<vmem>>, vector<1x1x16xf32>,
      %add3A_229 = arith.constant 64 : i32
      %add3A_230 = arith.addi %mul3A_74, %add3A_229 : i32
      %get3A_231 = arith.constant 0 : i32
      %get3A_232 = arith.index_cast %get3A_231 : i32 to index
      %get3A_233 = arith.index_cast %add3A_230 : i32 to index
      %get3A_234 = tpu.vector_load %arg5[%get3A_232, %get3A_233] {strides = array<i32>} : memref<8x1024xf32, #tpu.memory_space<vmem>>, vector<1x16xf32>,
      %get3A_235 = vector.shape_cast %get3A_234 : vector<1x16xf32> to vector<16xf32>
      %swap3A_236 = arith.constant 0 : i32
      %swap3A_237 = arith.constant 0 : i32
      %swap3A_238 = arith.index_cast %swap3A_236 : i32 to index
      %swap3A_239 = arith.index_cast %swap3A_237 : i32 to index
      %swap3A_240 = arith.index_cast %add3A_230 : i32 to index
      %swap3A_241 = tpu.vector_load %arg6[%swap3A_238, %swap3A_239, %swap3A_240] {strides = array<i32>} : memref<4x8x1024xf32, #tpu.memory_space<vmem>>, vector<1x1x16xf32>,
      %swap3A_242 = vector.shape_cast %swap3A_241 : vector<1x1x16xf32> to vector<16xf32>
      %swap3A_243 = vector.shape_cast %get3A_235 : vector<16xf32> to vector<1x1x16xf32>
      tpu.vector_store %arg6[%swap3A_238, %swap3A_239, %swap3A_240], %swap3A_243 {add = true, strides = array<i32>} : memref<4x8x1024xf32, #tpu.memory_space<vmem>>, vector<1x1x16xf32>,
      %swap3A_244 = arith.constant 1 : i32
      %swap3A_245 = arith.constant 0 : i32
      %swap3A_246 = arith.index_cast %swap3A_244 : i32 to index
      %swap3A_247 = arith.index_cast %swap3A_245 : i32 to index
      %swap3A_248 = arith.index_cast %add3A_230 : i32 to index
      %swap3A_249 = tpu.vector_load %arg6[%swap3A_246, %swap3A_247, %swap3A_248] {strides = array<i32>} : memref<4x8x1024xf32, #tpu.memory_space<vmem>>, vector<1x1x16xf32>,
      %swap3A_250 = vector.shape_cast %swap3A_249 : vector<1x1x16xf32> to vector<16xf32>
      %swap3A_251 = vector.shape_cast %get3A_235 : vector<16xf32> to vector<1x1x16xf32>
      tpu.vector_store %arg6[%swap3A_246, %swap3A_247, %swap3A_248], %swap3A_251 {add = true, strides = array<i32>} : memref<4x8x1024xf32, #tpu.memory_space<vmem>>, vector<1x1x16xf32>,
      %swap3A_252 = arith.constant 2 : i32
      %swap3A_253 = arith.constant 0 : i32
      %swap3A_254 = arith.index_cast %swap3A_252 : i32 to index
      %swap3A_255 = arith.index_cast %swap3A_253 : i32 to index
      %swap3A_256 = arith.index_cast %add3A_230 : i32 to index
      %swap3A_257 = tpu.vector_load %arg6[%swap3A_254, %swap3A_255, %swap3A_256] {strides = array<i32>} : memref<4x8x1024xf32, #tpu.memory_space<vmem>>, vector<1x1x16xf32>,
      %swap3A_258 = vector.shape_cast %swap3A_257 : vector<1x1x16xf32> to vector<16xf32>
      %swap3A_259 = vector.shape_cast %get3A_235 : vector<16xf32> to vector<1x1x16xf32>
      tpu.vector_store %arg6[%swap3A_254, %swap3A_255, %swap3A_256], %swap3A_259 {add = true, strides = array<i32>} : memref<4x8x1024xf32, #tpu.memory_space<vmem>>, vector<1x1x16xf32>,
      %swap3A_260 = arith.constant 3 : i32
      %swap3A_261 = arith.constant 0 : i32
      %swap3A_262 = arith.index_cast %swap3A_260 : i32 to index
      %swap3A_263 = arith.index_cast %swap3A_261 : i32 to index
      %swap3A_264 = arith.index_cast %add3A_230 : i32 to index
      %swap3A_265 = tpu.vector_load %arg6[%swap3A_262, %swap3A_263, %swap3A_264] {strides = array<i32>} : memref<4x8x1024xf32, #tpu.memory_space<vmem>>, vector<1x1x16xf32>,
      %swap3A_266 = vector.shape_cast %swap3A_265 : vector<1x1x16xf32> to vector<16xf32>
      %swap3A_267 = vector.shape_cast %get3A_235 : vector<16xf32> to vector<1x1x16xf32>
      tpu.vector_store %arg6[%swap3A_262, %swap3A_263, %swap3A_264], %swap3A_267 {add = true, strides = array<i32>} : memref<4x8x1024xf32, #tpu.memory_space<vmem>>, vector<1x1x16xf32>,
      %add3A_268 = arith.constant 80 : i32
      %add3A_269 = arith.addi %mul3A_74, %add3A_268 : i32
      %get3A_270 = arith.constant 0 : i32
      %get3A_271 = arith.index_cast %get3A_270 : i32 to index
      %get3A_272 = arith.index_cast %add3A_269 : i32 to index
      %get3A_273 = tpu.vector_load %arg5[%get3A_271, %get3A_272] {strides = array<i32>} : memref<8x1024xf32, #tpu.memory_space<vmem>>, vector<1x16xf32>,
      %get3A_274 = vector.shape_cast %get3A_273 : vector<1x16xf32> to vector<16xf32>
      %swap3A_275 = arith.constant 0 : i32
      %swap3A_276 = arith.constant 0 : i32
      %swap3A_277 = arith.index_cast %swap3A_275 : i32 to index
      %swap3A_278 = arith.index_cast %swap3A_276 : i32 to index
      %swap3A_279 = arith.index_cast %add3A_269 : i32 to index
      %swap3A_280 = tpu.vector_load %arg6[%swap3A_277, %swap3A_278, %swap3A_279] {strides = array<i32>} : memref<4x8x1024xf32, #tpu.memory_space<vmem>>, vector<1x1x16xf32>,
      %swap3A_281 = vector.shape_cast %swap3A_280 : vector<1x1x16xf32> to vector<16xf32>
      %swap3A_282 = vector.shape_cast %get3A_274 : vector<16xf32> to vector<1x1x16xf32>
      tpu.vector_store %arg6[%swap3A_277, %swap3A_278, %swap3A_279], %swap3A_282 {add = true, strides = array<i32>} : memref<4x8x1024xf32, #tpu.memory_space<vmem>>, vector<1x1x16xf32>,
      %swap3A_283 = arith.constant 1 : i32
      %swap3A_284 = arith.constant 0 : i32
      %swap3A_285 = arith.index_cast %swap3A_283 : i32 to index
      %swap3A_286 = arith.index_cast %swap3A_284 : i32 to index
      %swap3A_287 = arith.index_cast %add3A_269 : i32 to index
      %swap3A_288 = tpu.vector_load %arg6[%swap3A_285, %swap3A_286, %swap3A_287] {strides = array<i32>} : memref<4x8x1024xf32, #tpu.memory_space<vmem>>, vector<1x1x16xf32>,
      %swap3A_289 = vector.shape_cast %swap3A_288 : vector<1x1x16xf32> to vector<16xf32>
      %swap3A_290 = vector.shape_cast %get3A_274 : vector<16xf32> to vector<1x1x16xf32>
      tpu.vector_store %arg6[%swap3A_285, %swap3A_286, %swap3A_287], %swap3A_290 {add = true, strides = array<i32>} : memref<4x8x1024xf32, #tpu.memory_space<vmem>>, vector<1x1x16xf32>,
      %swap3A_291 = arith.constant 2 : i32
      %swap3A_292 = arith.constant 0 : i32
      %swap3A_293 = arith.index_cast %swap3A_291 : i32 to index
      %swap3A_294 = arith.index_cast %swap3A_292 : i32 to index
      %swap3A_295 = arith.index_cast %add3A_269 : i32 to index
      %swap3A_296 = tpu.vector_load %arg6[%swap3A_293, %swap3A_294, %swap3A_295] {strides = array<i32>} : memref<4x8x1024xf32, #tpu.memory_space<vmem>>, vector<1x1x16xf32>,
      %swap3A_297 = vector.shape_cast %swap3A_296 : vector<1x1x16xf32> to vector<16xf32>
      %swap3A_298 = vector.shape_cast %get3A_274 : vector<16xf32> to vector<1x1x16xf32>
      tpu.vector_store %arg6[%swap3A_293, %swap3A_294, %swap3A_295], %swap3A_298 {add = true, strides = array<i32>} : memref<4x8x1024xf32, #tpu.memory_space<vmem>>, vector<1x1x16xf32>,
      %swap3A_299 = arith.constant 3 : i32
      %swap3A_300 = arith.constant 0 : i32
      %swap3A_301 = arith.index_cast %swap3A_299 : i32 to index
      %swap3A_302 = arith.index_cast %swap3A_300 : i32 to index
      %swap3A_303 = arith.index_cast %add3A_269 : i32 to index
      %swap3A_304 = tpu.vector_load %arg6[%swap3A_301, %swap3A_302, %swap3A_303] {strides = array<i32>} : memref<4x8x1024xf32, #tpu.memory_space<vmem>>, vector<1x1x16xf32>,
      %swap3A_305 = vector.shape_cast %swap3A_304 : vector<1x1x16xf32> to vector<16xf32>
      %swap3A_306 = vector.shape_cast %get3A_274 : vector<16xf32> to vector<1x1x16xf32>
      tpu.vector_store %arg6[%swap3A_301, %swap3A_302, %swap3A_303], %swap3A_306 {add = true, strides = array<i32>} : memref<4x8x1024xf32, #tpu.memory_space<vmem>>, vector<1x1x16xf32>,
      %add3A_307 = arith.constant 96 : i32
      %add3A_308 = arith.addi %mul3A_74, %add3A_307 : i32
      %get3A_309 = arith.constant 0 : i32
      %get3A_310 = arith.index_cast %get3A_309 : i32 to index
      %get3A_311 = arith.index_cast %add3A_308 : i32 to index
      %get3A_312 = tpu.vector_load %arg5[%get3A_310, %get3A_311] {strides = array<i32>} : memref<8x1024xf32, #tpu.memory_space<vmem>>, vector<1x16xf32>,
      %get3A_313 = vector.shape_cast %get3A_312 : vector<1x16xf32> to vector<16xf32>
      %swap3A_314 = arith.constant 0 : i32
      %swap3A_315 = arith.constant 0 : i32
      %swap3A_316 = arith.index_cast %swap3A_314 : i32 to index
      %swap3A_317 = arith.index_cast %swap3A_315 : i32 to index
      %swap3A_318 = arith.index_cast %add3A_308 : i32 to index
      %swap3A_319 = tpu.vector_load %arg6[%swap3A_316, %swap3A_317, %swap3A_318] {strides = array<i32>} : memref<4x8x1024xf32, #tpu.memory_space<vmem>>, vector<1x1x16xf32>,
      %swap3A_320 = vector.shape_cast %swap3A_319 : vector<1x1x16xf32> to vector<16xf32>
      %swap3A_321 = vector.shape_cast %get3A_313 : vector<16xf32> to vector<1x1x16xf32>
      tpu.vector_store %arg6[%swap3A_316, %swap3A_317, %swap3A_318], %swap3A_321 {add = true, strides = array<i32>} : memref<4x8x1024xf32, #tpu.memory_space<vmem>>, vector<1x1x16xf32>,
      %swap3A_322 = arith.constant 1 : i32
      %swap3A_323 = arith.constant 0 : i32
      %swap3A_324 = arith.index_cast %swap3A_322 : i32 to index
      %swap3A_325 = arith.index_cast %swap3A_323 : i32 to index
      %swap3A_326 = arith.index_cast %add3A_308 : i32 to index
      %swap3A_327 = tpu.vector_load %arg6[%swap3A_324, %swap3A_325, %swap3A_326] {strides = array<i32>} : memref<4x8x1024xf32, #tpu.memory_space<vmem>>, vector<1x1x16xf32>,
      %swap3A_328 = vector.shape_cast %swap3A_327 : vector<1x1x16xf32> to vector<16xf32>
      %swap3A_329 = vector.shape_cast %get3A_313 : vector<16xf32> to vector<1x1x16xf32>
      tpu.vector_store %arg6[%swap3A_324, %swap3A_325, %swap3A_326], %swap3A_329 {add = true, strides = array<i32>} : memref<4x8x1024xf32, #tpu.memory_space<vmem>>, vector<1x1x16xf32>,
      %swap3A_330 = arith.constant 2 : i32
      %swap3A_331 = arith.constant 0 : i32
      %swap3A_332 = arith.index_cast %swap3A_330 : i32 to index
      %swap3A_333 = arith.index_cast %swap3A_331 : i32 to index
      %swap3A_334 = arith.index_cast %add3A_308 : i32 to index
      %swap3A_335 = tpu.vector_load %arg6[%swap3A_332, %swap3A_333, %swap3A_334] {strides = array<i32>} : memref<4x8x1024xf32, #tpu.memory_space<vmem>>, vector<1x1x16xf32>,
      %swap3A_336 = vector.shape_cast %swap3A_335 : vector<1x1x16xf32> to vector<16xf32>
      %swap3A_337 = vector.shape_cast %get3A_313 : vector<16xf32> to vector<1x1x16xf32>
      tpu.vector_store %arg6[%swap3A_332, %swap3A_333, %swap3A_334], %swap3A_337 {add = true, strides = array<i32>} : memref<4x8x1024xf32, #tpu.memory_space<vmem>>, vector<1x1x16xf32>,
      %swap3A_338 = arith.constant 3 : i32
      %swap3A_339 = arith.constant 0 : i32
      %swap3A_340 = arith.index_cast %swap3A_338 : i32 to index
      %swap3A_341 = arith.index_cast %swap3A_339 : i32 to index
      %swap3A_342 = arith.index_cast %add3A_308 : i32 to index
      %swap3A_343 = tpu.vector_load %arg6[%swap3A_340, %swap3A_341, %swap3A_342] {strides = array<i32>} : memref<4x8x1024xf32, #tpu.memory_space<vmem>>, vector<1x1x16xf32>,
      %swap3A_344 = vector.shape_cast %swap3A_343 : vector<1x1x16xf32> to vector<16xf32>
      %swap3A_345 = vector.shape_cast %get3A_313 : vector<16xf32> to vector<1x1x16xf32>
      tpu.vector_store %arg6[%swap3A_340, %swap3A_341, %swap3A_342], %swap3A_345 {add = true, strides = array<i32>} : memref<4x8x1024xf32, #tpu.memory_space<vmem>>, vector<1x1x16xf32>,
      %add3A_346 = arith.constant 112 : i32
      %add3A_347 = arith.addi %mul3A_74, %add3A_346 : i32
      %get3A_348 = arith.constant 0 : i32
      %get3A_349 = arith.index_cast %get3A_348 : i32 to index
      %get3A_350 = arith.index_cast %add3A_347 : i32 to index
      %get3A_351 = tpu.vector_load %arg5[%get3A_349, %get3A_350] {strides = array<i32>} : memref<8x1024xf32, #tpu.memory_space<vmem>>, vector<1x16xf32>,
      %get3A_352 = vector.shape_cast %get3A_351 : vector<1x16xf32> to vector<16xf32>
      %swap3A_353 = arith.constant 0 : i32
      %swap3A_354 = arith.constant 0 : i32
      %swap3A_355 = arith.index_cast %swap3A_353 : i32 to index
      %swap3A_356 = arith.index_cast %swap3A_354 : i32 to index
      %swap3A_357 = arith.index_cast %add3A_347 : i32 to index
      %swap3A_358 = tpu.vector_load %arg6[%swap3A_355, %swap3A_356, %swap3A_357] {strides = array<i32>} : memref<4x8x1024xf32, #tpu.memory_space<vmem>>, vector<1x1x16xf32>,
      %swap3A_359 = vector.shape_cast %swap3A_358 : vector<1x1x16xf32> to vector<16xf32>
      %swap3A_360 = vector.shape_cast %get3A_352 : vector<16xf32> to vector<1x1x16xf32>
      tpu.vector_store %arg6[%swap3A_355, %swap3A_356, %swap3A_357], %swap3A_360 {add = true, strides = array<i32>} : memref<4x8x1024xf32, #tpu.memory_space<vmem>>, vector<1x1x16xf32>,
      %swap3A_361 = arith.constant 1 : i32
      %swap3A_362 = arith.constant 0 : i32
      %swap3A_363 = arith.index_cast %swap3A_361 : i32 to index
      %swap3A_364 = arith.index_cast %swap3A_362 : i32 to index
      %swap3A_365 = arith.index_cast %add3A_347 : i32 to index
      %swap3A_366 = tpu.vector_load %arg6[%swap3A_363, %swap3A_364, %swap3A_365] {strides = array<i32>} : memref<4x8x1024xf32, #tpu.memory_space<vmem>>, vector<1x1x16xf32>,
      %swap3A_367 = vector.shape_cast %swap3A_366 : vector<1x1x16xf32> to vector<16xf32>
      %swap3A_368 = vector.shape_cast %get3A_352 : vector<16xf32> to vector<1x1x16xf32>
      tpu.vector_store %arg6[%swap3A_363, %swap3A_364, %swap3A_365], %swap3A_368 {add = true, strides = array<i32>} : memref<4x8x1024xf32, #tpu.memory_space<vmem>>, vector<1x1x16xf32>,
      %swap3A_369 = arith.constant 2 : i32
      %swap3A_370 = arith.constant 0 : i32
      %swap3A_371 = arith.index_cast %swap3A_369 : i32 to index
      %swap3A_372 = arith.index_cast %swap3A_370 : i32 to index
      %swap3A_373 = arith.index_cast %add3A_347 : i32 to index
      %swap3A_374 = tpu.vector_load %arg6[%swap3A_371, %swap3A_372, %swap3A_373] {strides = array<i32>} : memref<4x8x1024xf32, #tpu.memory_space<vmem>>, vector<1x1x16xf32>,
      %swap3A_375 = vector.shape_cast %swap3A_374 : vector<1x1x16xf32> to vector<16xf32>
      %swap3A_376 = vector.shape_cast %get3A_352 : vector<16xf32> to vector<1x1x16xf32>
      tpu.vector_store %arg6[%swap3A_371, %swap3A_372, %swap3A_373], %swap3A_376 {add = true, strides = array<i32>} : memref<4x8x1024xf32, #tpu.memory_space<vmem>>, vector<1x1x16xf32>,
      %swap3A_377 = arith.constant 3 : i32
      %swap3A_378 = arith.constant 0 : i32
      %swap3A_379 = arith.index_cast %swap3A_377 : i32 to index
      %swap3A_380 = arith.index_cast %swap3A_378 : i32 to index
      %swap3A_381 = arith.index_cast %add3A_347 : i32 to index
      %swap3A_382 = tpu.vector_load %arg6[%swap3A_379, %swap3A_380, %swap3A_381] {strides = array<i32>} : memref<4x8x1024xf32, #tpu.memory_space<vmem>>, vector<1x1x16xf32>,
      %swap3A_383 = vector.shape_cast %swap3A_382 : vector<1x1x16xf32> to vector<16xf32>
      %swap3A_384 = vector.shape_cast %get3A_352 : vector<16xf32> to vector<1x1x16xf32>
      tpu.vector_store %arg6[%swap3A_379, %swap3A_380, %swap3A_381], %swap3A_384 {add = true, strides = array<i32>} : memref<4x8x1024xf32, #tpu.memory_space<vmem>>, vector<1x1x16xf32>,
    }
    %scan3A_27 = arith.constant 8 : i32
    %scan3A_28 = arith.constant 0 : i32
    %scan3A_29 = arith.constant 0 : i32
    %scan3A_30 = arith.constant 8 : i32
    %scan3A_31 = arith.addi %scan3A_29, %scan3A_30 : i32
    %scan3A_32 = arith.constant 1 : i32
    scf.for %scan3A_72 = %scan3A_29 to %scan3A_31 step %scan3A_32  : i32 {
      %mul3A_73 = arith.constant 128 : i32
      %mul3A_74 = arith.muli %scan3A_72, %mul3A_73 : i32
      %add3A_75 = arith.constant 0 : i32
      %add3A_76 = arith.addi %mul3A_74, %add3A_75 : i32
      %get3A = arith.constant 1 : i32
      %get3A_77 = arith.index_cast %get3A : i32 to index
      %get3A_78 = arith.index_cast %add3A_76 : i32 to index
      %get3A_79 = tpu.vector_load %arg5[%get3A_77, %get3A_78] {strides = array<i32>} : memref<8x1024xf32, #tpu.memory_space<vmem>>, vector<1x16xf32>,
      %get3A_80 = vector.shape_cast %get3A_79 : vector<1x16xf32> to vector<16xf32>
      %swap3A = arith.constant 0 : i32
      %swap3A_81 = arith.constant 1 : i32
      %swap3A_82 = arith.index_cast %swap3A : i32 to index
      %swap3A_83 = arith.index_cast %swap3A_81 : i32 to index
      %swap3A_84 = arith.index_cast %add3A_76 : i32 to index
      %swap3A_85 = tpu.vector_load %arg6[%swap3A_82, %swap3A_83, %swap3A_84] {strides = array<i32>} : memref<4x8x1024xf32, #tpu.memory_space<vmem>>, vector<1x1x16xf32>,
      %swap3A_86 = vector.shape_cast %swap3A_85 : vector<1x1x16xf32> to vector<16xf32>
      %swap3A_87 = vector.shape_cast %get3A_80 : vector<16xf32> to vector<1x1x16xf32>
      tpu.vector_store %arg6[%swap3A_82, %swap3A_83, %swap3A_84], %swap3A_87 {add = true, strides = array<i32>} : memref<4x8x1024xf32, #tpu.memory_space<vmem>>, vector<1x1x16xf32>,
      %swap3A_88 = arith.constant 1 : i32
      %swap3A_89 = arith.constant 1 : i32
      %swap3A_90 = arith.index_cast %swap3A_88 : i32 to index
      %swap3A_91 = arith.index_cast %swap3A_89 : i32 to index
      %swap3A_92 = arith.index_cast %add3A_76 : i32 to index
      %swap3A_93 = tpu.vector_load %arg6[%swap3A_90, %swap3A_91, %swap3A_92] {strides = array<i32>} : memref<4x8x1024xf32, #tpu.memory_space<vmem>>, vector<1x1x16xf32>,
      %swap3A_94 = vector.shape_cast %swap3A_93 : vector<1x1x16xf32> to vector<16xf32>
      %swap3A_95 = vector.shape_cast %get3A_80 : vector<16xf32> to vector<1x1x16xf32>
      tpu.vector_store %arg6[%swap3A_90, %swap3A_91, %swap3A_92], %swap3A_95 {add = true, strides = array<i32>} : memref<4x8x1024xf32, #tpu.memory_space<vmem>>, vector<1x1x16xf32>,
      %swap3A_96 = arith.constant 2 : i32
      %swap3A_97 = arith.constant 1 : i32
      %swap3A_98 = arith.index_cast %swap3A_96 : i32 to index
      %swap3A_99 = arith.index_cast %swap3A_97 : i32 to index
      %swap3A_100 = arith.index_cast %add3A_76 : i32 to index
      %swap3A_101 = tpu.vector_load %arg6[%swap3A_98, %swap3A_99, %swap3A_100] {strides = array<i32>} : memref<4x8x1024xf32, #tpu.memory_space<vmem>>, vector<1x1x16xf32>,
      %swap3A_102 = vector.shape_cast %swap3A_101 : vector<1x1x16xf32> to vector<16xf32>
      %swap3A_103 = vector.shape_cast %get3A_80 : vector<16xf32> to vector<1x1x16xf32>
      tpu.vector_store %arg6[%swap3A_98, %swap3A_99, %swap3A_100], %swap3A_103 {add = true, strides = array<i32>} : memref<4x8x1024xf32, #tpu.memory_space<vmem>>, vector<1x1x16xf32>,
      %swap3A_104 = arith.constant 3 : i32
      %swap3A_105 = arith.constant 1 : i32
      %swap3A_106 = arith.index_cast %swap3A_104 : i32 to index
      %swap3A_107 = arith.index_cast %swap3A_105 : i32 to index
      %swap3A_108 = arith.index_cast %add3A_76 : i32 to index
      %swap3A_109 = tpu.vector_load %arg6[%swap3A_106, %swap3A_107, %swap3A_108] {strides = array<i32>} : memref<4x8x1024xf32, #tpu.memory_space<vmem>>, vector<1x1x16xf32>,
      %swap3A_110 = vector.shape_cast %swap3A_109 : vector<1x1x16xf32> to vector<16xf32>
      %swap3A_111 = vector.shape_cast %get3A_80 : vector<16xf32> to vector<1x1x16xf32>
      tpu.vector_store %arg6[%swap3A_106, %swap3A_107, %swap3A_108], %swap3A_111 {add = true, strides = array<i32>} : memref<4x8x1024xf32, #tpu.memory_space<vmem>>, vector<1x1x16xf32>,
      %add3A_112 = arith.constant 16 : i32
      %add3A_113 = arith.addi %mul3A_74, %add3A_112 : i32
      %get3A_114 = arith.constant 1 : i32
      %get3A_115 = arith.index_cast %get3A_114 : i32 to index
      %get3A_116 = arith.index_cast %add3A_113 : i32 to index
      %get3A_117 = tpu.vector_load %arg5[%get3A_115, %get3A_116] {strides = array<i32>} : memref<8x1024xf32, #tpu.memory_space<vmem>>, vector<1x16xf32>,
      %get3A_118 = vector.shape_cast %get3A_117 : vector<1x16xf32> to vector<16xf32>
      %swap3A_119 = arith.constant 0 : i32
      %swap3A_120 = arith.constant 1 : i32
      %swap3A_121 = arith.index_cast %swap3A_119 : i32 to index
      %swap3A_122 = arith.index_cast %swap3A_120 : i32 to index
      %swap3A_123 = arith.index_cast %add3A_113 : i32 to index
      %swap3A_124 = tpu.vector_load %arg6[%swap3A_121, %swap3A_122, %swap3A_123] {strides = array<i32>} : memref<4x8x1024xf32, #tpu.memory_space<vmem>>, vector<1x1x16xf32>,
      %swap3A_125 = vector.shape_cast %swap3A_124 : vector<1x1x16xf32> to vector<16xf32>
      %swap3A_126 = vector.shape_cast %get3A_118 : vector<16xf32> to vector<1x1x16xf32>
      tpu.vector_store %arg6[%swap3A_121, %swap3A_122, %swap3A_123], %swap3A_126 {add = true, strides = array<i32>} : memref<4x8x1024xf32, #tpu.memory_space<vmem>>, vector<1x1x16xf32>,
      %swap3A_127 = arith.constant 1 : i32
      %swap3A_128 = arith.constant 1 : i32
      %swap3A_129 = arith.index_cast %swap3A_127 : i32 to index
      %swap3A_130 = arith.index_cast %swap3A_128 : i32 to index
      %swap3A_131 = arith.index_cast %add3A_113 : i32 to index
      %swap3A_132 = tpu.vector_load %arg6[%swap3A_129, %swap3A_130, %swap3A_131] {strides = array<i32>} : memref<4x8x1024xf32, #tpu.memory_space<vmem>>, vector<1x1x16xf32>,
      %swap3A_133 = vector.shape_cast %swap3A_132 : vector<1x1x16xf32> to vector<16xf32>
      %swap3A_134 = vector.shape_cast %get3A_118 : vector<16xf32> to vector<1x1x16xf32>
      tpu.vector_store %arg6[%swap3A_129, %swap3A_130, %swap3A_131], %swap3A_134 {add = true, strides = array<i32>} : memref<4x8x1024xf32, #tpu.memory_space<vmem>>, vector<1x1x16xf32>,
      %swap3A_135 = arith.constant 2 : i32
      %swap3A_136 = arith.constant 1 : i32
      %swap3A_137 = arith.index_cast %swap3A_135 : i32 to index
      %swap3A_138 = arith.index_cast %swap3A_136 : i32 to index
      %swap3A_139 = arith.index_cast %add3A_113 : i32 to index
      %swap3A_140 = tpu.vector_load %arg6[%swap3A_137, %swap3A_138, %swap3A_139] {strides = array<i32>} : memref<4x8x1024xf32, #tpu.memory_space<vmem>>, vector<1x1x16xf32>,
      %swap3A_141 = vector.shape_cast %swap3A_140 : vector<1x1x16xf32> to vector<16xf32>
      %swap3A_142 = vector.shape_cast %get3A_118 : vector<16xf32> to vector<1x1x16xf32>
      tpu.vector_store %arg6[%swap3A_137, %swap3A_138, %swap3A_139], %swap3A_142 {add = true, strides = array<i32>} : memref<4x8x1024xf32, #tpu.memory_space<vmem>>, vector<1x1x16xf32>,
      %swap3A_143 = arith.constant 3 : i32
      %swap3A_144 = arith.constant 1 : i32
      %swap3A_145 = arith.index_cast %swap3A_143 : i32 to index
      %swap3A_146 = arith.index_cast %swap3A_144 : i32 to index
      %swap3A_147 = arith.index_cast %add3A_113 : i32 to index
      %swap3A_148 = tpu.vector_load %arg6[%swap3A_145, %swap3A_146, %swap3A_147] {strides = array<i32>} : memref<4x8x1024xf32, #tpu.memory_space<vmem>>, vector<1x1x16xf32>,
      %swap3A_149 = vector.shape_cast %swap3A_148 : vector<1x1x16xf32> to vector<16xf32>
      %swap3A_150 = vector.shape_cast %get3A_118 : vector<16xf32> to vector<1x1x16xf32>
      tpu.vector_store %arg6[%swap3A_145, %swap3A_146, %swap3A_147], %swap3A_150 {add = true, strides = array<i32>} : memref<4x8x1024xf32, #tpu.memory_space<vmem>>, vector<1x1x16xf32>,
      %add3A_151 = arith.constant 32 : i32
      %add3A_152 = arith.addi %mul3A_74, %add3A_151 : i32
      %get3A_153 = arith.constant 1 : i32
      %get3A_154 = arith.index_cast %get3A_153 : i32 to index
      %get3A_155 = arith.index_cast %add3A_152 : i32 to index
      %get3A_156 = tpu.vector_load %arg5[%get3A_154, %get3A_155] {strides = array<i32>} : memref<8x1024xf32, #tpu.memory_space<vmem>>, vector<1x16xf32>,
      %get3A_157 = vector.shape_cast %get3A_156 : vector<1x16xf32> to vector<16xf32>
      %swap3A_158 = arith.constant 0 : i32
      %swap3A_159 = arith.constant 1 : i32
      %swap3A_160 = arith.index_cast %swap3A_158 : i32 to index
      %swap3A_161 = arith.index_cast %swap3A_159 : i32 to index
      %swap3A_162 = arith.index_cast %add3A_152 : i32 to index
      %swap3A_163 = tpu.vector_load %arg6[%swap3A_160, %swap3A_161, %swap3A_162] {strides = array<i32>} : memref<4x8x1024xf32, #tpu.memory_space<vmem>>, vector<1x1x16xf32>,
      %swap3A_164 = vector.shape_cast %swap3A_163 : vector<1x1x16xf32> to vector<16xf32>
      %swap3A_165 = vector.shape_cast %get3A_157 : vector<16xf32> to vector<1x1x16xf32>
      tpu.vector_store %arg6[%swap3A_160, %swap3A_161, %swap3A_162], %swap3A_165 {add = true, strides = array<i32>} : memref<4x8x1024xf32, #tpu.memory_space<vmem>>, vector<1x1x16xf32>,
      %swap3A_166 = arith.constant 1 : i32
      %swap3A_167 = arith.constant 1 : i32
      %swap3A_168 = arith.index_cast %swap3A_166 : i32 to index
      %swap3A_169 = arith.index_cast %swap3A_167 : i32 to index
      %swap3A_170 = arith.index_cast %add3A_152 : i32 to index
      %swap3A_171 = tpu.vector_load %arg6[%swap3A_168, %swap3A_169, %swap3A_170] {strides = array<i32>} : memref<4x8x1024xf32, #tpu.memory_space<vmem>>, vector<1x1x16xf32>,
      %swap3A_172 = vector.shape_cast %swap3A_171 : vector<1x1x16xf32> to vector<16xf32>
      %swap3A_173 = vector.shape_cast %get3A_157 : vector<16xf32> to vector<1x1x16xf32>
      tpu.vector_store %arg6[%swap3A_168, %swap3A_169, %swap3A_170], %swap3A_173 {add = true, strides = array<i32>} : memref<4x8x1024xf32, #tpu.memory_space<vmem>>, vector<1x1x16xf32>,
      %swap3A_174 = arith.constant 2 : i32
      %swap3A_175 = arith.constant 1 : i32
      %swap3A_176 = arith.index_cast %swap3A_174 : i32 to index
      %swap3A_177 = arith.index_cast %swap3A_175 : i32 to index
      %swap3A_178 = arith.index_cast %add3A_152 : i32 to index
      %swap3A_179 = tpu.vector_load %arg6[%swap3A_176, %swap3A_177, %swap3A_178] {strides = array<i32>} : memref<4x8x1024xf32, #tpu.memory_space<vmem>>, vector<1x1x16xf32>,
      %swap3A_180 = vector.shape_cast %swap3A_179 : vector<1x1x16xf32> to vector<16xf32>
      %swap3A_181 = vector.shape_cast %get3A_157 : vector<16xf32> to vector<1x1x16xf32>
      tpu.vector_store %arg6[%swap3A_176, %swap3A_177, %swap3A_178], %swap3A_181 {add = true, strides = array<i32>} : memref<4x8x1024xf32, #tpu.memory_space<vmem>>, vector<1x1x16xf32>,
      %swap3A_182 = arith.constant 3 : i32
      %swap3A_183 = arith.constant 1 : i32
      %swap3A_184 = arith.index_cast %swap3A_182 : i32 to index
      %swap3A_185 = arith.index_cast %swap3A_183 : i32 to index
      %swap3A_186 = arith.index_cast %add3A_152 : i32 to index
      %swap3A_187 = tpu.vector_load %arg6[%swap3A_184, %swap3A_185, %swap3A_186] {strides = array<i32>} : memref<4x8x1024xf32, #tpu.memory_space<vmem>>, vector<1x1x16xf32>,
      %swap3A_188 = vector.shape_cast %swap3A_187 : vector<1x1x16xf32> to vector<16xf32>
      %swap3A_189 = vector.shape_cast %get3A_157 : vector<16xf32> to vector<1x1x16xf32>
      tpu.vector_store %arg6[%swap3A_184, %swap3A_185, %swap3A_186], %swap3A_189 {add = true, strides = array<i32>} : memref<4x8x1024xf32, #tpu.memory_space<vmem>>, vector<1x1x16xf32>,
      %add3A_190 = arith.constant 48 : i32
      %add3A_191 = arith.addi %mul3A_74, %add3A_190 : i32
      %get3A_192 = arith.constant 1 : i32
      %get3A_193 = arith.index_cast %get3A_192 : i32 to index
      %get3A_194 = arith.index_cast %add3A_191 : i32 to index
      %get3A_195 = tpu.vector_load %arg5[%get3A_193, %get3A_194] {strides = array<i32>} : memref<8x1024xf32, #tpu.memory_space<vmem>>, vector<1x16xf32>,
      %get3A_196 = vector.shape_cast %get3A_195 : vector<1x16xf32> to vector<16xf32>
      %swap3A_197 = arith.constant 0 : i32
      %swap3A_198 = arith.constant 1 : i32
      %swap3A_199 = arith.index_cast %swap3A_197 : i32 to index
      %swap3A_200 = arith.index_cast %swap3A_198 : i32 to index
      %swap3A_201 = arith.index_cast %add3A_191 : i32 to index
      %swap3A_202 = tpu.vector_load %arg6[%swap3A_199, %swap3A_200, %swap3A_201] {strides = array<i32>} : memref<4x8x1024xf32, #tpu.memory_space<vmem>>, vector<1x1x16xf32>,
      %swap3A_203 = vector.shape_cast %swap3A_202 : vector<1x1x16xf32> to vector<16xf32>
      %swap3A_204 = vector.shape_cast %get3A_196 : vector<16xf32> to vector<1x1x16xf32>
      tpu.vector_store %arg6[%swap3A_199, %swap3A_200, %swap3A_201], %swap3A_204 {add = true, strides = array<i32>} : memref<4x8x1024xf32, #tpu.memory_space<vmem>>, vector<1x1x16xf32>,
      %swap3A_205 = arith.constant 1 : i32
      %swap3A_206 = arith.constant 1 : i32
      %swap3A_207 = arith.index_cast %swap3A_205 : i32 to index
      %swap3A_208 = arith.index_cast %swap3A_206 : i32 to index
      %swap3A_209 = arith.index_cast %add3A_191 : i32 to index
      %swap3A_210 = tpu.vector_load %arg6[%swap3A_207, %swap3A_208, %swap3A_209] {strides = array<i32>} : memref<4x8x1024xf32, #tpu.memory_space<vmem>>, vector<1x1x16xf32>,
      %swap3A_211 = vector.shape_cast %swap3A_210 : vector<1x1x16xf32> to vector<16xf32>
      %swap3A_212 = vector.shape_cast %get3A_196 : vector<16xf32> to vector<1x1x16xf32>
      tpu.vector_store %arg6[%swap3A_207, %swap3A_208, %swap3A_209], %swap3A_212 {add = true, strides = array<i32>} : memref<4x8x1024xf32, #tpu.memory_space<vmem>>, vector<1x1x16xf32>,
      %swap3A_213 = arith.constant 2 : i32
      %swap3A_214 = arith.constant 1 : i32
      %swap3A_215 = arith.index_cast %swap3A_213 : i32 to index
      %swap3A_216 = arith.index_cast %swap3A_214 : i32 to index
      %swap3A_217 = arith.index_cast %add3A_191 : i32 to index
      %swap3A_218 = tpu.vector_load %arg6[%swap3A_215, %swap3A_216, %swap3A_217] {strides = array<i32>} : memref<4x8x1024xf32, #tpu.memory_space<vmem>>, vector<1x1x16xf32>,
      %swap3A_219 = vector.shape_cast %swap3A_218 : vector<1x1x16xf32> to vector<16xf32>
      %swap3A_220 = vector.shape_cast %get3A_196 : vector<16xf32> to vector<1x1x16xf32>
      tpu.vector_store %arg6[%swap3A_215, %swap3A_216, %swap3A_217], %swap3A_220 {add = true, strides = array<i32>} : memref<4x8x1024xf32, #tpu.memory_space<vmem>>, vector<1x1x16xf32>,
      %swap3A_221 = arith.constant 3 : i32
      %swap3A_222 = arith.constant 1 : i32
      %swap3A_223 = arith.index_cast %swap3A_221 : i32 to index
      %swap3A_224 = arith.index_cast %swap3A_222 : i32 to index
      %swap3A_225 = arith.index_cast %add3A_191 : i32 to index
      %swap3A_226 = tpu.vector_load %arg6[%swap3A_223, %swap3A_224, %swap3A_225] {strides = array<i32>} : memref<4x8x1024xf32, #tpu.memory_space<vmem>>, vector<1x1x16xf32>,
      %swap3A_227 = vector.shape_cast %swap3A_226 : vector<1x1x16xf32> to vector<16xf32>
      %swap3A_228 = vector.shape_cast %get3A_196 : vector<16xf32> to vector<1x1x16xf32>
      tpu.vector_store %arg6[%swap3A_223, %swap3A_224, %swap3A_225], %swap3A_228 {add = true, strides = array<i32>} : memref<4x8x1024xf32, #tpu.memory_space<vmem>>, vector<1x1x16xf32>,
      %add3A_229 = arith.constant 64 : i32
      %add3A_230 = arith.addi %mul3A_74, %add3A_229 : i32
      %get3A_231 = arith.constant 1 : i32
      %get3A_232 = arith.index_cast %get3A_231 : i32 to index
      %get3A_233 = arith.index_cast %add3A_230 : i32 to index
      %get3A_234 = tpu.vector_load %arg5[%get3A_232, %get3A_233] {strides = array<i32>} : memref<8x1024xf32, #tpu.memory_space<vmem>>, vector<1x16xf32>,
      %get3A_235 = vector.shape_cast %get3A_234 : vector<1x16xf32> to vector<16xf32>
      %swap3A_236 = arith.constant 0 : i32
      %swap3A_237 = arith.constant 1 : i32
      %swap3A_238 = arith.index_cast %swap3A_236 : i32 to index
      %swap3A_239 = arith.index_cast %swap3A_237 : i32 to index
      %swap3A_240 = arith.index_cast %add3A_230 : i32 to index
      %swap3A_241 = tpu.vector_load %arg6[%swap3A_238, %swap3A_239, %swap3A_240] {strides = array<i32>} : memref<4x8x1024xf32, #tpu.memory_space<vmem>>, vector<1x1x16xf32>,
      %swap3A_242 = vector.shape_cast %swap3A_241 : vector<1x1x16xf32> to vector<16xf32>
      %swap3A_243 = vector.shape_cast %get3A_235 : vector<16xf32> to vector<1x1x16xf32>
      tpu.vector_store %arg6[%swap3A_238, %swap3A_239, %swap3A_240], %swap3A_243 {add = true, strides = array<i32>} : memref<4x8x1024xf32, #tpu.memory_space<vmem>>, vector<1x1x16xf32>,
      %swap3A_244 = arith.constant 1 : i32
      %swap3A_245 = arith.constant 1 : i32
      %swap3A_246 = arith.index_cast %swap3A_244 : i32 to index
      %swap3A_247 = arith.index_cast %swap3A_245 : i32 to index
      %swap3A_248 = arith.index_cast %add3A_230 : i32 to index
      %swap3A_249 = tpu.vector_load %arg6[%swap3A_246, %swap3A_247, %swap3A_248] {strides = array<i32>} : memref<4x8x1024xf32, #tpu.memory_space<vmem>>, vector<1x1x16xf32>,
      %swap3A_250 = vector.shape_cast %swap3A_249 : vector<1x1x16xf32> to vector<16xf32>
      %swap3A_251 = vector.shape_cast %get3A_235 : vector<16xf32> to vector<1x1x16xf32>
      tpu.vector_store %arg6[%swap3A_246, %swap3A_247, %swap3A_248], %swap3A_251 {add = true, strides = array<i32>} : memref<4x8x1024xf32, #tpu.memory_space<vmem>>, vector<1x1x16xf32>,
      %swap3A_252 = arith.constant 2 : i32
      %swap3A_253 = arith.constant 1 : i32
      %swap3A_254 = arith.index_cast %swap3A_252 : i32 to index
      %swap3A_255 = arith.index_cast %swap3A_253 : i32 to index
      %swap3A_256 = arith.index_cast %add3A_230 : i32 to index
      %swap3A_257 = tpu.vector_load %arg6[%swap3A_254, %swap3A_255, %swap3A_256] {strides = array<i32>} : memref<4x8x1024xf32, #tpu.memory_space<vmem>>, vector<1x1x16xf32>,
      %swap3A_258 = vector.shape_cast %swap3A_257 : vector<1x1x16xf32> to vector<16xf32>
      %swap3A_259 = vector.shape_cast %get3A_235 : vector<16xf32> to vector<1x1x16xf32>
      tpu.vector_store %arg6[%swap3A_254, %swap3A_255, %swap3A_256], %swap3A_259 {add = true, strides = array<i32>} : memref<4x8x1024xf32, #tpu.memory_space<vmem>>, vector<1x1x16xf32>,
      %swap3A_260 = arith.constant 3 : i32
      %swap3A_261 = arith.constant 1 : i32
      %swap3A_262 = arith.index_cast %swap3A_260 : i32 to index
      %swap3A_263 = arith.index_cast %swap3A_261 : i32 to index
      %swap3A_264 = arith.index_cast %add3A_230 : i32 to index
      %swap3A_265 = tpu.vector_load %arg6[%swap3A_262, %swap3A_263, %swap3A_264] {strides = array<i32>} : memref<4x8x1024xf32, #tpu.memory_space<vmem>>, vector<1x1x16xf32>,
      %swap3A_266 = vector.shape_cast %swap3A_265 : vector<1x1x16xf32> to vector<16xf32>
      %swap3A_267 = vector.shape_cast %get3A_235 : vector<16xf32> to vector<1x1x16xf32>
      tpu.vector_store %arg6[%swap3A_262, %swap3A_263, %swap3A_264], %swap3A_267 {add = true, strides = array<i32>} : memref<4x8x1024xf32, #tpu.memory_space<vmem>>, vector<1x1x16xf32>,
      %add3A_268 = arith.constant 80 : i32
      %add3A_269 = arith.addi %mul3A_74, %add3A_268 : i32
      %get3A_270 = arith.constant 1 : i32
      %get3A_271 = arith.index_cast %get3A_270 : i32 to index
      %get3A_272 = arith.index_cast %add3A_269 : i32 to index
      %get3A_273 = tpu.vector_load %arg5[%get3A_271, %get3A_272] {strides = array<i32>} : memref<8x1024xf32, #tpu.memory_space<vmem>>, vector<1x16xf32>,
      %get3A_274 = vector.shape_cast %get3A_273 : vector<1x16xf32> to vector<16xf32>
      %swap3A_275 = arith.constant 0 : i32
      %swap3A_276 = arith.constant 1 : i32
      %swap3A_277 = arith.index_cast %swap3A_275 : i32 to index
      %swap3A_278 = arith.index_cast %swap3A_276 : i32 to index
      %swap3A_279 = arith.index_cast %add3A_269 : i32 to index
      %swap3A_280 = tpu.vector_load %arg6[%swap3A_277, %swap3A_278, %swap3A_279] {strides = array<i32>} : memref<4x8x1024xf32, #tpu.memory_space<vmem>>, vector<1x1x16xf32>,
      %swap3A_281 = vector.shape_cast %swap3A_280 : vector<1x1x16xf32> to vector<16xf32>
      %swap3A_282 = vector.shape_cast %get3A_274 : vector<16xf32> to vector<1x1x16xf32>
      tpu.vector_store %arg6[%swap3A_277, %swap3A_278, %swap3A_279], %swap3A_282 {add = true, strides = array<i32>} : memref<4x8x1024xf32, #tpu.memory_space<vmem>>, vector<1x1x16xf32>,
      %swap3A_283 = arith.constant 1 : i32
      %swap3A_284 = arith.constant 1 : i32
      %swap3A_285 = arith.index_cast %swap3A_283 : i32 to index
      %swap3A_286 = arith.index_cast %swap3A_284 : i32 to index
      %swap3A_287 = arith.index_cast %add3A_269 : i32 to index
      %swap3A_288 = tpu.vector_load %arg6[%swap3A_285, %swap3A_286, %swap3A_287] {strides = array<i32>} : memref<4x8x1024xf32, #tpu.memory_space<vmem>>, vector<1x1x16xf32>,
      %swap3A_289 = vector.shape_cast %swap3A_288 : vector<1x1x16xf32> to vector<16xf32>
      %swap3A_290 = vector.shape_cast %get3A_274 : vector<16xf32> to vector<1x1x16xf32>
      tpu.vector_store %arg6[%swap3A_285, %swap3A_286, %swap3A_287], %swap3A_290 {add = true, strides = array<i32>} : memref<4x8x1024xf32, #tpu.memory_space<vmem>>, vector<1x1x16xf32>,
      %swap3A_291 = arith.constant 2 : i32
      %swap3A_292 = arith.constant 1 : i32
      %swap3A_293 = arith.index_cast %swap3A_291 : i32 to index
      %swap3A_294 = arith.index_cast %swap3A_292 : i32 to index
      %swap3A_295 = arith.index_cast %add3A_269 : i32 to index
      %swap3A_296 = tpu.vector_load %arg6[%swap3A_293, %swap3A_294, %swap3A_295] {strides = array<i32>} : memref<4x8x1024xf32, #tpu.memory_space<vmem>>, vector<1x1x16xf32>,
      %swap3A_297 = vector.shape_cast %swap3A_296 : vector<1x1x16xf32> to vector<16xf32>
      %swap3A_298 = vector.shape_cast %get3A_274 : vector<16xf32> to vector<1x1x16xf32>
      tpu.vector_store %arg6[%swap3A_293, %swap3A_294, %swap3A_295], %swap3A_298 {add = true, strides = array<i32>} : memref<4x8x1024xf32, #tpu.memory_space<vmem>>, vector<1x1x16xf32>,
      %swap3A_299 = arith.constant 3 : i32
      %swap3A_300 = arith.constant 1 : i32
      %swap3A_301 = arith.index_cast %swap3A_299 : i32 to index
      %swap3A_302 = arith.index_cast %swap3A_300 : i32 to index
      %swap3A_303 = arith.index_cast %add3A_269 : i32 to index
      %swap3A_304 = tpu.vector_load %arg6[%swap3A_301, %swap3A_302, %swap3A_303] {strides = array<i32>} : memref<4x8x1024xf32, #tpu.memory_space<vmem>>, vector<1x1x16xf32>,
      %swap3A_305 = vector.shape_cast %swap3A_304 : vector<1x1x16xf32> to vector<16xf32>
      %swap3A_306 = vector.shape_cast %get3A_274 : vector<16xf32> to vector<1x1x16xf32>
      tpu.vector_store %arg6[%swap3A_301, %swap3A_302, %swap3A_303], %swap3A_306 {add = true, strides = array<i32>} : memref<4x8x1024xf32, #tpu.memory_space<vmem>>, vector<1x1x16xf32>,
      %add3A_307 = arith.constant 96 : i32
      %add3A_308 = arith.addi %mul3A_74, %add3A_307 : i32
      %get3A_309 = arith.constant 1 : i32
      %get3A_310 = arith.index_cast %get3A_309 : i32 to index
      %get3A_311 = arith.index_cast %add3A_308 : i32 to index
      %get3A_312 = tpu.vector_load %arg5[%get3A_310, %get3A_311] {strides = array<i32>} : memref<8x1024xf32, #tpu.memory_space<vmem>>, vector<1x16xf32>,
      %get3A_313 = vector.shape_cast %get3A_312 : vector<1x16xf32> to vector<16xf32>
      %swap3A_314 = arith.constant 0 : i32
      %swap3A_315 = arith.constant 1 : i32
      %swap3A_316 = arith.index_cast %swap3A_314 : i32 to index
      %swap3A_317 = arith.index_cast %swap3A_315 : i32 to index
      %swap3A_318 = arith.index_cast %add3A_308 : i32 to index
      %swap3A_319 = tpu.vector_load %arg6[%swap3A_316, %swap3A_317, %swap3A_318] {strides = array<i32>} : memref<4x8x1024xf32, #tpu.memory_space<vmem>>, vector<1x1x16xf32>,
      %swap3A_320 = vector.shape_cast %swap3A_319 : vector<1x1x16xf32> to vector<16xf32>
      %swap3A_321 = vector.shape_cast %get3A_313 : vector<16xf32> to vector<1x1x16xf32>
      tpu.vector_store %arg6[%swap3A_316, %swap3A_317, %swap3A_318], %swap3A_321 {add = true, strides = array<i32>} : memref<4x8x1024xf32, #tpu.memory_space<vmem>>, vector<1x1x16xf32>,
      %swap3A_322 = arith.constant 1 : i32
      %swap3A_323 = arith.constant 1 : i32
      %swap3A_324 = arith.index_cast %swap3A_322 : i32 to index
      %swap3A_325 = arith.index_cast %swap3A_323 : i32 to index
      %swap3A_326 = arith.index_cast %add3A_308 : i32 to index
      %swap3A_327 = tpu.vector_load %arg6[%swap3A_324, %swap3A_325, %swap3A_326] {strides = array<i32>} : memref<4x8x1024xf32, #tpu.memory_space<vmem>>, vector<1x1x16xf32>,
      %swap3A_328 = vector.shape_cast %swap3A_327 : vector<1x1x16xf32> to vector<16xf32>
      %swap3A_329 = vector.shape_cast %get3A_313 : vector<16xf32> to vector<1x1x16xf32>
      tpu.vector_store %arg6[%swap3A_324, %swap3A_325, %swap3A_326], %swap3A_329 {add = true, strides = array<i32>} : memref<4x8x1024xf32, #tpu.memory_space<vmem>>, vector<1x1x16xf32>,
      %swap3A_330 = arith.constant 2 : i32
      %swap3A_331 = arith.constant 1 : i32
      %swap3A_332 = arith.index_cast %swap3A_330 : i32 to index
      %swap3A_333 = arith.index_cast %swap3A_331 : i32 to index
      %swap3A_334 = arith.index_cast %add3A_308 : i32 to index
      %swap3A_335 = tpu.vector_load %arg6[%swap3A_332, %swap3A_333, %swap3A_334] {strides = array<i32>} : memref<4x8x1024xf32, #tpu.memory_space<vmem>>, vector<1x1x16xf32>,
      %swap3A_336 = vector.shape_cast %swap3A_335 : vector<1x1x16xf32> to vector<16xf32>
      %swap3A_337 = vector.shape_cast %get3A_313 : vector<16xf32> to vector<1x1x16xf32>
      tpu.vector_store %arg6[%swap3A_332, %swap3A_333, %swap3A_334], %swap3A_337 {add = true, strides = array<i32>} : memref<4x8x1024xf32, #tpu.memory_space<vmem>>, vector<1x1x16xf32>,
      %swap3A_338 = arith.constant 3 : i32
      %swap3A_339 = arith.constant 1 : i32
      %swap3A_340 = arith.index_cast %swap3A_338 : i32 to index
      %swap3A_341 = arith.index_cast %swap3A_339 : i32 to index
      %swap3A_342 = arith.index_cast %add3A_308 : i32 to index
      %swap3A_343 = tpu.vector_load %arg6[%swap3A_340, %swap3A_341, %swap3A_342] {strides = array<i32>} : memref<4x8x1024xf32, #tpu.memory_space<vmem>>, vector<1x1x16xf32>,
      %swap3A_344 = vector.shape_cast %swap3A_343 : vector<1x1x16xf32> to vector<16xf32>
      %swap3A_345 = vector.shape_cast %get3A_313 : vector<16xf32> to vector<1x1x16xf32>
      tpu.vector_store %arg6[%swap3A_340, %swap3A_341, %swap3A_342], %swap3A_345 {add = true, strides = array<i32>} : memref<4x8x1024xf32, #tpu.memory_space<vmem>>, vector<1x1x16xf32>,
      %add3A_346 = arith.constant 112 : i32
      %add3A_347 = arith.addi %mul3A_74, %add3A_346 : i32
      %get3A_348 = arith.constant 1 : i32
      %get3A_349 = arith.index_cast %get3A_348 : i32 to index
      %get3A_350 = arith.index_cast %add3A_347 : i32 to index
      %get3A_351 = tpu.vector_load %arg5[%get3A_349, %get3A_350] {strides = array<i32>} : memref<8x1024xf32, #tpu.memory_space<vmem>>, vector<1x16xf32>,
      %get3A_352 = vector.shape_cast %get3A_351 : vector<1x16xf32> to vector<16xf32>
      %swap3A_353 = arith.constant 0 : i32
      %swap3A_354 = arith.constant 1 : i32
      %swap3A_355 = arith.index_cast %swap3A_353 : i32 to index
      %swap3A_356 = arith.index_cast %swap3A_354 : i32 to index
      %swap3A_357 = arith.index_cast %add3A_347 : i32 to index
      %swap3A_358 = tpu.vector_load %arg6[%swap3A_355, %swap3A_356, %swap3A_357] {strides = array<i32>} : memref<4x8x1024xf32, #tpu.memory_space<vmem>>, vector<1x1x16xf32>,
      %swap3A_359 = vector.shape_cast %swap3A_358 : vector<1x1x16xf32> to vector<16xf32>
      %swap3A_360 = vector.shape_cast %get3A_352 : vector<16xf32> to vector<1x1x16xf32>
      tpu.vector_store %arg6[%swap3A_355, %swap3A_356, %swap3A_357], %swap3A_360 {add = true, strides = array<i32>} : memref<4x8x1024xf32, #tpu.memory_space<vmem>>, vector<1x1x16xf32>,
      %swap3A_361 = arith.constant 1 : i32
      %swap3A_362 = arith.constant 1 : i32
      %swap3A_363 = arith.index_cast %swap3A_361 : i32 to index
      %swap3A_364 = arith.index_cast %swap3A_362 : i32 to index
      %swap3A_365 = arith.index_cast %add3A_347 : i32 to index
      %swap3A_366 = tpu.vector_load %arg6[%swap3A_363, %swap3A_364, %swap3A_365] {strides = array<i32>} : memref<4x8x1024xf32, #tpu.memory_space<vmem>>, vector<1x1x16xf32>,
      %swap3A_367 = vector.shape_cast %swap3A_366 : vector<1x1x16xf32> to vector<16xf32>
      %swap3A_368 = vector.shape_cast %get3A_352 : vector<16xf32> to vector<1x1x16xf32>
      tpu.vector_store %arg6[%swap3A_363, %swap3A_364, %swap3A_365], %swap3A_368 {add = true, strides = array<i32>} : memref<4x8x1024xf32, #tpu.memory_space<vmem>>, vector<1x1x16xf32>,
      %swap3A_369 = arith.constant 2 : i32
      %swap3A_370 = arith.constant 1 : i32
      %swap3A_371 = arith.index_cast %swap3A_369 : i32 to index
      %swap3A_372 = arith.index_cast %swap3A_370 : i32 to index
      %swap3A_373 = arith.index_cast %add3A_347 : i32 to index
      %swap3A_374 = tpu.vector_load %arg6[%swap3A_371, %swap3A_372, %swap3A_373] {strides = array<i32>} : memref<4x8x1024xf32, #tpu.memory_space<vmem>>, vector<1x1x16xf32>,
      %swap3A_375 = vector.shape_cast %swap3A_374 : vector<1x1x16xf32> to vector<16xf32>
      %swap3A_376 = vector.shape_cast %get3A_352 : vector<16xf32> to vector<1x1x16xf32>
      tpu.vector_store %arg6[%swap3A_371, %swap3A_372, %swap3A_373], %swap3A_376 {add = true, strides = array<i32>} : memref<4x8x1024xf32, #tpu.memory_space<vmem>>, vector<1x1x16xf32>,
      %swap3A_377 = arith.constant 3 : i32
      %swap3A_378 = arith.constant 1 : i32
      %swap3A_379 = arith.index_cast %swap3A_377 : i32 to index
      %swap3A_380 = arith.index_cast %swap3A_378 : i32 to index
      %swap3A_381 = arith.index_cast %add3A_347 : i32 to index
      %swap3A_382 = tpu.vector_load %arg6[%swap3A_379, %swap3A_380, %swap3A_381] {strides = array<i32>} : memref<4x8x1024xf32, #tpu.memory_space<vmem>>, vector<1x1x16xf32>,
      %swap3A_383 = vector.shape_cast %swap3A_382 : vector<1x1x16xf32> to vector<16xf32>
      %swap3A_384 = vector.shape_cast %get3A_352 : vector<16xf32> to vector<1x1x16xf32>
      tpu.vector_store %arg6[%swap3A_379, %swap3A_380, %swap3A_381], %swap3A_384 {add = true, strides = array<i32>} : memref<4x8x1024xf32, #tpu.memory_space<vmem>>, vector<1x1x16xf32>,
    }
    %scan3A_33 = arith.constant 8 : i32
    %scan3A_34 = arith.constant 0 : i32
    %scan3A_35 = arith.constant 0 : i32
    %scan3A_36 = arith.constant 8 : i32
    %scan3A_37 = arith.addi %scan3A_35, %scan3A_36 : i32
    %scan3A_38 = arith.constant 1 : i32
    scf.for %scan3A_72 = %scan3A_35 to %scan3A_37 step %scan3A_38  : i32 {
      %mul3A_73 = arith.constant 128 : i32
      %mul3A_74 = arith.muli %scan3A_72, %mul3A_73 : i32
      %add3A_75 = arith.constant 0 : i32
      %add3A_76 = arith.addi %mul3A_74, %add3A_75 : i32
      %get3A = arith.constant 2 : i32
      %get3A_77 = arith.index_cast %get3A : i32 to index
      %get3A_78 = arith.index_cast %add3A_76 : i32 to index
      %get3A_79 = tpu.vector_load %arg5[%get3A_77, %get3A_78] {strides = array<i32>} : memref<8x1024xf32, #tpu.memory_space<vmem>>, vector<1x16xf32>,
      %get3A_80 = vector.shape_cast %get3A_79 : vector<1x16xf32> to vector<16xf32>
      %swap3A = arith.constant 0 : i32
      %swap3A_81 = arith.constant 2 : i32
      %swap3A_82 = arith.index_cast %swap3A : i32 to index
      %swap3A_83 = arith.index_cast %swap3A_81 : i32 to index
      %swap3A_84 = arith.index_cast %add3A_76 : i32 to index
      %swap3A_85 = tpu.vector_load %arg6[%swap3A_82, %swap3A_83, %swap3A_84] {strides = array<i32>} : memref<4x8x1024xf32, #tpu.memory_space<vmem>>, vector<1x1x16xf32>,
      %swap3A_86 = vector.shape_cast %swap3A_85 : vector<1x1x16xf32> to vector<16xf32>
      %swap3A_87 = vector.shape_cast %get3A_80 : vector<16xf32> to vector<1x1x16xf32>
      tpu.vector_store %arg6[%swap3A_82, %swap3A_83, %swap3A_84], %swap3A_87 {add = true, strides = array<i32>} : memref<4x8x1024xf32, #tpu.memory_space<vmem>>, vector<1x1x16xf32>,
      %swap3A_88 = arith.constant 1 : i32
      %swap3A_89 = arith.constant 2 : i32
      %swap3A_90 = arith.index_cast %swap3A_88 : i32 to index
      %swap3A_91 = arith.index_cast %swap3A_89 : i32 to index
      %swap3A_92 = arith.index_cast %add3A_76 : i32 to index
      %swap3A_93 = tpu.vector_load %arg6[%swap3A_90, %swap3A_91, %swap3A_92] {strides = array<i32>} : memref<4x8x1024xf32, #tpu.memory_space<vmem>>, vector<1x1x16xf32>,
      %swap3A_94 = vector.shape_cast %swap3A_93 : vector<1x1x16xf32> to vector<16xf32>
      %swap3A_95 = vector.shape_cast %get3A_80 : vector<16xf32> to vector<1x1x16xf32>
      tpu.vector_store %arg6[%swap3A_90, %swap3A_91, %swap3A_92], %swap3A_95 {add = true, strides = array<i32>} : memref<4x8x1024xf32, #tpu.memory_space<vmem>>, vector<1x1x16xf32>,
      %swap3A_96 = arith.constant 2 : i32
      %swap3A_97 = arith.constant 2 : i32
      %swap3A_98 = arith.index_cast %swap3A_96 : i32 to index
      %swap3A_99 = arith.index_cast %swap3A_97 : i32 to index
      %swap3A_100 = arith.index_cast %add3A_76 : i32 to index
      %swap3A_101 = tpu.vector_load %arg6[%swap3A_98, %swap3A_99, %swap3A_100] {strides = array<i32>} : memref<4x8x1024xf32, #tpu.memory_space<vmem>>, vector<1x1x16xf32>,
      %swap3A_102 = vector.shape_cast %swap3A_101 : vector<1x1x16xf32> to vector<16xf32>
      %swap3A_103 = vector.shape_cast %get3A_80 : vector<16xf32> to vector<1x1x16xf32>
      tpu.vector_store %arg6[%swap3A_98, %swap3A_99, %swap3A_100], %swap3A_103 {add = true, strides = array<i32>} : memref<4x8x1024xf32, #tpu.memory_space<vmem>>, vector<1x1x16xf32>,
      %swap3A_104 = arith.constant 3 : i32
      %swap3A_105 = arith.constant 2 : i32
      %swap3A_106 = arith.index_cast %swap3A_104 : i32 to index
      %swap3A_107 = arith.index_cast %swap3A_105 : i32 to index
      %swap3A_108 = arith.index_cast %add3A_76 : i32 to index
      %swap3A_109 = tpu.vector_load %arg6[%swap3A_106, %swap3A_107, %swap3A_108] {strides = array<i32>} : memref<4x8x1024xf32, #tpu.memory_space<vmem>>, vector<1x1x16xf32>,
      %swap3A_110 = vector.shape_cast %swap3A_109 : vector<1x1x16xf32> to vector<16xf32>
      %swap3A_111 = vector.shape_cast %get3A_80 : vector<16xf32> to vector<1x1x16xf32>
      tpu.vector_store %arg6[%swap3A_106, %swap3A_107, %swap3A_108], %swap3A_111 {add = true, strides = array<i32>} : memref<4x8x1024xf32, #tpu.memory_space<vmem>>, vector<1x1x16xf32>,
      %add3A_112 = arith.constant 16 : i32
      %add3A_113 = arith.addi %mul3A_74, %add3A_112 : i32
      %get3A_114 = arith.constant 2 : i32
      %get3A_115 = arith.index_cast %get3A_114 : i32 to index
      %get3A_116 = arith.index_cast %add3A_113 : i32 to index
      %get3A_117 = tpu.vector_load %arg5[%get3A_115, %get3A_116] {strides = array<i32>} : memref<8x1024xf32, #tpu.memory_space<vmem>>, vector<1x16xf32>,
      %get3A_118 = vector.shape_cast %get3A_117 : vector<1x16xf32> to vector<16xf32>
      %swap3A_119 = arith.constant 0 : i32
      %swap3A_120 = arith.constant 2 : i32
      %swap3A_121 = arith.index_cast %swap3A_119 : i32 to index
      %swap3A_122 = arith.index_cast %swap3A_120 : i32 to index
      %swap3A_123 = arith.index_cast %add3A_113 : i32 to index
      %swap3A_124 = tpu.vector_load %arg6[%swap3A_121, %swap3A_122, %swap3A_123] {strides = array<i32>} : memref<4x8x1024xf32, #tpu.memory_space<vmem>>, vector<1x1x16xf32>,
      %swap3A_125 = vector.shape_cast %swap3A_124 : vector<1x1x16xf32> to vector<16xf32>
      %swap3A_126 = vector.shape_cast %get3A_118 : vector<16xf32> to vector<1x1x16xf32>
      tpu.vector_store %arg6[%swap3A_121, %swap3A_122, %swap3A_123], %swap3A_126 {add = true, strides = array<i32>} : memref<4x8x1024xf32, #tpu.memory_space<vmem>>, vector<1x1x16xf32>,
      %swap3A_127 = arith.constant 1 : i32
      %swap3A_128 = arith.constant 2 : i32
      %swap3A_129 = arith.index_cast %swap3A_127 : i32 to index
      %swap3A_130 = arith.index_cast %swap3A_128 : i32 to index
      %swap3A_131 = arith.index_cast %add3A_113 : i32 to index
      %swap3A_132 = tpu.vector_load %arg6[%swap3A_129, %swap3A_130, %swap3A_131] {strides = array<i32>} : memref<4x8x1024xf32, #tpu.memory_space<vmem>>, vector<1x1x16xf32>,
      %swap3A_133 = vector.shape_cast %swap3A_132 : vector<1x1x16xf32> to vector<16xf32>
      %swap3A_134 = vector.shape_cast %get3A_118 : vector<16xf32> to vector<1x1x16xf32>
      tpu.vector_store %arg6[%swap3A_129, %swap3A_130, %swap3A_131], %swap3A_134 {add = true, strides = array<i32>} : memref<4x8x1024xf32, #tpu.memory_space<vmem>>, vector<1x1x16xf32>,
      %swap3A_135 = arith.constant 2 : i32
      %swap3A_136 = arith.constant 2 : i32
      %swap3A_137 = arith.index_cast %swap3A_135 : i32 to index
      %swap3A_138 = arith.index_cast %swap3A_136 : i32 to index
      %swap3A_139 = arith.index_cast %add3A_113 : i32 to index
      %swap3A_140 = tpu.vector_load %arg6[%swap3A_137, %swap3A_138, %swap3A_139] {strides = array<i32>} : memref<4x8x1024xf32, #tpu.memory_space<vmem>>, vector<1x1x16xf32>,
      %swap3A_141 = vector.shape_cast %swap3A_140 : vector<1x1x16xf32> to vector<16xf32>
      %swap3A_142 = vector.shape_cast %get3A_118 : vector<16xf32> to vector<1x1x16xf32>
      tpu.vector_store %arg6[%swap3A_137, %swap3A_138, %swap3A_139], %swap3A_142 {add = true, strides = array<i32>} : memref<4x8x1024xf32, #tpu.memory_space<vmem>>, vector<1x1x16xf32>,
      %swap3A_143 = arith.constant 3 : i32
      %swap3A_144 = arith.constant 2 : i32
      %swap3A_145 = arith.index_cast %swap3A_143 : i32 to index
      %swap3A_146 = arith.index_cast %swap3A_144 : i32 to index
      %swap3A_147 = arith.index_cast %add3A_113 : i32 to index
      %swap3A_148 = tpu.vector_load %arg6[%swap3A_145, %swap3A_146, %swap3A_147] {strides = array<i32>} : memref<4x8x1024xf32, #tpu.memory_space<vmem>>, vector<1x1x16xf32>,
      %swap3A_149 = vector.shape_cast %swap3A_148 : vector<1x1x16xf32> to vector<16xf32>
      %swap3A_150 = vector.shape_cast %get3A_118 : vector<16xf32> to vector<1x1x16xf32>
      tpu.vector_store %arg6[%swap3A_145, %swap3A_146, %swap3A_147], %swap3A_150 {add = true, strides = array<i32>} : memref<4x8x1024xf32, #tpu.memory_space<vmem>>, vector<1x1x16xf32>,
      %add3A_151 = arith.constant 32 : i32
      %add3A_152 = arith.addi %mul3A_74, %add3A_151 : i32
      %get3A_153 = arith.constant 2 : i32
      %get3A_154 = arith.index_cast %get3A_153 : i32 to index
      %get3A_155 = arith.index_cast %add3A_152 : i32 to index
      %get3A_156 = tpu.vector_load %arg5[%get3A_154, %get3A_155] {strides = array<i32>} : memref<8x1024xf32, #tpu.memory_space<vmem>>, vector<1x16xf32>,
      %get3A_157 = vector.shape_cast %get3A_156 : vector<1x16xf32> to vector<16xf32>
      %swap3A_158 = arith.constant 0 : i32
      %swap3A_159 = arith.constant 2 : i32
      %swap3A_160 = arith.index_cast %swap3A_158 : i32 to index
      %swap3A_161 = arith.index_cast %swap3A_159 : i32 to index
      %swap3A_162 = arith.index_cast %add3A_152 : i32 to index
      %swap3A_163 = tpu.vector_load %arg6[%swap3A_160, %swap3A_161, %swap3A_162] {strides = array<i32>} : memref<4x8x1024xf32, #tpu.memory_space<vmem>>, vector<1x1x16xf32>,
      %swap3A_164 = vector.shape_cast %swap3A_163 : vector<1x1x16xf32> to vector<16xf32>
      %swap3A_165 = vector.shape_cast %get3A_157 : vector<16xf32> to vector<1x1x16xf32>
      tpu.vector_store %arg6[%swap3A_160, %swap3A_161, %swap3A_162], %swap3A_165 {add = true, strides = array<i32>} : memref<4x8x1024xf32, #tpu.memory_space<vmem>>, vector<1x1x16xf32>,
      %swap3A_166 = arith.constant 1 : i32
      %swap3A_167 = arith.constant 2 : i32
      %swap3A_168 = arith.index_cast %swap3A_166 : i32 to index
      %swap3A_169 = arith.index_cast %swap3A_167 : i32 to index
      %swap3A_170 = arith.index_cast %add3A_152 : i32 to index
      %swap3A_171 = tpu.vector_load %arg6[%swap3A_168, %swap3A_169, %swap3A_170] {strides = array<i32>} : memref<4x8x1024xf32, #tpu.memory_space<vmem>>, vector<1x1x16xf32>,
      %swap3A_172 = vector.shape_cast %swap3A_171 : vector<1x1x16xf32> to vector<16xf32>
      %swap3A_173 = vector.shape_cast %get3A_157 : vector<16xf32> to vector<1x1x16xf32>
      tpu.vector_store %arg6[%swap3A_168, %swap3A_169, %swap3A_170], %swap3A_173 {add = true, strides = array<i32>} : memref<4x8x1024xf32, #tpu.memory_space<vmem>>, vector<1x1x16xf32>,
      %swap3A_174 = arith.constant 2 : i32
      %swap3A_175 = arith.constant 2 : i32
      %swap3A_176 = arith.index_cast %swap3A_174 : i32 to index
      %swap3A_177 = arith.index_cast %swap3A_175 : i32 to index
      %swap3A_178 = arith.index_cast %add3A_152 : i32 to index
      %swap3A_179 = tpu.vector_load %arg6[%swap3A_176, %swap3A_177, %swap3A_178] {strides = array<i32>} : memref<4x8x1024xf32, #tpu.memory_space<vmem>>, vector<1x1x16xf32>,
      %swap3A_180 = vector.shape_cast %swap3A_179 : vector<1x1x16xf32> to vector<16xf32>
      %swap3A_181 = vector.shape_cast %get3A_157 : vector<16xf32> to vector<1x1x16xf32>
      tpu.vector_store %arg6[%swap3A_176, %swap3A_177, %swap3A_178], %swap3A_181 {add = true, strides = array<i32>} : memref<4x8x1024xf32, #tpu.memory_space<vmem>>, vector<1x1x16xf32>,
      %swap3A_182 = arith.constant 3 : i32
      %swap3A_183 = arith.constant 2 : i32
      %swap3A_184 = arith.index_cast %swap3A_182 : i32 to index
      %swap3A_185 = arith.index_cast %swap3A_183 : i32 to index
      %swap3A_186 = arith.index_cast %add3A_152 : i32 to index
      %swap3A_187 = tpu.vector_load %arg6[%swap3A_184, %swap3A_185, %swap3A_186] {strides = array<i32>} : memref<4x8x1024xf32, #tpu.memory_space<vmem>>, vector<1x1x16xf32>,
      %swap3A_188 = vector.shape_cast %swap3A_187 : vector<1x1x16xf32> to vector<16xf32>
      %swap3A_189 = vector.shape_cast %get3A_157 : vector<16xf32> to vector<1x1x16xf32>
      tpu.vector_store %arg6[%swap3A_184, %swap3A_185, %swap3A_186], %swap3A_189 {add = true, strides = array<i32>} : memref<4x8x1024xf32, #tpu.memory_space<vmem>>, vector<1x1x16xf32>,
      %add3A_190 = arith.constant 48 : i32
      %add3A_191 = arith.addi %mul3A_74, %add3A_190 : i32
      %get3A_192 = arith.constant 2 : i32
      %get3A_193 = arith.index_cast %get3A_192 : i32 to index
      %get3A_194 = arith.index_cast %add3A_191 : i32 to index
      %get3A_195 = tpu.vector_load %arg5[%get3A_193, %get3A_194] {strides = array<i32>} : memref<8x1024xf32, #tpu.memory_space<vmem>>, vector<1x16xf32>,
      %get3A_196 = vector.shape_cast %get3A_195 : vector<1x16xf32> to vector<16xf32>
      %swap3A_197 = arith.constant 0 : i32
      %swap3A_198 = arith.constant 2 : i32
      %swap3A_199 = arith.index_cast %swap3A_197 : i32 to index
      %swap3A_200 = arith.index_cast %swap3A_198 : i32 to index
      %swap3A_201 = arith.index_cast %add3A_191 : i32 to index
      %swap3A_202 = tpu.vector_load %arg6[%swap3A_199, %swap3A_200, %swap3A_201] {strides = array<i32>} : memref<4x8x1024xf32, #tpu.memory_space<vmem>>, vector<1x1x16xf32>,
      %swap3A_203 = vector.shape_cast %swap3A_202 : vector<1x1x16xf32> to vector<16xf32>
      %swap3A_204 = vector.shape_cast %get3A_196 : vector<16xf32> to vector<1x1x16xf32>
      tpu.vector_store %arg6[%swap3A_199, %swap3A_200, %swap3A_201], %swap3A_204 {add = true, strides = array<i32>} : memref<4x8x1024xf32, #tpu.memory_space<vmem>>, vector<1x1x16xf32>,
      %swap3A_205 = arith.constant 1 : i32
      %swap3A_206 = arith.constant 2 : i32
      %swap3A_207 = arith.index_cast %swap3A_205 : i32 to index
      %swap3A_208 = arith.index_cast %swap3A_206 : i32 to index
      %swap3A_209 = arith.index_cast %add3A_191 : i32 to index
      %swap3A_210 = tpu.vector_load %arg6[%swap3A_207, %swap3A_208, %swap3A_209] {strides = array<i32>} : memref<4x8x1024xf32, #tpu.memory_space<vmem>>, vector<1x1x16xf32>,
      %swap3A_211 = vector.shape_cast %swap3A_210 : vector<1x1x16xf32> to vector<16xf32>
      %swap3A_212 = vector.shape_cast %get3A_196 : vector<16xf32> to vector<1x1x16xf32>
      tpu.vector_store %arg6[%swap3A_207, %swap3A_208, %swap3A_209], %swap3A_212 {add = true, strides = array<i32>} : memref<4x8x1024xf32, #tpu.memory_space<vmem>>, vector<1x1x16xf32>,
      %swap3A_213 = arith.constant 2 : i32
      %swap3A_214 = arith.constant 2 : i32
      %swap3A_215 = arith.index_cast %swap3A_213 : i32 to index
      %swap3A_216 = arith.index_cast %swap3A_214 : i32 to index
      %swap3A_217 = arith.index_cast %add3A_191 : i32 to index
      %swap3A_218 = tpu.vector_load %arg6[%swap3A_215, %swap3A_216, %swap3A_217] {strides = array<i32>} : memref<4x8x1024xf32, #tpu.memory_space<vmem>>, vector<1x1x16xf32>,
      %swap3A_219 = vector.shape_cast %swap3A_218 : vector<1x1x16xf32> to vector<16xf32>
      %swap3A_220 = vector.shape_cast %get3A_196 : vector<16xf32> to vector<1x1x16xf32>
      tpu.vector_store %arg6[%swap3A_215, %swap3A_216, %swap3A_217], %swap3A_220 {add = true, strides = array<i32>} : memref<4x8x1024xf32, #tpu.memory_space<vmem>>, vector<1x1x16xf32>,
      %swap3A_221 = arith.constant 3 : i32
      %swap3A_222 = arith.constant 2 : i32
      %swap3A_223 = arith.index_cast %swap3A_221 : i32 to index
      %swap3A_224 = arith.index_cast %swap3A_222 : i32 to index
      %swap3A_225 = arith.index_cast %add3A_191 : i32 to index
      %swap3A_226 = tpu.vector_load %arg6[%swap3A_223, %swap3A_224, %swap3A_225] {strides = array<i32>} : memref<4x8x1024xf32, #tpu.memory_space<vmem>>, vector<1x1x16xf32>,
      %swap3A_227 = vector.shape_cast %swap3A_226 : vector<1x1x16xf32> to vector<16xf32>
      %swap3A_228 = vector.shape_cast %get3A_196 : vector<16xf32> to vector<1x1x16xf32>
      tpu.vector_store %arg6[%swap3A_223, %swap3A_224, %swap3A_225], %swap3A_228 {add = true, strides = array<i32>} : memref<4x8x1024xf32, #tpu.memory_space<vmem>>, vector<1x1x16xf32>,
      %add3A_229 = arith.constant 64 : i32
      %add3A_230 = arith.addi %mul3A_74, %add3A_229 : i32
      %get3A_231 = arith.constant 2 : i32
      %get3A_232 = arith.index_cast %get3A_231 : i32 to index
      %get3A_233 = arith.index_cast %add3A_230 : i32 to index
      %get3A_234 = tpu.vector_load %arg5[%get3A_232, %get3A_233] {strides = array<i32>} : memref<8x1024xf32, #tpu.memory_space<vmem>>, vector<1x16xf32>,
      %get3A_235 = vector.shape_cast %get3A_234 : vector<1x16xf32> to vector<16xf32>
      %swap3A_236 = arith.constant 0 : i32
      %swap3A_237 = arith.constant 2 : i32
      %swap3A_238 = arith.index_cast %swap3A_236 : i32 to index
      %swap3A_239 = arith.index_cast %swap3A_237 : i32 to index
      %swap3A_240 = arith.index_cast %add3A_230 : i32 to index
      %swap3A_241 = tpu.vector_load %arg6[%swap3A_238, %swap3A_239, %swap3A_240] {strides = array<i32>} : memref<4x8x1024xf32, #tpu.memory_space<vmem>>, vector<1x1x16xf32>,
      %swap3A_242 = vector.shape_cast %swap3A_241 : vector<1x1x16xf32> to vector<16xf32>
      %swap3A_243 = vector.shape_cast %get3A_235 : vector<16xf32> to vector<1x1x16xf32>
      tpu.vector_store %arg6[%swap3A_238, %swap3A_239, %swap3A_240], %swap3A_243 {add = true, strides = array<i32>} : memref<4x8x1024xf32, #tpu.memory_space<vmem>>, vector<1x1x16xf32>,
      %swap3A_244 = arith.constant 1 : i32
      %swap3A_245 = arith.constant 2 : i32
      %swap3A_246 = arith.index_cast %swap3A_244 : i32 to index
      %swap3A_247 = arith.index_cast %swap3A_245 : i32 to index
      %swap3A_248 = arith.index_cast %add3A_230 : i32 to index
      %swap3A_249 = tpu.vector_load %arg6[%swap3A_246, %swap3A_247, %swap3A_248] {strides = array<i32>} : memref<4x8x1024xf32, #tpu.memory_space<vmem>>, vector<1x1x16xf32>,
      %swap3A_250 = vector.shape_cast %swap3A_249 : vector<1x1x16xf32> to vector<16xf32>
      %swap3A_251 = vector.shape_cast %get3A_235 : vector<16xf32> to vector<1x1x16xf32>
      tpu.vector_store %arg6[%swap3A_246, %swap3A_247, %swap3A_248], %swap3A_251 {add = true, strides = array<i32>} : memref<4x8x1024xf32, #tpu.memory_space<vmem>>, vector<1x1x16xf32>,
      %swap3A_252 = arith.constant 2 : i32
      %swap3A_253 = arith.constant 2 : i32
      %swap3A_254 = arith.index_cast %swap3A_252 : i32 to index
      %swap3A_255 = arith.index_cast %swap3A_253 : i32 to index
      %swap3A_256 = arith.index_cast %add3A_230 : i32 to index
      %swap3A_257 = tpu.vector_load %arg6[%swap3A_254, %swap3A_255, %swap3A_256] {strides = array<i32>} : memref<4x8x1024xf32, #tpu.memory_space<vmem>>, vector<1x1x16xf32>,
      %swap3A_258 = vector.shape_cast %swap3A_257 : vector<1x1x16xf32> to vector<16xf32>
      %swap3A_259 = vector.shape_cast %get3A_235 : vector<16xf32> to vector<1x1x16xf32>
      tpu.vector_store %arg6[%swap3A_254, %swap3A_255, %swap3A_256], %swap3A_259 {add = true, strides = array<i32>} : memref<4x8x1024xf32, #tpu.memory_space<vmem>>, vector<1x1x16xf32>,
      %swap3A_260 = arith.constant 3 : i32
      %swap3A_261 = arith.constant 2 : i32
      %swap3A_262 = arith.index_cast %swap3A_260 : i32 to index
      %swap3A_263 = arith.index_cast %swap3A_261 : i32 to index
      %swap3A_264 = arith.index_cast %add3A_230 : i32 to index
      %swap3A_265 = tpu.vector_load %arg6[%swap3A_262, %swap3A_263, %swap3A_264] {strides = array<i32>} : memref<4x8x1024xf32, #tpu.memory_space<vmem>>, vector<1x1x16xf32>,
      %swap3A_266 = vector.shape_cast %swap3A_265 : vector<1x1x16xf32> to vector<16xf32>
      %swap3A_267 = vector.shape_cast %get3A_235 : vector<16xf32> to vector<1x1x16xf32>
      tpu.vector_store %arg6[%swap3A_262, %swap3A_263, %swap3A_264], %swap3A_267 {add = true, strides = array<i32>} : memref<4x8x1024xf32, #tpu.memory_space<vmem>>, vector<1x1x16xf32>,
      %add3A_268 = arith.constant 80 : i32
      %add3A_269 = arith.addi %mul3A_74, %add3A_268 : i32
      %get3A_270 = arith.constant 2 : i32
      %get3A_271 = arith.index_cast %get3A_270 : i32 to index
      %get3A_272 = arith.index_cast %add3A_269 : i32 to index
      %get3A_273 = tpu.vector_load %arg5[%get3A_271, %get3A_272] {strides = array<i32>} : memref<8x1024xf32, #tpu.memory_space<vmem>>, vector<1x16xf32>,
      %get3A_274 = vector.shape_cast %get3A_273 : vector<1x16xf32> to vector<16xf32>
      %swap3A_275 = arith.constant 0 : i32
      %swap3A_276 = arith.constant 2 : i32
      %swap3A_277 = arith.index_cast %swap3A_275 : i32 to index
      %swap3A_278 = arith.index_cast %swap3A_276 : i32 to index
      %swap3A_279 = arith.index_cast %add3A_269 : i32 to index
      %swap3A_280 = tpu.vector_load %arg6[%swap3A_277, %swap3A_278, %swap3A_279] {strides = array<i32>} : memref<4x8x1024xf32, #tpu.memory_space<vmem>>, vector<1x1x16xf32>,
      %swap3A_281 = vector.shape_cast %swap3A_280 : vector<1x1x16xf32> to vector<16xf32>
      %swap3A_282 = vector.shape_cast %get3A_274 : vector<16xf32> to vector<1x1x16xf32>
      tpu.vector_store %arg6[%swap3A_277, %swap3A_278, %swap3A_279], %swap3A_282 {add = true, strides = array<i32>} : memref<4x8x1024xf32, #tpu.memory_space<vmem>>, vector<1x1x16xf32>,
      %swap3A_283 = arith.constant 1 : i32
      %swap3A_284 = arith.constant 2 : i32
      %swap3A_285 = arith.index_cast %swap3A_283 : i32 to index
      %swap3A_286 = arith.index_cast %swap3A_284 : i32 to index
      %swap3A_287 = arith.index_cast %add3A_269 : i32 to index
      %swap3A_288 = tpu.vector_load %arg6[%swap3A_285, %swap3A_286, %swap3A_287] {strides = array<i32>} : memref<4x8x1024xf32, #tpu.memory_space<vmem>>, vector<1x1x16xf32>,
      %swap3A_289 = vector.shape_cast %swap3A_288 : vector<1x1x16xf32> to vector<16xf32>
      %swap3A_290 = vector.shape_cast %get3A_274 : vector<16xf32> to vector<1x1x16xf32>
      tpu.vector_store %arg6[%swap3A_285, %swap3A_286, %swap3A_287], %swap3A_290 {add = true, strides = array<i32>} : memref<4x8x1024xf32, #tpu.memory_space<vmem>>, vector<1x1x16xf32>,
      %swap3A_291 = arith.constant 2 : i32
      %swap3A_292 = arith.constant 2 : i32
      %swap3A_293 = arith.index_cast %swap3A_291 : i32 to index
      %swap3A_294 = arith.index_cast %swap3A_292 : i32 to index
      %swap3A_295 = arith.index_cast %add3A_269 : i32 to index
      %swap3A_296 = tpu.vector_load %arg6[%swap3A_293, %swap3A_294, %swap3A_295] {strides = array<i32>} : memref<4x8x1024xf32, #tpu.memory_space<vmem>>, vector<1x1x16xf32>,
      %swap3A_297 = vector.shape_cast %swap3A_296 : vector<1x1x16xf32> to vector<16xf32>
      %swap3A_298 = vector.shape_cast %get3A_274 : vector<16xf32> to vector<1x1x16xf32>
      tpu.vector_store %arg6[%swap3A_293, %swap3A_294, %swap3A_295], %swap3A_298 {add = true, strides = array<i32>} : memref<4x8x1024xf32, #tpu.memory_space<vmem>>, vector<1x1x16xf32>,
      %swap3A_299 = arith.constant 3 : i32
      %swap3A_300 = arith.constant 2 : i32
      %swap3A_301 = arith.index_cast %swap3A_299 : i32 to index
      %swap3A_302 = arith.index_cast %swap3A_300 : i32 to index
      %swap3A_303 = arith.index_cast %add3A_269 : i32 to index
      %swap3A_304 = tpu.vector_load %arg6[%swap3A_301, %swap3A_302, %swap3A_303] {strides = array<i32>} : memref<4x8x1024xf32, #tpu.memory_space<vmem>>, vector<1x1x16xf32>,
      %swap3A_305 = vector.shape_cast %swap3A_304 : vector<1x1x16xf32> to vector<16xf32>
      %swap3A_306 = vector.shape_cast %get3A_274 : vector<16xf32> to vector<1x1x16xf32>
      tpu.vector_store %arg6[%swap3A_301, %swap3A_302, %swap3A_303], %swap3A_306 {add = true, strides = array<i32>} : memref<4x8x1024xf32, #tpu.memory_space<vmem>>, vector<1x1x16xf32>,
      %add3A_307 = arith.constant 96 : i32
      %add3A_308 = arith.addi %mul3A_74, %add3A_307 : i32
      %get3A_309 = arith.constant 2 : i32
      %get3A_310 = arith.index_cast %get3A_309 : i32 to index
      %get3A_311 = arith.index_cast %add3A_308 : i32 to index
      %get3A_312 = tpu.vector_load %arg5[%get3A_310, %get3A_311] {strides = array<i32>} : memref<8x1024xf32, #tpu.memory_space<vmem>>, vector<1x16xf32>,
      %get3A_313 = vector.shape_cast %get3A_312 : vector<1x16xf32> to vector<16xf32>
      %swap3A_314 = arith.constant 0 : i32
      %swap3A_315 = arith.constant 2 : i32
      %swap3A_316 = arith.index_cast %swap3A_314 : i32 to index
      %swap3A_317 = arith.index_cast %swap3A_315 : i32 to index
      %swap3A_318 = arith.index_cast %add3A_308 : i32 to index
      %swap3A_319 = tpu.vector_load %arg6[%swap3A_316, %swap3A_317, %swap3A_318] {strides = array<i32>} : memref<4x8x1024xf32, #tpu.memory_space<vmem>>, vector<1x1x16xf32>,
      %swap3A_320 = vector.shape_cast %swap3A_319 : vector<1x1x16xf32> to vector<16xf32>
      %swap3A_321 = vector.shape_cast %get3A_313 : vector<16xf32> to vector<1x1x16xf32>
      tpu.vector_store %arg6[%swap3A_316, %swap3A_317, %swap3A_318], %swap3A_321 {add = true, strides = array<i32>} : memref<4x8x1024xf32, #tpu.memory_space<vmem>>, vector<1x1x16xf32>,
      %swap3A_322 = arith.constant 1 : i32
      %swap3A_323 = arith.constant 2 : i32
      %swap3A_324 = arith.index_cast %swap3A_322 : i32 to index
      %swap3A_325 = arith.index_cast %swap3A_323 : i32 to index
      %swap3A_326 = arith.index_cast %add3A_308 : i32 to index
      %swap3A_327 = tpu.vector_load %arg6[%swap3A_324, %swap3A_325, %swap3A_326] {strides = array<i32>} : memref<4x8x1024xf32, #tpu.memory_space<vmem>>, vector<1x1x16xf32>,
      %swap3A_328 = vector.shape_cast %swap3A_327 : vector<1x1x16xf32> to vector<16xf32>
      %swap3A_329 = vector.shape_cast %get3A_313 : vector<16xf32> to vector<1x1x16xf32>
      tpu.vector_store %arg6[%swap3A_324, %swap3A_325, %swap3A_326], %swap3A_329 {add = true, strides = array<i32>} : memref<4x8x1024xf32, #tpu.memory_space<vmem>>, vector<1x1x16xf32>,
      %swap3A_330 = arith.constant 2 : i32
      %swap3A_331 = arith.constant 2 : i32
      %swap3A_332 = arith.index_cast %swap3A_330 : i32 to index
      %swap3A_333 = arith.index_cast %swap3A_331 : i32 to index
      %swap3A_334 = arith.index_cast %add3A_308 : i32 to index
      %swap3A_335 = tpu.vector_load %arg6[%swap3A_332, %swap3A_333, %swap3A_334] {strides = array<i32>} : memref<4x8x1024xf32, #tpu.memory_space<vmem>>, vector<1x1x16xf32>,
      %swap3A_336 = vector.shape_cast %swap3A_335 : vector<1x1x16xf32> to vector<16xf32>
      %swap3A_337 = vector.shape_cast %get3A_313 : vector<16xf32> to vector<1x1x16xf32>
      tpu.vector_store %arg6[%swap3A_332, %swap3A_333, %swap3A_334], %swap3A_337 {add = true, strides = array<i32>} : memref<4x8x1024xf32, #tpu.memory_space<vmem>>, vector<1x1x16xf32>,
      %swap3A_338 = arith.constant 3 : i32
      %swap3A_339 = arith.constant 2 : i32
      %swap3A_340 = arith.index_cast %swap3A_338 : i32 to index
      %swap3A_341 = arith.index_cast %swap3A_339 : i32 to index
      %swap3A_342 = arith.index_cast %add3A_308 : i32 to index
      %swap3A_343 = tpu.vector_load %arg6[%swap3A_340, %swap3A_341, %swap3A_342] {strides = array<i32>} : memref<4x8x1024xf32, #tpu.memory_space<vmem>>, vector<1x1x16xf32>,
      %swap3A_344 = vector.shape_cast %swap3A_343 : vector<1x1x16xf32> to vector<16xf32>
      %swap3A_345 = vector.shape_cast %get3A_313 : vector<16xf32> to vector<1x1x16xf32>
      tpu.vector_store %arg6[%swap3A_340, %swap3A_341, %swap3A_342], %swap3A_345 {add = true, strides = array<i32>} : memref<4x8x1024xf32, #tpu.memory_space<vmem>>, vector<1x1x16xf32>,
      %add3A_346 = arith.constant 112 : i32
      %add3A_347 = arith.addi %mul3A_74, %add3A_346 : i32
      %get3A_348 = arith.constant 2 : i32
      %get3A_349 = arith.index_cast %get3A_348 : i32 to index
      %get3A_350 = arith.index_cast %add3A_347 : i32 to index
      %get3A_351 = tpu.vector_load %arg5[%get3A_349, %get3A_350] {strides = array<i32>} : memref<8x1024xf32, #tpu.memory_space<vmem>>, vector<1x16xf32>,
      %get3A_352 = vector.shape_cast %get3A_351 : vector<1x16xf32> to vector<16xf32>
      %swap3A_353 = arith.constant 0 : i32
      %swap3A_354 = arith.constant 2 : i32
      %swap3A_355 = arith.index_cast %swap3A_353 : i32 to index
      %swap3A_356 = arith.index_cast %swap3A_354 : i32 to index
      %swap3A_357 = arith.index_cast %add3A_347 : i32 to index
      %swap3A_358 = tpu.vector_load %arg6[%swap3A_355, %swap3A_356, %swap3A_357] {strides = array<i32>} : memref<4x8x1024xf32, #tpu.memory_space<vmem>>, vector<1x1x16xf32>,
      %swap3A_359 = vector.shape_cast %swap3A_358 : vector<1x1x16xf32> to vector<16xf32>
      %swap3A_360 = vector.shape_cast %get3A_352 : vector<16xf32> to vector<1x1x16xf32>
      tpu.vector_store %arg6[%swap3A_355, %swap3A_356, %swap3A_357], %swap3A_360 {add = true, strides = array<i32>} : memref<4x8x1024xf32, #tpu.memory_space<vmem>>, vector<1x1x16xf32>,
      %swap3A_361 = arith.constant 1 : i32
      %swap3A_362 = arith.constant 2 : i32
      %swap3A_363 = arith.index_cast %swap3A_361 : i32 to index
      %swap3A_364 = arith.index_cast %swap3A_362 : i32 to index
      %swap3A_365 = arith.index_cast %add3A_347 : i32 to index
      %swap3A_366 = tpu.vector_load %arg6[%swap3A_363, %swap3A_364, %swap3A_365] {strides = array<i32>} : memref<4x8x1024xf32, #tpu.memory_space<vmem>>, vector<1x1x16xf32>,
      %swap3A_367 = vector.shape_cast %swap3A_366 : vector<1x1x16xf32> to vector<16xf32>
      %swap3A_368 = vector.shape_cast %get3A_352 : vector<16xf32> to vector<1x1x16xf32>
      tpu.vector_store %arg6[%swap3A_363, %swap3A_364, %swap3A_365], %swap3A_368 {add = true, strides = array<i32>} : memref<4x8x1024xf32, #tpu.memory_space<vmem>>, vector<1x1x16xf32>,
      %swap3A_369 = arith.constant 2 : i32
      %swap3A_370 = arith.constant 2 : i32
      %swap3A_371 = arith.index_cast %swap3A_369 : i32 to index
      %swap3A_372 = arith.index_cast %swap3A_370 : i32 to index
      %swap3A_373 = arith.index_cast %add3A_347 : i32 to index
      %swap3A_374 = tpu.vector_load %arg6[%swap3A_371, %swap3A_372, %swap3A_373] {strides = array<i32>} : memref<4x8x1024xf32, #tpu.memory_space<vmem>>, vector<1x1x16xf32>,
      %swap3A_375 = vector.shape_cast %swap3A_374 : vector<1x1x16xf32> to vector<16xf32>
      %swap3A_376 = vector.shape_cast %get3A_352 : vector<16xf32> to vector<1x1x16xf32>
      tpu.vector_store %arg6[%swap3A_371, %swap3A_372, %swap3A_373], %swap3A_376 {add = true, strides = array<i32>} : memref<4x8x1024xf32, #tpu.memory_space<vmem>>, vector<1x1x16xf32>,
      %swap3A_377 = arith.constant 3 : i32
      %swap3A_378 = arith.constant 2 : i32
      %swap3A_379 = arith.index_cast %swap3A_377 : i32 to index
      %swap3A_380 = arith.index_cast %swap3A_378 : i32 to index
      %swap3A_381 = arith.index_cast %add3A_347 : i32 to index
      %swap3A_382 = tpu.vector_load %arg6[%swap3A_379, %swap3A_380, %swap3A_381] {strides = array<i32>} : memref<4x8x1024xf32, #tpu.memory_space<vmem>>, vector<1x1x16xf32>,
      %swap3A_383 = vector.shape_cast %swap3A_382 : vector<1x1x16xf32> to vector<16xf32>
      %swap3A_384 = vector.shape_cast %get3A_352 : vector<16xf32> to vector<1x1x16xf32>
      tpu.vector_store %arg6[%swap3A_379, %swap3A_380, %swap3A_381], %swap3A_384 {add = true, strides = array<i32>} : memref<4x8x1024xf32, #tpu.memory_space<vmem>>, vector<1x1x16xf32>,
    }
    %scan3A_39 = arith.constant 8 : i32
    %scan3A_40 = arith.constant 0 : i32
    %scan3A_41 = arith.constant 0 : i32
    %scan3A_42 = arith.constant 8 : i32
    %scan3A_43 = arith.addi %scan3A_41, %scan3A_42 : i32
    %scan3A_44 = arith.constant 1 : i32
    scf.for %scan3A_72 = %scan3A_41 to %scan3A_43 step %scan3A_44  : i32 {
      %mul3A_73 = arith.constant 128 : i32
      %mul3A_74 = arith.muli %scan3A_72, %mul3A_73 : i32
      %add3A_75 = arith.constant 0 : i32
      %add3A_76 = arith.addi %mul3A_74, %add3A_75 : i32
      %get3A = arith.constant 3 : i32
      %get3A_77 = arith.index_cast %get3A : i32 to index
      %get3A_78 = arith.index_cast %add3A_76 : i32 to index
      %get3A_79 = tpu.vector_load %arg5[%get3A_77, %get3A_78] {strides = array<i32>} : memref<8x1024xf32, #tpu.memory_space<vmem>>, vector<1x16xf32>,
      %get3A_80 = vector.shape_cast %get3A_79 : vector<1x16xf32> to vector<16xf32>
      %swap3A = arith.constant 0 : i32
      %swap3A_81 = arith.constant 3 : i32
      %swap3A_82 = arith.index_cast %swap3A : i32 to index
      %swap3A_83 = arith.index_cast %swap3A_81 : i32 to index
      %swap3A_84 = arith.index_cast %add3A_76 : i32 to index
      %swap3A_85 = tpu.vector_load %arg6[%swap3A_82, %swap3A_83, %swap3A_84] {strides = array<i32>} : memref<4x8x1024xf32, #tpu.memory_space<vmem>>, vector<1x1x16xf32>,
      %swap3A_86 = vector.shape_cast %swap3A_85 : vector<1x1x16xf32> to vector<16xf32>
      %swap3A_87 = vector.shape_cast %get3A_80 : vector<16xf32> to vector<1x1x16xf32>
      tpu.vector_store %arg6[%swap3A_82, %swap3A_83, %swap3A_84], %swap3A_87 {add = true, strides = array<i32>} : memref<4x8x1024xf32, #tpu.memory_space<vmem>>, vector<1x1x16xf32>,
      %swap3A_88 = arith.constant 1 : i32
      %swap3A_89 = arith.constant 3 : i32
      %swap3A_90 = arith.index_cast %swap3A_88 : i32 to index
      %swap3A_91 = arith.index_cast %swap3A_89 : i32 to index
      %swap3A_92 = arith.index_cast %add3A_76 : i32 to index
      %swap3A_93 = tpu.vector_load %arg6[%swap3A_90, %swap3A_91, %swap3A_92] {strides = array<i32>} : memref<4x8x1024xf32, #tpu.memory_space<vmem>>, vector<1x1x16xf32>,
      %swap3A_94 = vector.shape_cast %swap3A_93 : vector<1x1x16xf32> to vector<16xf32>
      %swap3A_95 = vector.shape_cast %get3A_80 : vector<16xf32> to vector<1x1x16xf32>
      tpu.vector_store %arg6[%swap3A_90, %swap3A_91, %swap3A_92], %swap3A_95 {add = true, strides = array<i32>} : memref<4x8x1024xf32, #tpu.memory_space<vmem>>, vector<1x1x16xf32>,
      %swap3A_96 = arith.constant 2 : i32
      %swap3A_97 = arith.constant 3 : i32
      %swap3A_98 = arith.index_cast %swap3A_96 : i32 to index
      %swap3A_99 = arith.index_cast %swap3A_97 : i32 to index
      %swap3A_100 = arith.index_cast %add3A_76 : i32 to index
      %swap3A_101 = tpu.vector_load %arg6[%swap3A_98, %swap3A_99, %swap3A_100] {strides = array<i32>} : memref<4x8x1024xf32, #tpu.memory_space<vmem>>, vector<1x1x16xf32>,
      %swap3A_102 = vector.shape_cast %swap3A_101 : vector<1x1x16xf32> to vector<16xf32>
      %swap3A_103 = vector.shape_cast %get3A_80 : vector<16xf32> to vector<1x1x16xf32>
      tpu.vector_store %arg6[%swap3A_98, %swap3A_99, %swap3A_100], %swap3A_103 {add = true, strides = array<i32>} : memref<4x8x1024xf32, #tpu.memory_space<vmem>>, vector<1x1x16xf32>,
      %swap3A_104 = arith.constant 3 : i32
      %swap3A_105 = arith.constant 3 : i32
      %swap3A_106 = arith.index_cast %swap3A_104 : i32 to index
      %swap3A_107 = arith.index_cast %swap3A_105 : i32 to index
      %swap3A_108 = arith.index_cast %add3A_76 : i32 to index
      %swap3A_109 = tpu.vector_load %arg6[%swap3A_106, %swap3A_107, %swap3A_108] {strides = array<i32>} : memref<4x8x1024xf32, #tpu.memory_space<vmem>>, vector<1x1x16xf32>,
      %swap3A_110 = vector.shape_cast %swap3A_109 : vector<1x1x16xf32> to vector<16xf32>
      %swap3A_111 = vector.shape_cast %get3A_80 : vector<16xf32> to vector<1x1x16xf32>
      tpu.vector_store %arg6[%swap3A_106, %swap3A_107, %swap3A_108], %swap3A_111 {add = true, strides = array<i32>} : memref<4x8x1024xf32, #tpu.memory_space<vmem>>, vector<1x1x16xf32>,
      %add3A_112 = arith.constant 16 : i32
      %add3A_113 = arith.addi %mul3A_74, %add3A_112 : i32
      %get3A_114 = arith.constant 3 : i32
      %get3A_115 = arith.index_cast %get3A_114 : i32 to index
      %get3A_116 = arith.index_cast %add3A_113 : i32 to index
      %get3A_117 = tpu.vector_load %arg5[%get3A_115, %get3A_116] {strides = array<i32>} : memref<8x1024xf32, #tpu.memory_space<vmem>>, vector<1x16xf32>,
      %get3A_118 = vector.shape_cast %get3A_117 : vector<1x16xf32> to vector<16xf32>
      %swap3A_119 = arith.constant 0 : i32
      %swap3A_120 = arith.constant 3 : i32
      %swap3A_121 = arith.index_cast %swap3A_119 : i32 to index
      %swap3A_122 = arith.index_cast %swap3A_120 : i32 to index
      %swap3A_123 = arith.index_cast %add3A_113 : i32 to index
      %swap3A_124 = tpu.vector_load %arg6[%swap3A_121, %swap3A_122, %swap3A_123] {strides = array<i32>} : memref<4x8x1024xf32, #tpu.memory_space<vmem>>, vector<1x1x16xf32>,
      %swap3A_125 = vector.shape_cast %swap3A_124 : vector<1x1x16xf32> to vector<16xf32>
      %swap3A_126 = vector.shape_cast %get3A_118 : vector<16xf32> to vector<1x1x16xf32>
      tpu.vector_store %arg6[%swap3A_121, %swap3A_122, %swap3A_123], %swap3A_126 {add = true, strides = array<i32>} : memref<4x8x1024xf32, #tpu.memory_space<vmem>>, vector<1x1x16xf32>,
      %swap3A_127 = arith.constant 1 : i32
      %swap3A_128 = arith.constant 3 : i32
      %swap3A_129 = arith.index_cast %swap3A_127 : i32 to index
      %swap3A_130 = arith.index_cast %swap3A_128 : i32 to index
      %swap3A_131 = arith.index_cast %add3A_113 : i32 to index
      %swap3A_132 = tpu.vector_load %arg6[%swap3A_129, %swap3A_130, %swap3A_131] {strides = array<i32>} : memref<4x8x1024xf32, #tpu.memory_space<vmem>>, vector<1x1x16xf32>,
      %swap3A_133 = vector.shape_cast %swap3A_132 : vector<1x1x16xf32> to vector<16xf32>
      %swap3A_134 = vector.shape_cast %get3A_118 : vector<16xf32> to vector<1x1x16xf32>
      tpu.vector_store %arg6[%swap3A_129, %swap3A_130, %swap3A_131], %swap3A_134 {add = true, strides = array<i32>} : memref<4x8x1024xf32, #tpu.memory_space<vmem>>, vector<1x1x16xf32>,
      %swap3A_135 = arith.constant 2 : i32
      %swap3A_136 = arith.constant 3 : i32
      %swap3A_137 = arith.index_cast %swap3A_135 : i32 to index
      %swap3A_138 = arith.index_cast %swap3A_136 : i32 to index
      %swap3A_139 = arith.index_cast %add3A_113 : i32 to index
      %swap3A_140 = tpu.vector_load %arg6[%swap3A_137, %swap3A_138, %swap3A_139] {strides = array<i32>} : memref<4x8x1024xf32, #tpu.memory_space<vmem>>, vector<1x1x16xf32>,
      %swap3A_141 = vector.shape_cast %swap3A_140 : vector<1x1x16xf32> to vector<16xf32>
      %swap3A_142 = vector.shape_cast %get3A_118 : vector<16xf32> to vector<1x1x16xf32>
      tpu.vector_store %arg6[%swap3A_137, %swap3A_138, %swap3A_139], %swap3A_142 {add = true, strides = array<i32>} : memref<4x8x1024xf32, #tpu.memory_space<vmem>>, vector<1x1x16xf32>,
      %swap3A_143 = arith.constant 3 : i32
      %swap3A_144 = arith.constant 3 : i32
      %swap3A_145 = arith.index_cast %swap3A_143 : i32 to index
      %swap3A_146 = arith.index_cast %swap3A_144 : i32 to index
      %swap3A_147 = arith.index_cast %add3A_113 : i32 to index
      %swap3A_148 = tpu.vector_load %arg6[%swap3A_145, %swap3A_146, %swap3A_147] {strides = array<i32>} : memref<4x8x1024xf32, #tpu.memory_space<vmem>>, vector<1x1x16xf32>,
      %swap3A_149 = vector.shape_cast %swap3A_148 : vector<1x1x16xf32> to vector<16xf32>
      %swap3A_150 = vector.shape_cast %get3A_118 : vector<16xf32> to vector<1x1x16xf32>
      tpu.vector_store %arg6[%swap3A_145, %swap3A_146, %swap3A_147], %swap3A_150 {add = true, strides = array<i32>} : memref<4x8x1024xf32, #tpu.memory_space<vmem>>, vector<1x1x16xf32>,
      %add3A_151 = arith.constant 32 : i32
      %add3A_152 = arith.addi %mul3A_74, %add3A_151 : i32
      %get3A_153 = arith.constant 3 : i32
      %get3A_154 = arith.index_cast %get3A_153 : i32 to index
      %get3A_155 = arith.index_cast %add3A_152 : i32 to index
      %get3A_156 = tpu.vector_load %arg5[%get3A_154, %get3A_155] {strides = array<i32>} : memref<8x1024xf32, #tpu.memory_space<vmem>>, vector<1x16xf32>,
      %get3A_157 = vector.shape_cast %get3A_156 : vector<1x16xf32> to vector<16xf32>
      %swap3A_158 = arith.constant 0 : i32
      %swap3A_159 = arith.constant 3 : i32
      %swap3A_160 = arith.index_cast %swap3A_158 : i32 to index
      %swap3A_161 = arith.index_cast %swap3A_159 : i32 to index
      %swap3A_162 = arith.index_cast %add3A_152 : i32 to index
      %swap3A_163 = tpu.vector_load %arg6[%swap3A_160, %swap3A_161, %swap3A_162] {strides = array<i32>} : memref<4x8x1024xf32, #tpu.memory_space<vmem>>, vector<1x1x16xf32>,
      %swap3A_164 = vector.shape_cast %swap3A_163 : vector<1x1x16xf32> to vector<16xf32>
      %swap3A_165 = vector.shape_cast %get3A_157 : vector<16xf32> to vector<1x1x16xf32>
      tpu.vector_store %arg6[%swap3A_160, %swap3A_161, %swap3A_162], %swap3A_165 {add = true, strides = array<i32>} : memref<4x8x1024xf32, #tpu.memory_space<vmem>>, vector<1x1x16xf32>,
      %swap3A_166 = arith.constant 1 : i32
      %swap3A_167 = arith.constant 3 : i32
      %swap3A_168 = arith.index_cast %swap3A_166 : i32 to index
      %swap3A_169 = arith.index_cast %swap3A_167 : i32 to index
      %swap3A_170 = arith.index_cast %add3A_152 : i32 to index
      %swap3A_171 = tpu.vector_load %arg6[%swap3A_168, %swap3A_169, %swap3A_170] {strides = array<i32>} : memref<4x8x1024xf32, #tpu.memory_space<vmem>>, vector<1x1x16xf32>,
      %swap3A_172 = vector.shape_cast %swap3A_171 : vector<1x1x16xf32> to vector<16xf32>
      %swap3A_173 = vector.shape_cast %get3A_157 : vector<16xf32> to vector<1x1x16xf32>
      tpu.vector_store %arg6[%swap3A_168, %swap3A_169, %swap3A_170], %swap3A_173 {add = true, strides = array<i32>} : memref<4x8x1024xf32, #tpu.memory_space<vmem>>, vector<1x1x16xf32>,
      %swap3A_174 = arith.constant 2 : i32
      %swap3A_175 = arith.constant 3 : i32
      %swap3A_176 = arith.index_cast %swap3A_174 : i32 to index
      %swap3A_177 = arith.index_cast %swap3A_175 : i32 to index
      %swap3A_178 = arith.index_cast %add3A_152 : i32 to index
      %swap3A_179 = tpu.vector_load %arg6[%swap3A_176, %swap3A_177, %swap3A_178] {strides = array<i32>} : memref<4x8x1024xf32, #tpu.memory_space<vmem>>, vector<1x1x16xf32>,
      %swap3A_180 = vector.shape_cast %swap3A_179 : vector<1x1x16xf32> to vector<16xf32>
      %swap3A_181 = vector.shape_cast %get3A_157 : vector<16xf32> to vector<1x1x16xf32>
      tpu.vector_store %arg6[%swap3A_176, %swap3A_177, %swap3A_178], %swap3A_181 {add = true, strides = array<i32>} : memref<4x8x1024xf32, #tpu.memory_space<vmem>>, vector<1x1x16xf32>,
      %swap3A_182 = arith.constant 3 : i32
      %swap3A_183 = arith.constant 3 : i32
      %swap3A_184 = arith.index_cast %swap3A_182 : i32 to index
      %swap3A_185 = arith.index_cast %swap3A_183 : i32 to index
      %swap3A_186 = arith.index_cast %add3A_152 : i32 to index
      %swap3A_187 = tpu.vector_load %arg6[%swap3A_184, %swap3A_185, %swap3A_186] {strides = array<i32>} : memref<4x8x1024xf32, #tpu.memory_space<vmem>>, vector<1x1x16xf32>,
      %swap3A_188 = vector.shape_cast %swap3A_187 : vector<1x1x16xf32> to vector<16xf32>
      %swap3A_189 = vector.shape_cast %get3A_157 : vector<16xf32> to vector<1x1x16xf32>
      tpu.vector_store %arg6[%swap3A_184, %swap3A_185, %swap3A_186], %swap3A_189 {add = true, strides = array<i32>} : memref<4x8x1024xf32, #tpu.memory_space<vmem>>, vector<1x1x16xf32>,
      %add3A_190 = arith.constant 48 : i32
      %add3A_191 = arith.addi %mul3A_74, %add3A_190 : i32
      %get3A_192 = arith.constant 3 : i32
      %get3A_193 = arith.index_cast %get3A_192 : i32 to index
      %get3A_194 = arith.index_cast %add3A_191 : i32 to index
      %get3A_195 = tpu.vector_load %arg5[%get3A_193, %get3A_194] {strides = array<i32>} : memref<8x1024xf32, #tpu.memory_space<vmem>>, vector<1x16xf32>,
      %get3A_196 = vector.shape_cast %get3A_195 : vector<1x16xf32> to vector<16xf32>
      %swap3A_197 = arith.constant 0 : i32
      %swap3A_198 = arith.constant 3 : i32
      %swap3A_199 = arith.index_cast %swap3A_197 : i32 to index
      %swap3A_200 = arith.index_cast %swap3A_198 : i32 to index
      %swap3A_201 = arith.index_cast %add3A_191 : i32 to index
      %swap3A_202 = tpu.vector_load %arg6[%swap3A_199, %swap3A_200, %swap3A_201] {strides = array<i32>} : memref<4x8x1024xf32, #tpu.memory_space<vmem>>, vector<1x1x16xf32>,
      %swap3A_203 = vector.shape_cast %swap3A_202 : vector<1x1x16xf32> to vector<16xf32>
      %swap3A_204 = vector.shape_cast %get3A_196 : vector<16xf32> to vector<1x1x16xf32>
      tpu.vector_store %arg6[%swap3A_199, %swap3A_200, %swap3A_201], %swap3A_204 {add = true, strides = array<i32>} : memref<4x8x1024xf32, #tpu.memory_space<vmem>>, vector<1x1x16xf32>,
      %swap3A_205 = arith.constant 1 : i32
      %swap3A_206 = arith.constant 3 : i32
      %swap3A_207 = arith.index_cast %swap3A_205 : i32 to index
      %swap3A_208 = arith.index_cast %swap3A_206 : i32 to index
      %swap3A_209 = arith.index_cast %add3A_191 : i32 to index
      %swap3A_210 = tpu.vector_load %arg6[%swap3A_207, %swap3A_208, %swap3A_209] {strides = array<i32>} : memref<4x8x1024xf32, #tpu.memory_space<vmem>>, vector<1x1x16xf32>,
      %swap3A_211 = vector.shape_cast %swap3A_210 : vector<1x1x16xf32> to vector<16xf32>
      %swap3A_212 = vector.shape_cast %get3A_196 : vector<16xf32> to vector<1x1x16xf32>
      tpu.vector_store %arg6[%swap3A_207, %swap3A_208, %swap3A_209], %swap3A_212 {add = true, strides = array<i32>} : memref<4x8x1024xf32, #tpu.memory_space<vmem>>, vector<1x1x16xf32>,
      %swap3A_213 = arith.constant 2 : i32
      %swap3A_214 = arith.constant 3 : i32
      %swap3A_215 = arith.index_cast %swap3A_213 : i32 to index
      %swap3A_216 = arith.index_cast %swap3A_214 : i32 to index
      %swap3A_217 = arith.index_cast %add3A_191 : i32 to index
      %swap3A_218 = tpu.vector_load %arg6[%swap3A_215, %swap3A_216, %swap3A_217] {strides = array<i32>} : memref<4x8x1024xf32, #tpu.memory_space<vmem>>, vector<1x1x16xf32>,
      %swap3A_219 = vector.shape_cast %swap3A_218 : vector<1x1x16xf32> to vector<16xf32>
      %swap3A_220 = vector.shape_cast %get3A_196 : vector<16xf32> to vector<1x1x16xf32>
      tpu.vector_store %arg6[%swap3A_215, %swap3A_216, %swap3A_217], %swap3A_220 {add = true, strides = array<i32>} : memref<4x8x1024xf32, #tpu.memory_space<vmem>>, vector<1x1x16xf32>,
      %swap3A_221 = arith.constant 3 : i32
      %swap3A_222 = arith.constant 3 : i32
      %swap3A_223 = arith.index_cast %swap3A_221 : i32 to index
      %swap3A_224 = arith.index_cast %swap3A_222 : i32 to index
      %swap3A_225 = arith.index_cast %add3A_191 : i32 to index
      %swap3A_226 = tpu.vector_load %arg6[%swap3A_223, %swap3A_224, %swap3A_225] {strides = array<i32>} : memref<4x8x1024xf32, #tpu.memory_space<vmem>>, vector<1x1x16xf32>,
      %swap3A_227 = vector.shape_cast %swap3A_226 : vector<1x1x16xf32> to vector<16xf32>
      %swap3A_228 = vector.shape_cast %get3A_196 : vector<16xf32> to vector<1x1x16xf32>
      tpu.vector_store %arg6[%swap3A_223, %swap3A_224, %swap3A_225], %swap3A_228 {add = true, strides = array<i32>} : memref<4x8x1024xf32, #tpu.memory_space<vmem>>, vector<1x1x16xf32>,
      %add3A_229 = arith.constant 64 : i32
      %add3A_230 = arith.addi %mul3A_74, %add3A_229 : i32
      %get3A_231 = arith.constant 3 : i32
      %get3A_232 = arith.index_cast %get3A_231 : i32 to index
      %get3A_233 = arith.index_cast %add3A_230 : i32 to index
      %get3A_234 = tpu.vector_load %arg5[%get3A_232, %get3A_233] {strides = array<i32>} : memref<8x1024xf32, #tpu.memory_space<vmem>>, vector<1x16xf32>,
      %get3A_235 = vector.shape_cast %get3A_234 : vector<1x16xf32> to vector<16xf32>
      %swap3A_236 = arith.constant 0 : i32
      %swap3A_237 = arith.constant 3 : i32
      %swap3A_238 = arith.index_cast %swap3A_236 : i32 to index
      %swap3A_239 = arith.index_cast %swap3A_237 : i32 to index
      %swap3A_240 = arith.index_cast %add3A_230 : i32 to index
      %swap3A_241 = tpu.vector_load %arg6[%swap3A_238, %swap3A_239, %swap3A_240] {strides = array<i32>} : memref<4x8x1024xf32, #tpu.memory_space<vmem>>, vector<1x1x16xf32>,
      %swap3A_242 = vector.shape_cast %swap3A_241 : vector<1x1x16xf32> to vector<16xf32>
      %swap3A_243 = vector.shape_cast %get3A_235 : vector<16xf32> to vector<1x1x16xf32>
      tpu.vector_store %arg6[%swap3A_238, %swap3A_239, %swap3A_240], %swap3A_243 {add = true, strides = array<i32>} : memref<4x8x1024xf32, #tpu.memory_space<vmem>>, vector<1x1x16xf32>,
      %swap3A_244 = arith.constant 1 : i32
      %swap3A_245 = arith.constant 3 : i32
      %swap3A_246 = arith.index_cast %swap3A_244 : i32 to index
      %swap3A_247 = arith.index_cast %swap3A_245 : i32 to index
      %swap3A_248 = arith.index_cast %add3A_230 : i32 to index
      %swap3A_249 = tpu.vector_load %arg6[%swap3A_246, %swap3A_247, %swap3A_248] {strides = array<i32>} : memref<4x8x1024xf32, #tpu.memory_space<vmem>>, vector<1x1x16xf32>,
      %swap3A_250 = vector.shape_cast %swap3A_249 : vector<1x1x16xf32> to vector<16xf32>
      %swap3A_251 = vector.shape_cast %get3A_235 : vector<16xf32> to vector<1x1x16xf32>
      tpu.vector_store %arg6[%swap3A_246, %swap3A_247, %swap3A_248], %swap3A_251 {add = true, strides = array<i32>} : memref<4x8x1024xf32, #tpu.memory_space<vmem>>, vector<1x1x16xf32>,
      %swap3A_252 = arith.constant 2 : i32
      %swap3A_253 = arith.constant 3 : i32
      %swap3A_254 = arith.index_cast %swap3A_252 : i32 to index
      %swap3A_255 = arith.index_cast %swap3A_253 : i32 to index
      %swap3A_256 = arith.index_cast %add3A_230 : i32 to index
      %swap3A_257 = tpu.vector_load %arg6[%swap3A_254, %swap3A_255, %swap3A_256] {strides = array<i32>} : memref<4x8x1024xf32, #tpu.memory_space<vmem>>, vector<1x1x16xf32>,
      %swap3A_258 = vector.shape_cast %swap3A_257 : vector<1x1x16xf32> to vector<16xf32>
      %swap3A_259 = vector.shape_cast %get3A_235 : vector<16xf32> to vector<1x1x16xf32>
      tpu.vector_store %arg6[%swap3A_254, %swap3A_255, %swap3A_256], %swap3A_259 {add = true, strides = array<i32>} : memref<4x8x1024xf32, #tpu.memory_space<vmem>>, vector<1x1x16xf32>,
      %swap3A_260 = arith.constant 3 : i32
      %swap3A_261 = arith.constant 3 : i32
      %swap3A_262 = arith.index_cast %swap3A_260 : i32 to index
      %swap3A_263 = arith.index_cast %swap3A_261 : i32 to index
      %swap3A_264 = arith.index_cast %add3A_230 : i32 to index
      %swap3A_265 = tpu.vector_load %arg6[%swap3A_262, %swap3A_263, %swap3A_264] {strides = array<i32>} : memref<4x8x1024xf32, #tpu.memory_space<vmem>>, vector<1x1x16xf32>,
      %swap3A_266 = vector.shape_cast %swap3A_265 : vector<1x1x16xf32> to vector<16xf32>
      %swap3A_267 = vector.shape_cast %get3A_235 : vector<16xf32> to vector<1x1x16xf32>
      tpu.vector_store %arg6[%swap3A_262, %swap3A_263, %swap3A_264], %swap3A_267 {add = true, strides = array<i32>} : memref<4x8x1024xf32, #tpu.memory_space<vmem>>, vector<1x1x16xf32>,
      %add3A_268 = arith.constant 80 : i32
      %add3A_269 = arith.addi %mul3A_74, %add3A_268 : i32
      %get3A_270 = arith.constant 3 : i32
      %get3A_271 = arith.index_cast %get3A_270 : i32 to index
      %get3A_272 = arith.index_cast %add3A_269 : i32 to index
      %get3A_273 = tpu.vector_load %arg5[%get3A_271, %get3A_272] {strides = array<i32>} : memref<8x1024xf32, #tpu.memory_space<vmem>>, vector<1x16xf32>,
      %get3A_274 = vector.shape_cast %get3A_273 : vector<1x16xf32> to vector<16xf32>
      %swap3A_275 = arith.constant 0 : i32
      %swap3A_276 = arith.constant 3 : i32
      %swap3A_277 = arith.index_cast %swap3A_275 : i32 to index
      %swap3A_278 = arith.index_cast %swap3A_276 : i32 to index
      %swap3A_279 = arith.index_cast %add3A_269 : i32 to index
      %swap3A_280 = tpu.vector_load %arg6[%swap3A_277, %swap3A_278, %swap3A_279] {strides = array<i32>} : memref<4x8x1024xf32, #tpu.memory_space<vmem>>, vector<1x1x16xf32>,
      %swap3A_281 = vector.shape_cast %swap3A_280 : vector<1x1x16xf32> to vector<16xf32>
      %swap3A_282 = vector.shape_cast %get3A_274 : vector<16xf32> to vector<1x1x16xf32>
      tpu.vector_store %arg6[%swap3A_277, %swap3A_278, %swap3A_279], %swap3A_282 {add = true, strides = array<i32>} : memref<4x8x1024xf32, #tpu.memory_space<vmem>>, vector<1x1x16xf32>,
      %swap3A_283 = arith.constant 1 : i32
      %swap3A_284 = arith.constant 3 : i32
      %swap3A_285 = arith.index_cast %swap3A_283 : i32 to index
      %swap3A_286 = arith.index_cast %swap3A_284 : i32 to index
      %swap3A_287 = arith.index_cast %add3A_269 : i32 to index
      %swap3A_288 = tpu.vector_load %arg6[%swap3A_285, %swap3A_286, %swap3A_287] {strides = array<i32>} : memref<4x8x1024xf32, #tpu.memory_space<vmem>>, vector<1x1x16xf32>,
      %swap3A_289 = vector.shape_cast %swap3A_288 : vector<1x1x16xf32> to vector<16xf32>
      %swap3A_290 = vector.shape_cast %get3A_274 : vector<16xf32> to vector<1x1x16xf32>
      tpu.vector_store %arg6[%swap3A_285, %swap3A_286, %swap3A_287], %swap3A_290 {add = true, strides = array<i32>} : memref<4x8x1024xf32, #tpu.memory_space<vmem>>, vector<1x1x16xf32>,
      %swap3A_291 = arith.constant 2 : i32
      %swap3A_292 = arith.constant 3 : i32
      %swap3A_293 = arith.index_cast %swap3A_291 : i32 to index
      %swap3A_294 = arith.index_cast %swap3A_292 : i32 to index
      %swap3A_295 = arith.index_cast %add3A_269 : i32 to index
      %swap3A_296 = tpu.vector_load %arg6[%swap3A_293, %swap3A_294, %swap3A_295] {strides = array<i32>} : memref<4x8x1024xf32, #tpu.memory_space<vmem>>, vector<1x1x16xf32>,
      %swap3A_297 = vector.shape_cast %swap3A_296 : vector<1x1x16xf32> to vector<16xf32>
      %swap3A_298 = vector.shape_cast %get3A_274 : vector<16xf32> to vector<1x1x16xf32>
      tpu.vector_store %arg6[%swap3A_293, %swap3A_294, %swap3A_295], %swap3A_298 {add = true, strides = array<i32>} : memref<4x8x1024xf32, #tpu.memory_space<vmem>>, vector<1x1x16xf32>,
      %swap3A_299 = arith.constant 3 : i32
      %swap3A_300 = arith.constant 3 : i32
      %swap3A_301 = arith.index_cast %swap3A_299 : i32 to index
      %swap3A_302 = arith.index_cast %swap3A_300 : i32 to index
      %swap3A_303 = arith.index_cast %add3A_269 : i32 to index
      %swap3A_304 = tpu.vector_load %arg6[%swap3A_301, %swap3A_302, %swap3A_303] {strides = array<i32>} : memref<4x8x1024xf32, #tpu.memory_space<vmem>>, vector<1x1x16xf32>,
      %swap3A_305 = vector.shape_cast %swap3A_304 : vector<1x1x16xf32> to vector<16xf32>
      %swap3A_306 = vector.shape_cast %get3A_274 : vector<16xf32> to vector<1x1x16xf32>
      tpu.vector_store %arg6[%swap3A_301, %swap3A_302, %swap3A_303], %swap3A_306 {add = true, strides = array<i32>} : memref<4x8x1024xf32, #tpu.memory_space<vmem>>, vector<1x1x16xf32>,
      %add3A_307 = arith.constant 96 : i32
      %add3A_308 = arith.addi %mul3A_74, %add3A_307 : i32
      %get3A_309 = arith.constant 3 : i32
      %get3A_310 = arith.index_cast %get3A_309 : i32 to index
      %get3A_311 = arith.index_cast %add3A_308 : i32 to index
      %get3A_312 = tpu.vector_load %arg5[%get3A_310, %get3A_311] {strides = array<i32>} : memref<8x1024xf32, #tpu.memory_space<vmem>>, vector<1x16xf32>,
      %get3A_313 = vector.shape_cast %get3A_312 : vector<1x16xf32> to vector<16xf32>
      %swap3A_314 = arith.constant 0 : i32
      %swap3A_315 = arith.constant 3 : i32
      %swap3A_316 = arith.index_cast %swap3A_314 : i32 to index
      %swap3A_317 = arith.index_cast %swap3A_315 : i32 to index
      %swap3A_318 = arith.index_cast %add3A_308 : i32 to index
      %swap3A_319 = tpu.vector_load %arg6[%swap3A_316, %swap3A_317, %swap3A_318] {strides = array<i32>} : memref<4x8x1024xf32, #tpu.memory_space<vmem>>, vector<1x1x16xf32>,
      %swap3A_320 = vector.shape_cast %swap3A_319 : vector<1x1x16xf32> to vector<16xf32>
      %swap3A_321 = vector.shape_cast %get3A_313 : vector<16xf32> to vector<1x1x16xf32>
      tpu.vector_store %arg6[%swap3A_316, %swap3A_317, %swap3A_318], %swap3A_321 {add = true, strides = array<i32>} : memref<4x8x1024xf32, #tpu.memory_space<vmem>>, vector<1x1x16xf32>,
      %swap3A_322 = arith.constant 1 : i32
      %swap3A_323 = arith.constant 3 : i32
      %swap3A_324 = arith.index_cast %swap3A_322 : i32 to index
      %swap3A_325 = arith.index_cast %swap3A_323 : i32 to index
      %swap3A_326 = arith.index_cast %add3A_308 : i32 to index
      %swap3A_327 = tpu.vector_load %arg6[%swap3A_324, %swap3A_325, %swap3A_326] {strides = array<i32>} : memref<4x8x1024xf32, #tpu.memory_space<vmem>>, vector<1x1x16xf32>,
      %swap3A_328 = vector.shape_cast %swap3A_327 : vector<1x1x16xf32> to vector<16xf32>
      %swap3A_329 = vector.shape_cast %get3A_313 : vector<16xf32> to vector<1x1x16xf32>
      tpu.vector_store %arg6[%swap3A_324, %swap3A_325, %swap3A_326], %swap3A_329 {add = true, strides = array<i32>} : memref<4x8x1024xf32, #tpu.memory_space<vmem>>, vector<1x1x16xf32>,
      %swap3A_330 = arith.constant 2 : i32
      %swap3A_331 = arith.constant 3 : i32
      %swap3A_332 = arith.index_cast %swap3A_330 : i32 to index
      %swap3A_333 = arith.index_cast %swap3A_331 : i32 to index
      %swap3A_334 = arith.index_cast %add3A_308 : i32 to index
      %swap3A_335 = tpu.vector_load %arg6[%swap3A_332, %swap3A_333, %swap3A_334] {strides = array<i32>} : memref<4x8x1024xf32, #tpu.memory_space<vmem>>, vector<1x1x16xf32>,
      %swap3A_336 = vector.shape_cast %swap3A_335 : vector<1x1x16xf32> to vector<16xf32>
      %swap3A_337 = vector.shape_cast %get3A_313 : vector<16xf32> to vector<1x1x16xf32>
      tpu.vector_store %arg6[%swap3A_332, %swap3A_333, %swap3A_334], %swap3A_337 {add = true, strides = array<i32>} : memref<4x8x1024xf32, #tpu.memory_space<vmem>>, vector<1x1x16xf32>,
      %swap3A_338 = arith.constant 3 : i32
      %swap3A_339 = arith.constant 3 : i32
      %swap3A_340 = arith.index_cast %swap3A_338 : i32 to index
      %swap3A_341 = arith.index_cast %swap3A_339 : i32 to index
      %swap3A_342 = arith.index_cast %add3A_308 : i32 to index
      %swap3A_343 = tpu.vector_load %arg6[%swap3A_340, %swap3A_341, %swap3A_342] {strides = array<i32>} : memref<4x8x1024xf32, #tpu.memory_space<vmem>>, vector<1x1x16xf32>,
      %swap3A_344 = vector.shape_cast %swap3A_343 : vector<1x1x16xf32> to vector<16xf32>
      %swap3A_345 = vector.shape_cast %get3A_313 : vector<16xf32> to vector<1x1x16xf32>
      tpu.vector_store %arg6[%swap3A_340, %swap3A_341, %swap3A_342], %swap3A_345 {add = true, strides = array<i32>} : memref<4x8x1024xf32, #tpu.memory_space<vmem>>, vector<1x1x16xf32>,
      %add3A_346 = arith.constant 112 : i32
      %add3A_347 = arith.addi %mul3A_74, %add3A_346 : i32
      %get3A_348 = arith.constant 3 : i32
      %get3A_349 = arith.index_cast %get3A_348 : i32 to index
      %get3A_350 = arith.index_cast %add3A_347 : i32 to index
      %get3A_351 = tpu.vector_load %arg5[%get3A_349, %get3A_350] {strides = array<i32>} : memref<8x1024xf32, #tpu.memory_space<vmem>>, vector<1x16xf32>,
      %get3A_352 = vector.shape_cast %get3A_351 : vector<1x16xf32> to vector<16xf32>
      %swap3A_353 = arith.constant 0 : i32
      %swap3A_354 = arith.constant 3 : i32
      %swap3A_355 = arith.index_cast %swap3A_353 : i32 to index
      %swap3A_356 = arith.index_cast %swap3A_354 : i32 to index
      %swap3A_357 = arith.index_cast %add3A_347 : i32 to index
      %swap3A_358 = tpu.vector_load %arg6[%swap3A_355, %swap3A_356, %swap3A_357] {strides = array<i32>} : memref<4x8x1024xf32, #tpu.memory_space<vmem>>, vector<1x1x16xf32>,
      %swap3A_359 = vector.shape_cast %swap3A_358 : vector<1x1x16xf32> to vector<16xf32>
      %swap3A_360 = vector.shape_cast %get3A_352 : vector<16xf32> to vector<1x1x16xf32>
      tpu.vector_store %arg6[%swap3A_355, %swap3A_356, %swap3A_357], %swap3A_360 {add = true, strides = array<i32>} : memref<4x8x1024xf32, #tpu.memory_space<vmem>>, vector<1x1x16xf32>,
      %swap3A_361 = arith.constant 1 : i32
      %swap3A_362 = arith.constant 3 : i32
      %swap3A_363 = arith.index_cast %swap3A_361 : i32 to index
      %swap3A_364 = arith.index_cast %swap3A_362 : i32 to index
      %swap3A_365 = arith.index_cast %add3A_347 : i32 to index
      %swap3A_366 = tpu.vector_load %arg6[%swap3A_363, %swap3A_364, %swap3A_365] {strides = array<i32>} : memref<4x8x1024xf32, #tpu.memory_space<vmem>>, vector<1x1x16xf32>,
      %swap3A_367 = vector.shape_cast %swap3A_366 : vector<1x1x16xf32> to vector<16xf32>
      %swap3A_368 = vector.shape_cast %get3A_352 : vector<16xf32> to vector<1x1x16xf32>
      tpu.vector_store %arg6[%swap3A_363, %swap3A_364, %swap3A_365], %swap3A_368 {add = true, strides = array<i32>} : memref<4x8x1024xf32, #tpu.memory_space<vmem>>, vector<1x1x16xf32>,
      %swap3A_369 = arith.constant 2 : i32
      %swap3A_370 = arith.constant 3 : i32
      %swap3A_371 = arith.index_cast %swap3A_369 : i32 to index
      %swap3A_372 = arith.index_cast %swap3A_370 : i32 to index
      %swap3A_373 = arith.index_cast %add3A_347 : i32 to index
      %swap3A_374 = tpu.vector_load %arg6[%swap3A_371, %swap3A_372, %swap3A_373] {strides = array<i32>} : memref<4x8x1024xf32, #tpu.memory_space<vmem>>, vector<1x1x16xf32>,
      %swap3A_375 = vector.shape_cast %swap3A_374 : vector<1x1x16xf32> to vector<16xf32>
      %swap3A_376 = vector.shape_cast %get3A_352 : vector<16xf32> to vector<1x1x16xf32>
      tpu.vector_store %arg6[%swap3A_371, %swap3A_372, %swap3A_373], %swap3A_376 {add = true, strides = array<i32>} : memref<4x8x1024xf32, #tpu.memory_space<vmem>>, vector<1x1x16xf32>,
      %swap3A_377 = arith.constant 3 : i32
      %swap3A_378 = arith.constant 3 : i32
      %swap3A_379 = arith.index_cast %swap3A_377 : i32 to index
      %swap3A_380 = arith.index_cast %swap3A_378 : i32 to index
      %swap3A_381 = arith.index_cast %add3A_347 : i32 to index
      %swap3A_382 = tpu.vector_load %arg6[%swap3A_379, %swap3A_380, %swap3A_381] {strides = array<i32>} : memref<4x8x1024xf32, #tpu.memory_space<vmem>>, vector<1x1x16xf32>,
      %swap3A_383 = vector.shape_cast %swap3A_382 : vector<1x1x16xf32> to vector<16xf32>
      %swap3A_384 = vector.shape_cast %get3A_352 : vector<16xf32> to vector<1x1x16xf32>
      tpu.vector_store %arg6[%swap3A_379, %swap3A_380, %swap3A_381], %swap3A_384 {add = true, strides = array<i32>} : memref<4x8x1024xf32, #tpu.memory_space<vmem>>, vector<1x1x16xf32>,
    }
    %scan3A_45 = arith.constant 8 : i32
    %scan3A_46 = arith.constant 0 : i32
    %scan3A_47 = arith.constant 0 : i32
    %scan3A_48 = arith.constant 8 : i32
    %scan3A_49 = arith.addi %scan3A_47, %scan3A_48 : i32
    %scan3A_50 = arith.constant 1 : i32
    scf.for %scan3A_72 = %scan3A_47 to %scan3A_49 step %scan3A_50  : i32 {
      %mul3A_73 = arith.constant 128 : i32
      %mul3A_74 = arith.muli %scan3A_72, %mul3A_73 : i32
      %add3A_75 = arith.constant 0 : i32
      %add3A_76 = arith.addi %mul3A_74, %add3A_75 : i32
      %get3A = arith.constant 4 : i32
      %get3A_77 = arith.index_cast %get3A : i32 to index
      %get3A_78 = arith.index_cast %add3A_76 : i32 to index
      %get3A_79 = tpu.vector_load %arg5[%get3A_77, %get3A_78] {strides = array<i32>} : memref<8x1024xf32, #tpu.memory_space<vmem>>, vector<1x16xf32>,
      %get3A_80 = vector.shape_cast %get3A_79 : vector<1x16xf32> to vector<16xf32>
      %swap3A = arith.constant 0 : i32
      %swap3A_81 = arith.constant 4 : i32
      %swap3A_82 = arith.index_cast %swap3A : i32 to index
      %swap3A_83 = arith.index_cast %swap3A_81 : i32 to index
      %swap3A_84 = arith.index_cast %add3A_76 : i32 to index
      %swap3A_85 = tpu.vector_load %arg6[%swap3A_82, %swap3A_83, %swap3A_84] {strides = array<i32>} : memref<4x8x1024xf32, #tpu.memory_space<vmem>>, vector<1x1x16xf32>,
      %swap3A_86 = vector.shape_cast %swap3A_85 : vector<1x1x16xf32> to vector<16xf32>
      %swap3A_87 = vector.shape_cast %get3A_80 : vector<16xf32> to vector<1x1x16xf32>
      tpu.vector_store %arg6[%swap3A_82, %swap3A_83, %swap3A_84], %swap3A_87 {add = true, strides = array<i32>} : memref<4x8x1024xf32, #tpu.memory_space<vmem>>, vector<1x1x16xf32>,
      %swap3A_88 = arith.constant 1 : i32
      %swap3A_89 = arith.constant 4 : i32
      %swap3A_90 = arith.index_cast %swap3A_88 : i32 to index
      %swap3A_91 = arith.index_cast %swap3A_89 : i32 to index
      %swap3A_92 = arith.index_cast %add3A_76 : i32 to index
      %swap3A_93 = tpu.vector_load %arg6[%swap3A_90, %swap3A_91, %swap3A_92] {strides = array<i32>} : memref<4x8x1024xf32, #tpu.memory_space<vmem>>, vector<1x1x16xf32>,
      %swap3A_94 = vector.shape_cast %swap3A_93 : vector<1x1x16xf32> to vector<16xf32>
      %swap3A_95 = vector.shape_cast %get3A_80 : vector<16xf32> to vector<1x1x16xf32>
      tpu.vector_store %arg6[%swap3A_90, %swap3A_91, %swap3A_92], %swap3A_95 {add = true, strides = array<i32>} : memref<4x8x1024xf32, #tpu.memory_space<vmem>>, vector<1x1x16xf32>,
      %swap3A_96 = arith.constant 2 : i32
      %swap3A_97 = arith.constant 4 : i32
      %swap3A_98 = arith.index_cast %swap3A_96 : i32 to index
      %swap3A_99 = arith.index_cast %swap3A_97 : i32 to index
      %swap3A_100 = arith.index_cast %add3A_76 : i32 to index
      %swap3A_101 = tpu.vector_load %arg6[%swap3A_98, %swap3A_99, %swap3A_100] {strides = array<i32>} : memref<4x8x1024xf32, #tpu.memory_space<vmem>>, vector<1x1x16xf32>,
      %swap3A_102 = vector.shape_cast %swap3A_101 : vector<1x1x16xf32> to vector<16xf32>
      %swap3A_103 = vector.shape_cast %get3A_80 : vector<16xf32> to vector<1x1x16xf32>
      tpu.vector_store %arg6[%swap3A_98, %swap3A_99, %swap3A_100], %swap3A_103 {add = true, strides = array<i32>} : memref<4x8x1024xf32, #tpu.memory_space<vmem>>, vector<1x1x16xf32>,
      %swap3A_104 = arith.constant 3 : i32
      %swap3A_105 = arith.constant 4 : i32
      %swap3A_106 = arith.index_cast %swap3A_104 : i32 to index
      %swap3A_107 = arith.index_cast %swap3A_105 : i32 to index
      %swap3A_108 = arith.index_cast %add3A_76 : i32 to index
      %swap3A_109 = tpu.vector_load %arg6[%swap3A_106, %swap3A_107, %swap3A_108] {strides = array<i32>} : memref<4x8x1024xf32, #tpu.memory_space<vmem>>, vector<1x1x16xf32>,
      %swap3A_110 = vector.shape_cast %swap3A_109 : vector<1x1x16xf32> to vector<16xf32>
      %swap3A_111 = vector.shape_cast %get3A_80 : vector<16xf32> to vector<1x1x16xf32>
      tpu.vector_store %arg6[%swap3A_106, %swap3A_107, %swap3A_108], %swap3A_111 {add = true, strides = array<i32>} : memref<4x8x1024xf32, #tpu.memory_space<vmem>>, vector<1x1x16xf32>,
      %add3A_112 = arith.constant 16 : i32
      %add3A_113 = arith.addi %mul3A_74, %add3A_112 : i32
      %get3A_114 = arith.constant 4 : i32
      %get3A_115 = arith.index_cast %get3A_114 : i32 to index
      %get3A_116 = arith.index_cast %add3A_113 : i32 to index
      %get3A_117 = tpu.vector_load %arg5[%get3A_115, %get3A_116] {strides = array<i32>} : memref<8x1024xf32, #tpu.memory_space<vmem>>, vector<1x16xf32>,
      %get3A_118 = vector.shape_cast %get3A_117 : vector<1x16xf32> to vector<16xf32>
      %swap3A_119 = arith.constant 0 : i32
      %swap3A_120 = arith.constant 4 : i32
      %swap3A_121 = arith.index_cast %swap3A_119 : i32 to index
      %swap3A_122 = arith.index_cast %swap3A_120 : i32 to index
      %swap3A_123 = arith.index_cast %add3A_113 : i32 to index
      %swap3A_124 = tpu.vector_load %arg6[%swap3A_121, %swap3A_122, %swap3A_123] {strides = array<i32>} : memref<4x8x1024xf32, #tpu.memory_space<vmem>>, vector<1x1x16xf32>,
      %swap3A_125 = vector.shape_cast %swap3A_124 : vector<1x1x16xf32> to vector<16xf32>
      %swap3A_126 = vector.shape_cast %get3A_118 : vector<16xf32> to vector<1x1x16xf32>
      tpu.vector_store %arg6[%swap3A_121, %swap3A_122, %swap3A_123], %swap3A_126 {add = true, strides = array<i32>} : memref<4x8x1024xf32, #tpu.memory_space<vmem>>, vector<1x1x16xf32>,
      %swap3A_127 = arith.constant 1 : i32
      %swap3A_128 = arith.constant 4 : i32
      %swap3A_129 = arith.index_cast %swap3A_127 : i32 to index
      %swap3A_130 = arith.index_cast %swap3A_128 : i32 to index
      %swap3A_131 = arith.index_cast %add3A_113 : i32 to index
      %swap3A_132 = tpu.vector_load %arg6[%swap3A_129, %swap3A_130, %swap3A_131] {strides = array<i32>} : memref<4x8x1024xf32, #tpu.memory_space<vmem>>, vector<1x1x16xf32>,
      %swap3A_133 = vector.shape_cast %swap3A_132 : vector<1x1x16xf32> to vector<16xf32>
      %swap3A_134 = vector.shape_cast %get3A_118 : vector<16xf32> to vector<1x1x16xf32>
      tpu.vector_store %arg6[%swap3A_129, %swap3A_130, %swap3A_131], %swap3A_134 {add = true, strides = array<i32>} : memref<4x8x1024xf32, #tpu.memory_space<vmem>>, vector<1x1x16xf32>,
      %swap3A_135 = arith.constant 2 : i32
      %swap3A_136 = arith.constant 4 : i32
      %swap3A_137 = arith.index_cast %swap3A_135 : i32 to index
      %swap3A_138 = arith.index_cast %swap3A_136 : i32 to index
      %swap3A_139 = arith.index_cast %add3A_113 : i32 to index
      %swap3A_140 = tpu.vector_load %arg6[%swap3A_137, %swap3A_138, %swap3A_139] {strides = array<i32>} : memref<4x8x1024xf32, #tpu.memory_space<vmem>>, vector<1x1x16xf32>,
      %swap3A_141 = vector.shape_cast %swap3A_140 : vector<1x1x16xf32> to vector<16xf32>
      %swap3A_142 = vector.shape_cast %get3A_118 : vector<16xf32> to vector<1x1x16xf32>
      tpu.vector_store %arg6[%swap3A_137, %swap3A_138, %swap3A_139], %swap3A_142 {add = true, strides = array<i32>} : memref<4x8x1024xf32, #tpu.memory_space<vmem>>, vector<1x1x16xf32>,
      %swap3A_143 = arith.constant 3 : i32
      %swap3A_144 = arith.constant 4 : i32
      %swap3A_145 = arith.index_cast %swap3A_143 : i32 to index
      %swap3A_146 = arith.index_cast %swap3A_144 : i32 to index
      %swap3A_147 = arith.index_cast %add3A_113 : i32 to index
      %swap3A_148 = tpu.vector_load %arg6[%swap3A_145, %swap3A_146, %swap3A_147] {strides = array<i32>} : memref<4x8x1024xf32, #tpu.memory_space<vmem>>, vector<1x1x16xf32>,
      %swap3A_149 = vector.shape_cast %swap3A_148 : vector<1x1x16xf32> to vector<16xf32>
      %swap3A_150 = vector.shape_cast %get3A_118 : vector<16xf32> to vector<1x1x16xf32>
      tpu.vector_store %arg6[%swap3A_145, %swap3A_146, %swap3A_147], %swap3A_150 {add = true, strides = array<i32>} : memref<4x8x1024xf32, #tpu.memory_space<vmem>>, vector<1x1x16xf32>,
      %add3A_151 = arith.constant 32 : i32
      %add3A_152 = arith.addi %mul3A_74, %add3A_151 : i32
      %get3A_153 = arith.constant 4 : i32
      %get3A_154 = arith.index_cast %get3A_153 : i32 to index
      %get3A_155 = arith.index_cast %add3A_152 : i32 to index
      %get3A_156 = tpu.vector_load %arg5[%get3A_154, %get3A_155] {strides = array<i32>} : memref<8x1024xf32, #tpu.memory_space<vmem>>, vector<1x16xf32>,
      %get3A_157 = vector.shape_cast %get3A_156 : vector<1x16xf32> to vector<16xf32>
      %swap3A_158 = arith.constant 0 : i32
      %swap3A_159 = arith.constant 4 : i32
      %swap3A_160 = arith.index_cast %swap3A_158 : i32 to index
      %swap3A_161 = arith.index_cast %swap3A_159 : i32 to index
      %swap3A_162 = arith.index_cast %add3A_152 : i32 to index
      %swap3A_163 = tpu.vector_load %arg6[%swap3A_160, %swap3A_161, %swap3A_162] {strides = array<i32>} : memref<4x8x1024xf32, #tpu.memory_space<vmem>>, vector<1x1x16xf32>,
      %swap3A_164 = vector.shape_cast %swap3A_163 : vector<1x1x16xf32> to vector<16xf32>
      %swap3A_165 = vector.shape_cast %get3A_157 : vector<16xf32> to vector<1x1x16xf32>
      tpu.vector_store %arg6[%swap3A_160, %swap3A_161, %swap3A_162], %swap3A_165 {add = true, strides = array<i32>} : memref<4x8x1024xf32, #tpu.memory_space<vmem>>, vector<1x1x16xf32>,
      %swap3A_166 = arith.constant 1 : i32
      %swap3A_167 = arith.constant 4 : i32
      %swap3A_168 = arith.index_cast %swap3A_166 : i32 to index
      %swap3A_169 = arith.index_cast %swap3A_167 : i32 to index
      %swap3A_170 = arith.index_cast %add3A_152 : i32 to index
      %swap3A_171 = tpu.vector_load %arg6[%swap3A_168, %swap3A_169, %swap3A_170] {strides = array<i32>} : memref<4x8x1024xf32, #tpu.memory_space<vmem>>, vector<1x1x16xf32>,
      %swap3A_172 = vector.shape_cast %swap3A_171 : vector<1x1x16xf32> to vector<16xf32>
      %swap3A_173 = vector.shape_cast %get3A_157 : vector<16xf32> to vector<1x1x16xf32>
      tpu.vector_store %arg6[%swap3A_168, %swap3A_169, %swap3A_170], %swap3A_173 {add = true, strides = array<i32>} : memref<4x8x1024xf32, #tpu.memory_space<vmem>>, vector<1x1x16xf32>,
      %swap3A_174 = arith.constant 2 : i32
      %swap3A_175 = arith.constant 4 : i32
      %swap3A_176 = arith.index_cast %swap3A_174 : i32 to index
      %swap3A_177 = arith.index_cast %swap3A_175 : i32 to index
      %swap3A_178 = arith.index_cast %add3A_152 : i32 to index
      %swap3A_179 = tpu.vector_load %arg6[%swap3A_176, %swap3A_177, %swap3A_178] {strides = array<i32>} : memref<4x8x1024xf32, #tpu.memory_space<vmem>>, vector<1x1x16xf32>,
      %swap3A_180 = vector.shape_cast %swap3A_179 : vector<1x1x16xf32> to vector<16xf32>
      %swap3A_181 = vector.shape_cast %get3A_157 : vector<16xf32> to vector<1x1x16xf32>
      tpu.vector_store %arg6[%swap3A_176, %swap3A_177, %swap3A_178], %swap3A_181 {add = true, strides = array<i32>} : memref<4x8x1024xf32, #tpu.memory_space<vmem>>, vector<1x1x16xf32>,
      %swap3A_182 = arith.constant 3 : i32
      %swap3A_183 = arith.constant 4 : i32
      %swap3A_184 = arith.index_cast %swap3A_182 : i32 to index
      %swap3A_185 = arith.index_cast %swap3A_183 : i32 to index
      %swap3A_186 = arith.index_cast %add3A_152 : i32 to index
      %swap3A_187 = tpu.vector_load %arg6[%swap3A_184, %swap3A_185, %swap3A_186] {strides = array<i32>} : memref<4x8x1024xf32, #tpu.memory_space<vmem>>, vector<1x1x16xf32>,
      %swap3A_188 = vector.shape_cast %swap3A_187 : vector<1x1x16xf32> to vector<16xf32>
      %swap3A_189 = vector.shape_cast %get3A_157 : vector<16xf32> to vector<1x1x16xf32>
      tpu.vector_store %arg6[%swap3A_184, %swap3A_185, %swap3A_186], %swap3A_189 {add = true, strides = array<i32>} : memref<4x8x1024xf32, #tpu.memory_space<vmem>>, vector<1x1x16xf32>,
      %add3A_190 = arith.constant 48 : i32
      %add3A_191 = arith.addi %mul3A_74, %add3A_190 : i32
      %get3A_192 = arith.constant 4 : i32
      %get3A_193 = arith.index_cast %get3A_192 : i32 to index
      %get3A_194 = arith.index_cast %add3A_191 : i32 to index
      %get3A_195 = tpu.vector_load %arg5[%get3A_193, %get3A_194] {strides = array<i32>} : memref<8x1024xf32, #tpu.memory_space<vmem>>, vector<1x16xf32>,
      %get3A_196 = vector.shape_cast %get3A_195 : vector<1x16xf32> to vector<16xf32>
      %swap3A_197 = arith.constant 0 : i32
      %swap3A_198 = arith.constant 4 : i32
      %swap3A_199 = arith.index_cast %swap3A_197 : i32 to index
      %swap3A_200 = arith.index_cast %swap3A_198 : i32 to index
      %swap3A_201 = arith.index_cast %add3A_191 : i32 to index
      %swap3A_202 = tpu.vector_load %arg6[%swap3A_199, %swap3A_200, %swap3A_201] {strides = array<i32>} : memref<4x8x1024xf32, #tpu.memory_space<vmem>>, vector<1x1x16xf32>,
      %swap3A_203 = vector.shape_cast %swap3A_202 : vector<1x1x16xf32> to vector<16xf32>
      %swap3A_204 = vector.shape_cast %get3A_196 : vector<16xf32> to vector<1x1x16xf32>
      tpu.vector_store %arg6[%swap3A_199, %swap3A_200, %swap3A_201], %swap3A_204 {add = true, strides = array<i32>} : memref<4x8x1024xf32, #tpu.memory_space<vmem>>, vector<1x1x16xf32>,
      %swap3A_205 = arith.constant 1 : i32
      %swap3A_206 = arith.constant 4 : i32
      %swap3A_207 = arith.index_cast %swap3A_205 : i32 to index
      %swap3A_208 = arith.index_cast %swap3A_206 : i32 to index
      %swap3A_209 = arith.index_cast %add3A_191 : i32 to index
      %swap3A_210 = tpu.vector_load %arg6[%swap3A_207, %swap3A_208, %swap3A_209] {strides = array<i32>} : memref<4x8x1024xf32, #tpu.memory_space<vmem>>, vector<1x1x16xf32>,
      %swap3A_211 = vector.shape_cast %swap3A_210 : vector<1x1x16xf32> to vector<16xf32>
      %swap3A_212 = vector.shape_cast %get3A_196 : vector<16xf32> to vector<1x1x16xf32>
      tpu.vector_store %arg6[%swap3A_207, %swap3A_208, %swap3A_209], %swap3A_212 {add = true, strides = array<i32>} : memref<4x8x1024xf32, #tpu.memory_space<vmem>>, vector<1x1x16xf32>,
      %swap3A_213 = arith.constant 2 : i32
      %swap3A_214 = arith.constant 4 : i32
      %swap3A_215 = arith.index_cast %swap3A_213 : i32 to index
      %swap3A_216 = arith.index_cast %swap3A_214 : i32 to index
      %swap3A_217 = arith.index_cast %add3A_191 : i32 to index
      %swap3A_218 = tpu.vector_load %arg6[%swap3A_215, %swap3A_216, %swap3A_217] {strides = array<i32>} : memref<4x8x1024xf32, #tpu.memory_space<vmem>>, vector<1x1x16xf32>,
      %swap3A_219 = vector.shape_cast %swap3A_218 : vector<1x1x16xf32> to vector<16xf32>
      %swap3A_220 = vector.shape_cast %get3A_196 : vector<16xf32> to vector<1x1x16xf32>
      tpu.vector_store %arg6[%swap3A_215, %swap3A_216, %swap3A_217], %swap3A_220 {add = true, strides = array<i32>} : memref<4x8x1024xf32, #tpu.memory_space<vmem>>, vector<1x1x16xf32>,
      %swap3A_221 = arith.constant 3 : i32
      %swap3A_222 = arith.constant 4 : i32
      %swap3A_223 = arith.index_cast %swap3A_221 : i32 to index
      %swap3A_224 = arith.index_cast %swap3A_222 : i32 to index
      %swap3A_225 = arith.index_cast %add3A_191 : i32 to index
      %swap3A_226 = tpu.vector_load %arg6[%swap3A_223, %swap3A_224, %swap3A_225] {strides = array<i32>} : memref<4x8x1024xf32, #tpu.memory_space<vmem>>, vector<1x1x16xf32>,
      %swap3A_227 = vector.shape_cast %swap3A_226 : vector<1x1x16xf32> to vector<16xf32>
      %swap3A_228 = vector.shape_cast %get3A_196 : vector<16xf32> to vector<1x1x16xf32>
      tpu.vector_store %arg6[%swap3A_223, %swap3A_224, %swap3A_225], %swap3A_228 {add = true, strides = array<i32>} : memref<4x8x1024xf32, #tpu.memory_space<vmem>>, vector<1x1x16xf32>,
      %add3A_229 = arith.constant 64 : i32
      %add3A_230 = arith.addi %mul3A_74, %add3A_229 : i32
      %get3A_231 = arith.constant 4 : i32
      %get3A_232 = arith.index_cast %get3A_231 : i32 to index
      %get3A_233 = arith.index_cast %add3A_230 : i32 to index
      %get3A_234 = tpu.vector_load %arg5[%get3A_232, %get3A_233] {strides = array<i32>} : memref<8x1024xf32, #tpu.memory_space<vmem>>, vector<1x16xf32>,
      %get3A_235 = vector.shape_cast %get3A_234 : vector<1x16xf32> to vector<16xf32>
      %swap3A_236 = arith.constant 0 : i32
      %swap3A_237 = arith.constant 4 : i32
      %swap3A_238 = arith.index_cast %swap3A_236 : i32 to index
      %swap3A_239 = arith.index_cast %swap3A_237 : i32 to index
      %swap3A_240 = arith.index_cast %add3A_230 : i32 to index
      %swap3A_241 = tpu.vector_load %arg6[%swap3A_238, %swap3A_239, %swap3A_240] {strides = array<i32>} : memref<4x8x1024xf32, #tpu.memory_space<vmem>>, vector<1x1x16xf32>,
      %swap3A_242 = vector.shape_cast %swap3A_241 : vector<1x1x16xf32> to vector<16xf32>
      %swap3A_243 = vector.shape_cast %get3A_235 : vector<16xf32> to vector<1x1x16xf32>
      tpu.vector_store %arg6[%swap3A_238, %swap3A_239, %swap3A_240], %swap3A_243 {add = true, strides = array<i32>} : memref<4x8x1024xf32, #tpu.memory_space<vmem>>, vector<1x1x16xf32>,
      %swap3A_244 = arith.constant 1 : i32
      %swap3A_245 = arith.constant 4 : i32
      %swap3A_246 = arith.index_cast %swap3A_244 : i32 to index
      %swap3A_247 = arith.index_cast %swap3A_245 : i32 to index
      %swap3A_248 = arith.index_cast %add3A_230 : i32 to index
      %swap3A_249 = tpu.vector_load %arg6[%swap3A_246, %swap3A_247, %swap3A_248] {strides = array<i32>} : memref<4x8x1024xf32, #tpu.memory_space<vmem>>, vector<1x1x16xf32>,
      %swap3A_250 = vector.shape_cast %swap3A_249 : vector<1x1x16xf32> to vector<16xf32>
      %swap3A_251 = vector.shape_cast %get3A_235 : vector<16xf32> to vector<1x1x16xf32>
      tpu.vector_store %arg6[%swap3A_246, %swap3A_247, %swap3A_248], %swap3A_251 {add = true, strides = array<i32>} : memref<4x8x1024xf32, #tpu.memory_space<vmem>>, vector<1x1x16xf32>,
      %swap3A_252 = arith.constant 2 : i32
      %swap3A_253 = arith.constant 4 : i32
      %swap3A_254 = arith.index_cast %swap3A_252 : i32 to index
      %swap3A_255 = arith.index_cast %swap3A_253 : i32 to index
      %swap3A_256 = arith.index_cast %add3A_230 : i32 to index
      %swap3A_257 = tpu.vector_load %arg6[%swap3A_254, %swap3A_255, %swap3A_256] {strides = array<i32>} : memref<4x8x1024xf32, #tpu.memory_space<vmem>>, vector<1x1x16xf32>,
      %swap3A_258 = vector.shape_cast %swap3A_257 : vector<1x1x16xf32> to vector<16xf32>
      %swap3A_259 = vector.shape_cast %get3A_235 : vector<16xf32> to vector<1x1x16xf32>
      tpu.vector_store %arg6[%swap3A_254, %swap3A_255, %swap3A_256], %swap3A_259 {add = true, strides = array<i32>} : memref<4x8x1024xf32, #tpu.memory_space<vmem>>, vector<1x1x16xf32>,
      %swap3A_260 = arith.constant 3 : i32
      %swap3A_261 = arith.constant 4 : i32
      %swap3A_262 = arith.index_cast %swap3A_260 : i32 to index
      %swap3A_263 = arith.index_cast %swap3A_261 : i32 to index
      %swap3A_264 = arith.index_cast %add3A_230 : i32 to index
      %swap3A_265 = tpu.vector_load %arg6[%swap3A_262, %swap3A_263, %swap3A_264] {strides = array<i32>} : memref<4x8x1024xf32, #tpu.memory_space<vmem>>, vector<1x1x16xf32>,
      %swap3A_266 = vector.shape_cast %swap3A_265 : vector<1x1x16xf32> to vector<16xf32>
      %swap3A_267 = vector.shape_cast %get3A_235 : vector<16xf32> to vector<1x1x16xf32>
      tpu.vector_store %arg6[%swap3A_262, %swap3A_263, %swap3A_264], %swap3A_267 {add = true, strides = array<i32>} : memref<4x8x1024xf32, #tpu.memory_space<vmem>>, vector<1x1x16xf32>,
      %add3A_268 = arith.constant 80 : i32
      %add3A_269 = arith.addi %mul3A_74, %add3A_268 : i32
      %get3A_270 = arith.constant 4 : i32
      %get3A_271 = arith.index_cast %get3A_270 : i32 to index
      %get3A_272 = arith.index_cast %add3A_269 : i32 to index
      %get3A_273 = tpu.vector_load %arg5[%get3A_271, %get3A_272] {strides = array<i32>} : memref<8x1024xf32, #tpu.memory_space<vmem>>, vector<1x16xf32>,
      %get3A_274 = vector.shape_cast %get3A_273 : vector<1x16xf32> to vector<16xf32>
      %swap3A_275 = arith.constant 0 : i32
      %swap3A_276 = arith.constant 4 : i32
      %swap3A_277 = arith.index_cast %swap3A_275 : i32 to index
      %swap3A_278 = arith.index_cast %swap3A_276 : i32 to index
      %swap3A_279 = arith.index_cast %add3A_269 : i32 to index
      %swap3A_280 = tpu.vector_load %arg6[%swap3A_277, %swap3A_278, %swap3A_279] {strides = array<i32>} : memref<4x8x1024xf32, #tpu.memory_space<vmem>>, vector<1x1x16xf32>,
      %swap3A_281 = vector.shape_cast %swap3A_280 : vector<1x1x16xf32> to vector<16xf32>
      %swap3A_282 = vector.shape_cast %get3A_274 : vector<16xf32> to vector<1x1x16xf32>
      tpu.vector_store %arg6[%swap3A_277, %swap3A_278, %swap3A_279], %swap3A_282 {add = true, strides = array<i32>} : memref<4x8x1024xf32, #tpu.memory_space<vmem>>, vector<1x1x16xf32>,
      %swap3A_283 = arith.constant 1 : i32
      %swap3A_284 = arith.constant 4 : i32
      %swap3A_285 = arith.index_cast %swap3A_283 : i32 to index
      %swap3A_286 = arith.index_cast %swap3A_284 : i32 to index
      %swap3A_287 = arith.index_cast %add3A_269 : i32 to index
      %swap3A_288 = tpu.vector_load %arg6[%swap3A_285, %swap3A_286, %swap3A_287] {strides = array<i32>} : memref<4x8x1024xf32, #tpu.memory_space<vmem>>, vector<1x1x16xf32>,
      %swap3A_289 = vector.shape_cast %swap3A_288 : vector<1x1x16xf32> to vector<16xf32>
      %swap3A_290 = vector.shape_cast %get3A_274 : vector<16xf32> to vector<1x1x16xf32>
      tpu.vector_store %arg6[%swap3A_285, %swap3A_286, %swap3A_287], %swap3A_290 {add = true, strides = array<i32>} : memref<4x8x1024xf32, #tpu.memory_space<vmem>>, vector<1x1x16xf32>,
      %swap3A_291 = arith.constant 2 : i32
      %swap3A_292 = arith.constant 4 : i32
      %swap3A_293 = arith.index_cast %swap3A_291 : i32 to index
      %swap3A_294 = arith.index_cast %swap3A_292 : i32 to index
      %swap3A_295 = arith.index_cast %add3A_269 : i32 to index
      %swap3A_296 = tpu.vector_load %arg6[%swap3A_293, %swap3A_294, %swap3A_295] {strides = array<i32>} : memref<4x8x1024xf32, #tpu.memory_space<vmem>>, vector<1x1x16xf32>,
      %swap3A_297 = vector.shape_cast %swap3A_296 : vector<1x1x16xf32> to vector<16xf32>
      %swap3A_298 = vector.shape_cast %get3A_274 : vector<16xf32> to vector<1x1x16xf32>
      tpu.vector_store %arg6[%swap3A_293, %swap3A_294, %swap3A_295], %swap3A_298 {add = true, strides = array<i32>} : memref<4x8x1024xf32, #tpu.memory_space<vmem>>, vector<1x1x16xf32>,
      %swap3A_299 = arith.constant 3 : i32
      %swap3A_300 = arith.constant 4 : i32
      %swap3A_301 = arith.index_cast %swap3A_299 : i32 to index
      %swap3A_302 = arith.index_cast %swap3A_300 : i32 to index
      %swap3A_303 = arith.index_cast %add3A_269 : i32 to index
      %swap3A_304 = tpu.vector_load %arg6[%swap3A_301, %swap3A_302, %swap3A_303] {strides = array<i32>} : memref<4x8x1024xf32, #tpu.memory_space<vmem>>, vector<1x1x16xf32>,
      %swap3A_305 = vector.shape_cast %swap3A_304 : vector<1x1x16xf32> to vector<16xf32>
      %swap3A_306 = vector.shape_cast %get3A_274 : vector<16xf32> to vector<1x1x16xf32>
      tpu.vector_store %arg6[%swap3A_301, %swap3A_302, %swap3A_303], %swap3A_306 {add = true, strides = array<i32>} : memref<4x8x1024xf32, #tpu.memory_space<vmem>>, vector<1x1x16xf32>,
      %add3A_307 = arith.constant 96 : i32
      %add3A_308 = arith.addi %mul3A_74, %add3A_307 : i32
      %get3A_309 = arith.constant 4 : i32
      %get3A_310 = arith.index_cast %get3A_309 : i32 to index
      %get3A_311 = arith.index_cast %add3A_308 : i32 to index
      %get3A_312 = tpu.vector_load %arg5[%get3A_310, %get3A_311] {strides = array<i32>} : memref<8x1024xf32, #tpu.memory_space<vmem>>, vector<1x16xf32>,
      %get3A_313 = vector.shape_cast %get3A_312 : vector<1x16xf32> to vector<16xf32>
      %swap3A_314 = arith.constant 0 : i32
      %swap3A_315 = arith.constant 4 : i32
      %swap3A_316 = arith.index_cast %swap3A_314 : i32 to index
      %swap3A_317 = arith.index_cast %swap3A_315 : i32 to index
      %swap3A_318 = arith.index_cast %add3A_308 : i32 to index
      %swap3A_319 = tpu.vector_load %arg6[%swap3A_316, %swap3A_317, %swap3A_318] {strides = array<i32>} : memref<4x8x1024xf32, #tpu.memory_space<vmem>>, vector<1x1x16xf32>,
      %swap3A_320 = vector.shape_cast %swap3A_319 : vector<1x1x16xf32> to vector<16xf32>
      %swap3A_321 = vector.shape_cast %get3A_313 : vector<16xf32> to vector<1x1x16xf32>
      tpu.vector_store %arg6[%swap3A_316, %swap3A_317, %swap3A_318], %swap3A_321 {add = true, strides = array<i32>} : memref<4x8x1024xf32, #tpu.memory_space<vmem>>, vector<1x1x16xf32>,
      %swap3A_322 = arith.constant 1 : i32
      %swap3A_323 = arith.constant 4 : i32
      %swap3A_324 = arith.index_cast %swap3A_322 : i32 to index
      %swap3A_325 = arith.index_cast %swap3A_323 : i32 to index
      %swap3A_326 = arith.index_cast %add3A_308 : i32 to index
      %swap3A_327 = tpu.vector_load %arg6[%swap3A_324, %swap3A_325, %swap3A_326] {strides = array<i32>} : memref<4x8x1024xf32, #tpu.memory_space<vmem>>, vector<1x1x16xf32>,
      %swap3A_328 = vector.shape_cast %swap3A_327 : vector<1x1x16xf32> to vector<16xf32>
      %swap3A_329 = vector.shape_cast %get3A_313 : vector<16xf32> to vector<1x1x16xf32>
      tpu.vector_store %arg6[%swap3A_324, %swap3A_325, %swap3A_326], %swap3A_329 {add = true, strides = array<i32>} : memref<4x8x1024xf32, #tpu.memory_space<vmem>>, vector<1x1x16xf32>,
      %swap3A_330 = arith.constant 2 : i32
      %swap3A_331 = arith.constant 4 : i32
      %swap3A_332 = arith.index_cast %swap3A_330 : i32 to index
      %swap3A_333 = arith.index_cast %swap3A_331 : i32 to index
      %swap3A_334 = arith.index_cast %add3A_308 : i32 to index
      %swap3A_335 = tpu.vector_load %arg6[%swap3A_332, %swap3A_333, %swap3A_334] {strides = array<i32>} : memref<4x8x1024xf32, #tpu.memory_space<vmem>>, vector<1x1x16xf32>,
      %swap3A_336 = vector.shape_cast %swap3A_335 : vector<1x1x16xf32> to vector<16xf32>
      %swap3A_337 = vector.shape_cast %get3A_313 : vector<16xf32> to vector<1x1x16xf32>
      tpu.vector_store %arg6[%swap3A_332, %swap3A_333, %swap3A_334], %swap3A_337 {add = true, strides = array<i32>} : memref<4x8x1024xf32, #tpu.memory_space<vmem>>, vector<1x1x16xf32>,
      %swap3A_338 = arith.constant 3 : i32
      %swap3A_339 = arith.constant 4 : i32
      %swap3A_340 = arith.index_cast %swap3A_338 : i32 to index
      %swap3A_341 = arith.index_cast %swap3A_339 : i32 to index
      %swap3A_342 = arith.index_cast %add3A_308 : i32 to index
      %swap3A_343 = tpu.vector_load %arg6[%swap3A_340, %swap3A_341, %swap3A_342] {strides = array<i32>} : memref<4x8x1024xf32, #tpu.memory_space<vmem>>, vector<1x1x16xf32>,
      %swap3A_344 = vector.shape_cast %swap3A_343 : vector<1x1x16xf32> to vector<16xf32>
      %swap3A_345 = vector.shape_cast %get3A_313 : vector<16xf32> to vector<1x1x16xf32>
      tpu.vector_store %arg6[%swap3A_340, %swap3A_341, %swap3A_342], %swap3A_345 {add = true, strides = array<i32>} : memref<4x8x1024xf32, #tpu.memory_space<vmem>>, vector<1x1x16xf32>,
      %add3A_346 = arith.constant 112 : i32
      %add3A_347 = arith.addi %mul3A_74, %add3A_346 : i32
      %get3A_348 = arith.constant 4 : i32
      %get3A_349 = arith.index_cast %get3A_348 : i32 to index
      %get3A_350 = arith.index_cast %add3A_347 : i32 to index
      %get3A_351 = tpu.vector_load %arg5[%get3A_349, %get3A_350] {strides = array<i32>} : memref<8x1024xf32, #tpu.memory_space<vmem>>, vector<1x16xf32>,
      %get3A_352 = vector.shape_cast %get3A_351 : vector<1x16xf32> to vector<16xf32>
      %swap3A_353 = arith.constant 0 : i32
      %swap3A_354 = arith.constant 4 : i32
      %swap3A_355 = arith.index_cast %swap3A_353 : i32 to index
      %swap3A_356 = arith.index_cast %swap3A_354 : i32 to index
      %swap3A_357 = arith.index_cast %add3A_347 : i32 to index
      %swap3A_358 = tpu.vector_load %arg6[%swap3A_355, %swap3A_356, %swap3A_357] {strides = array<i32>} : memref<4x8x1024xf32, #tpu.memory_space<vmem>>, vector<1x1x16xf32>,
      %swap3A_359 = vector.shape_cast %swap3A_358 : vector<1x1x16xf32> to vector<16xf32>
      %swap3A_360 = vector.shape_cast %get3A_352 : vector<16xf32> to vector<1x1x16xf32>
      tpu.vector_store %arg6[%swap3A_355, %swap3A_356, %swap3A_357], %swap3A_360 {add = true, strides = array<i32>} : memref<4x8x1024xf32, #tpu.memory_space<vmem>>, vector<1x1x16xf32>,
      %swap3A_361 = arith.constant 1 : i32
      %swap3A_362 = arith.constant 4 : i32
      %swap3A_363 = arith.index_cast %swap3A_361 : i32 to index
      %swap3A_364 = arith.index_cast %swap3A_362 : i32 to index
      %swap3A_365 = arith.index_cast %add3A_347 : i32 to index
      %swap3A_366 = tpu.vector_load %arg6[%swap3A_363, %swap3A_364, %swap3A_365] {strides = array<i32>} : memref<4x8x1024xf32, #tpu.memory_space<vmem>>, vector<1x1x16xf32>,
      %swap3A_367 = vector.shape_cast %swap3A_366 : vector<1x1x16xf32> to vector<16xf32>
      %swap3A_368 = vector.shape_cast %get3A_352 : vector<16xf32> to vector<1x1x16xf32>
      tpu.vector_store %arg6[%swap3A_363, %swap3A_364, %swap3A_365], %swap3A_368 {add = true, strides = array<i32>} : memref<4x8x1024xf32, #tpu.memory_space<vmem>>, vector<1x1x16xf32>,
      %swap3A_369 = arith.constant 2 : i32
      %swap3A_370 = arith.constant 4 : i32
      %swap3A_371 = arith.index_cast %swap3A_369 : i32 to index
      %swap3A_372 = arith.index_cast %swap3A_370 : i32 to index
      %swap3A_373 = arith.index_cast %add3A_347 : i32 to index
      %swap3A_374 = tpu.vector_load %arg6[%swap3A_371, %swap3A_372, %swap3A_373] {strides = array<i32>} : memref<4x8x1024xf32, #tpu.memory_space<vmem>>, vector<1x1x16xf32>,
      %swap3A_375 = vector.shape_cast %swap3A_374 : vector<1x1x16xf32> to vector<16xf32>
      %swap3A_376 = vector.shape_cast %get3A_352 : vector<16xf32> to vector<1x1x16xf32>
      tpu.vector_store %arg6[%swap3A_371, %swap3A_372, %swap3A_373], %swap3A_376 {add = true, strides = array<i32>} : memref<4x8x1024xf32, #tpu.memory_space<vmem>>, vector<1x1x16xf32>,
      %swap3A_377 = arith.constant 3 : i32
      %swap3A_378 = arith.constant 4 : i32
      %swap3A_379 = arith.index_cast %swap3A_377 : i32 to index
      %swap3A_380 = arith.index_cast %swap3A_378 : i32 to index
      %swap3A_381 = arith.index_cast %add3A_347 : i32 to index
      %swap3A_382 = tpu.vector_load %arg6[%swap3A_379, %swap3A_380, %swap3A_381] {strides = array<i32>} : memref<4x8x1024xf32, #tpu.memory_space<vmem>>, vector<1x1x16xf32>,
      %swap3A_383 = vector.shape_cast %swap3A_382 : vector<1x1x16xf32> to vector<16xf32>
      %swap3A_384 = vector.shape_cast %get3A_352 : vector<16xf32> to vector<1x1x16xf32>
      tpu.vector_store %arg6[%swap3A_379, %swap3A_380, %swap3A_381], %swap3A_384 {add = true, strides = array<i32>} : memref<4x8x1024xf32, #tpu.memory_space<vmem>>, vector<1x1x16xf32>,
    }
    %scan3A_51 = arith.constant 8 : i32
    %scan3A_52 = arith.constant 0 : i32
    %scan3A_53 = arith.constant 0 : i32
    %scan3A_54 = arith.constant 8 : i32
    %scan3A_55 = arith.addi %scan3A_53, %scan3A_54 : i32
    %scan3A_56 = arith.constant 1 : i32
    scf.for %scan3A_72 = %scan3A_53 to %scan3A_55 step %scan3A_56  : i32 {
      %mul3A_73 = arith.constant 128 : i32
      %mul3A_74 = arith.muli %scan3A_72, %mul3A_73 : i32
      %add3A_75 = arith.constant 0 : i32
      %add3A_76 = arith.addi %mul3A_74, %add3A_75 : i32
      %get3A = arith.constant 5 : i32
      %get3A_77 = arith.index_cast %get3A : i32 to index
      %get3A_78 = arith.index_cast %add3A_76 : i32 to index
      %get3A_79 = tpu.vector_load %arg5[%get3A_77, %get3A_78] {strides = array<i32>} : memref<8x1024xf32, #tpu.memory_space<vmem>>, vector<1x16xf32>,
      %get3A_80 = vector.shape_cast %get3A_79 : vector<1x16xf32> to vector<16xf32>
      %swap3A = arith.constant 0 : i32
      %swap3A_81 = arith.constant 5 : i32
      %swap3A_82 = arith.index_cast %swap3A : i32 to index
      %swap3A_83 = arith.index_cast %swap3A_81 : i32 to index
      %swap3A_84 = arith.index_cast %add3A_76 : i32 to index
      %swap3A_85 = tpu.vector_load %arg6[%swap3A_82, %swap3A_83, %swap3A_84] {strides = array<i32>} : memref<4x8x1024xf32, #tpu.memory_space<vmem>>, vector<1x1x16xf32>,
      %swap3A_86 = vector.shape_cast %swap3A_85 : vector<1x1x16xf32> to vector<16xf32>
      %swap3A_87 = vector.shape_cast %get3A_80 : vector<16xf32> to vector<1x1x16xf32>
      tpu.vector_store %arg6[%swap3A_82, %swap3A_83, %swap3A_84], %swap3A_87 {add = true, strides = array<i32>} : memref<4x8x1024xf32, #tpu.memory_space<vmem>>, vector<1x1x16xf32>,
      %swap3A_88 = arith.constant 1 : i32
      %swap3A_89 = arith.constant 5 : i32
      %swap3A_90 = arith.index_cast %swap3A_88 : i32 to index
      %swap3A_91 = arith.index_cast %swap3A_89 : i32 to index
      %swap3A_92 = arith.index_cast %add3A_76 : i32 to index
      %swap3A_93 = tpu.vector_load %arg6[%swap3A_90, %swap3A_91, %swap3A_92] {strides = array<i32>} : memref<4x8x1024xf32, #tpu.memory_space<vmem>>, vector<1x1x16xf32>,
      %swap3A_94 = vector.shape_cast %swap3A_93 : vector<1x1x16xf32> to vector<16xf32>
      %swap3A_95 = vector.shape_cast %get3A_80 : vector<16xf32> to vector<1x1x16xf32>
      tpu.vector_store %arg6[%swap3A_90, %swap3A_91, %swap3A_92], %swap3A_95 {add = true, strides = array<i32>} : memref<4x8x1024xf32, #tpu.memory_space<vmem>>, vector<1x1x16xf32>,
      %swap3A_96 = arith.constant 2 : i32
      %swap3A_97 = arith.constant 5 : i32
      %swap3A_98 = arith.index_cast %swap3A_96 : i32 to index
      %swap3A_99 = arith.index_cast %swap3A_97 : i32 to index
      %swap3A_100 = arith.index_cast %add3A_76 : i32 to index
      %swap3A_101 = tpu.vector_load %arg6[%swap3A_98, %swap3A_99, %swap3A_100] {strides = array<i32>} : memref<4x8x1024xf32, #tpu.memory_space<vmem>>, vector<1x1x16xf32>,
      %swap3A_102 = vector.shape_cast %swap3A_101 : vector<1x1x16xf32> to vector<16xf32>
      %swap3A_103 = vector.shape_cast %get3A_80 : vector<16xf32> to vector<1x1x16xf32>
      tpu.vector_store %arg6[%swap3A_98, %swap3A_99, %swap3A_100], %swap3A_103 {add = true, strides = array<i32>} : memref<4x8x1024xf32, #tpu.memory_space<vmem>>, vector<1x1x16xf32>,
      %swap3A_104 = arith.constant 3 : i32
      %swap3A_105 = arith.constant 5 : i32
      %swap3A_106 = arith.index_cast %swap3A_104 : i32 to index
      %swap3A_107 = arith.index_cast %swap3A_105 : i32 to index
      %swap3A_108 = arith.index_cast %add3A_76 : i32 to index
      %swap3A_109 = tpu.vector_load %arg6[%swap3A_106, %swap3A_107, %swap3A_108] {strides = array<i32>} : memref<4x8x1024xf32, #tpu.memory_space<vmem>>, vector<1x1x16xf32>,
      %swap3A_110 = vector.shape_cast %swap3A_109 : vector<1x1x16xf32> to vector<16xf32>
      %swap3A_111 = vector.shape_cast %get3A_80 : vector<16xf32> to vector<1x1x16xf32>
      tpu.vector_store %arg6[%swap3A_106, %swap3A_107, %swap3A_108], %swap3A_111 {add = true, strides = array<i32>} : memref<4x8x1024xf32, #tpu.memory_space<vmem>>, vector<1x1x16xf32>,
      %add3A_112 = arith.constant 16 : i32
      %add3A_113 = arith.addi %mul3A_74, %add3A_112 : i32
      %get3A_114 = arith.constant 5 : i32
      %get3A_115 = arith.index_cast %get3A_114 : i32 to index
      %get3A_116 = arith.index_cast %add3A_113 : i32 to index
      %get3A_117 = tpu.vector_load %arg5[%get3A_115, %get3A_116] {strides = array<i32>} : memref<8x1024xf32, #tpu.memory_space<vmem>>, vector<1x16xf32>,
      %get3A_118 = vector.shape_cast %get3A_117 : vector<1x16xf32> to vector<16xf32>
      %swap3A_119 = arith.constant 0 : i32
      %swap3A_120 = arith.constant 5 : i32
      %swap3A_121 = arith.index_cast %swap3A_119 : i32 to index
      %swap3A_122 = arith.index_cast %swap3A_120 : i32 to index
      %swap3A_123 = arith.index_cast %add3A_113 : i32 to index
      %swap3A_124 = tpu.vector_load %arg6[%swap3A_121, %swap3A_122, %swap3A_123] {strides = array<i32>} : memref<4x8x1024xf32, #tpu.memory_space<vmem>>, vector<1x1x16xf32>,
      %swap3A_125 = vector.shape_cast %swap3A_124 : vector<1x1x16xf32> to vector<16xf32>
      %swap3A_126 = vector.shape_cast %get3A_118 : vector<16xf32> to vector<1x1x16xf32>
      tpu.vector_store %arg6[%swap3A_121, %swap3A_122, %swap3A_123], %swap3A_126 {add = true, strides = array<i32>} : memref<4x8x1024xf32, #tpu.memory_space<vmem>>, vector<1x1x16xf32>,
      %swap3A_127 = arith.constant 1 : i32
      %swap3A_128 = arith.constant 5 : i32
      %swap3A_129 = arith.index_cast %swap3A_127 : i32 to index
      %swap3A_130 = arith.index_cast %swap3A_128 : i32 to index
      %swap3A_131 = arith.index_cast %add3A_113 : i32 to index
      %swap3A_132 = tpu.vector_load %arg6[%swap3A_129, %swap3A_130, %swap3A_131] {strides = array<i32>} : memref<4x8x1024xf32, #tpu.memory_space<vmem>>, vector<1x1x16xf32>,
      %swap3A_133 = vector.shape_cast %swap3A_132 : vector<1x1x16xf32> to vector<16xf32>
      %swap3A_134 = vector.shape_cast %get3A_118 : vector<16xf32> to vector<1x1x16xf32>
      tpu.vector_store %arg6[%swap3A_129, %swap3A_130, %swap3A_131], %swap3A_134 {add = true, strides = array<i32>} : memref<4x8x1024xf32, #tpu.memory_space<vmem>>, vector<1x1x16xf32>,
      %swap3A_135 = arith.constant 2 : i32
      %swap3A_136 = arith.constant 5 : i32
      %swap3A_137 = arith.index_cast %swap3A_135 : i32 to index
      %swap3A_138 = arith.index_cast %swap3A_136 : i32 to index
      %swap3A_139 = arith.index_cast %add3A_113 : i32 to index
      %swap3A_140 = tpu.vector_load %arg6[%swap3A_137, %swap3A_138, %swap3A_139] {strides = array<i32>} : memref<4x8x1024xf32, #tpu.memory_space<vmem>>, vector<1x1x16xf32>,
      %swap3A_141 = vector.shape_cast %swap3A_140 : vector<1x1x16xf32> to vector<16xf32>
      %swap3A_142 = vector.shape_cast %get3A_118 : vector<16xf32> to vector<1x1x16xf32>
      tpu.vector_store %arg6[%swap3A_137, %swap3A_138, %swap3A_139], %swap3A_142 {add = true, strides = array<i32>} : memref<4x8x1024xf32, #tpu.memory_space<vmem>>, vector<1x1x16xf32>,
      %swap3A_143 = arith.constant 3 : i32
      %swap3A_144 = arith.constant 5 : i32
      %swap3A_145 = arith.index_cast %swap3A_143 : i32 to index
      %swap3A_146 = arith.index_cast %swap3A_144 : i32 to index
      %swap3A_147 = arith.index_cast %add3A_113 : i32 to index
      %swap3A_148 = tpu.vector_load %arg6[%swap3A_145, %swap3A_146, %swap3A_147] {strides = array<i32>} : memref<4x8x1024xf32, #tpu.memory_space<vmem>>, vector<1x1x16xf32>,
      %swap3A_149 = vector.shape_cast %swap3A_148 : vector<1x1x16xf32> to vector<16xf32>
      %swap3A_150 = vector.shape_cast %get3A_118 : vector<16xf32> to vector<1x1x16xf32>
      tpu.vector_store %arg6[%swap3A_145, %swap3A_146, %swap3A_147], %swap3A_150 {add = true, strides = array<i32>} : memref<4x8x1024xf32, #tpu.memory_space<vmem>>, vector<1x1x16xf32>,
      %add3A_151 = arith.constant 32 : i32
      %add3A_152 = arith.addi %mul3A_74, %add3A_151 : i32
      %get3A_153 = arith.constant 5 : i32
      %get3A_154 = arith.index_cast %get3A_153 : i32 to index
      %get3A_155 = arith.index_cast %add3A_152 : i32 to index
      %get3A_156 = tpu.vector_load %arg5[%get3A_154, %get3A_155] {strides = array<i32>} : memref<8x1024xf32, #tpu.memory_space<vmem>>, vector<1x16xf32>,
      %get3A_157 = vector.shape_cast %get3A_156 : vector<1x16xf32> to vector<16xf32>
      %swap3A_158 = arith.constant 0 : i32
      %swap3A_159 = arith.constant 5 : i32
      %swap3A_160 = arith.index_cast %swap3A_158 : i32 to index
      %swap3A_161 = arith.index_cast %swap3A_159 : i32 to index
      %swap3A_162 = arith.index_cast %add3A_152 : i32 to index
      %swap3A_163 = tpu.vector_load %arg6[%swap3A_160, %swap3A_161, %swap3A_162] {strides = array<i32>} : memref<4x8x1024xf32, #tpu.memory_space<vmem>>, vector<1x1x16xf32>,
      %swap3A_164 = vector.shape_cast %swap3A_163 : vector<1x1x16xf32> to vector<16xf32>
      %swap3A_165 = vector.shape_cast %get3A_157 : vector<16xf32> to vector<1x1x16xf32>
      tpu.vector_store %arg6[%swap3A_160, %swap3A_161, %swap3A_162], %swap3A_165 {add = true, strides = array<i32>} : memref<4x8x1024xf32, #tpu.memory_space<vmem>>, vector<1x1x16xf32>,
      %swap3A_166 = arith.constant 1 : i32
      %swap3A_167 = arith.constant 5 : i32
      %swap3A_168 = arith.index_cast %swap3A_166 : i32 to index
      %swap3A_169 = arith.index_cast %swap3A_167 : i32 to index
      %swap3A_170 = arith.index_cast %add3A_152 : i32 to index
      %swap3A_171 = tpu.vector_load %arg6[%swap3A_168, %swap3A_169, %swap3A_170] {strides = array<i32>} : memref<4x8x1024xf32, #tpu.memory_space<vmem>>, vector<1x1x16xf32>,
      %swap3A_172 = vector.shape_cast %swap3A_171 : vector<1x1x16xf32> to vector<16xf32>
      %swap3A_173 = vector.shape_cast %get3A_157 : vector<16xf32> to vector<1x1x16xf32>
      tpu.vector_store %arg6[%swap3A_168, %swap3A_169, %swap3A_170], %swap3A_173 {add = true, strides = array<i32>} : memref<4x8x1024xf32, #tpu.memory_space<vmem>>, vector<1x1x16xf32>,
      %swap3A_174 = arith.constant 2 : i32
      %swap3A_175 = arith.constant 5 : i32
      %swap3A_176 = arith.index_cast %swap3A_174 : i32 to index
      %swap3A_177 = arith.index_cast %swap3A_175 : i32 to index
      %swap3A_178 = arith.index_cast %add3A_152 : i32 to index
      %swap3A_179 = tpu.vector_load %arg6[%swap3A_176, %swap3A_177, %swap3A_178] {strides = array<i32>} : memref<4x8x1024xf32, #tpu.memory_space<vmem>>, vector<1x1x16xf32>,
      %swap3A_180 = vector.shape_cast %swap3A_179 : vector<1x1x16xf32> to vector<16xf32>
      %swap3A_181 = vector.shape_cast %get3A_157 : vector<16xf32> to vector<1x1x16xf32>
      tpu.vector_store %arg6[%swap3A_176, %swap3A_177, %swap3A_178], %swap3A_181 {add = true, strides = array<i32>} : memref<4x8x1024xf32, #tpu.memory_space<vmem>>, vector<1x1x16xf32>,
      %swap3A_182 = arith.constant 3 : i32
      %swap3A_183 = arith.constant 5 : i32
      %swap3A_184 = arith.index_cast %swap3A_182 : i32 to index
      %swap3A_185 = arith.index_cast %swap3A_183 : i32 to index
      %swap3A_186 = arith.index_cast %add3A_152 : i32 to index
      %swap3A_187 = tpu.vector_load %arg6[%swap3A_184, %swap3A_185, %swap3A_186] {strides = array<i32>} : memref<4x8x1024xf32, #tpu.memory_space<vmem>>, vector<1x1x16xf32>,
      %swap3A_188 = vector.shape_cast %swap3A_187 : vector<1x1x16xf32> to vector<16xf32>
      %swap3A_189 = vector.shape_cast %get3A_157 : vector<16xf32> to vector<1x1x16xf32>
      tpu.vector_store %arg6[%swap3A_184, %swap3A_185, %swap3A_186], %swap3A_189 {add = true, strides = array<i32>} : memref<4x8x1024xf32, #tpu.memory_space<vmem>>, vector<1x1x16xf32>,
      %add3A_190 = arith.constant 48 : i32
      %add3A_191 = arith.addi %mul3A_74, %add3A_190 : i32
      %get3A_192 = arith.constant 5 : i32
      %get3A_193 = arith.index_cast %get3A_192 : i32 to index
      %get3A_194 = arith.index_cast %add3A_191 : i32 to index
      %get3A_195 = tpu.vector_load %arg5[%get3A_193, %get3A_194] {strides = array<i32>} : memref<8x1024xf32, #tpu.memory_space<vmem>>, vector<1x16xf32>,
      %get3A_196 = vector.shape_cast %get3A_195 : vector<1x16xf32> to vector<16xf32>
      %swap3A_197 = arith.constant 0 : i32
      %swap3A_198 = arith.constant 5 : i32
      %swap3A_199 = arith.index_cast %swap3A_197 : i32 to index
      %swap3A_200 = arith.index_cast %swap3A_198 : i32 to index
      %swap3A_201 = arith.index_cast %add3A_191 : i32 to index
      %swap3A_202 = tpu.vector_load %arg6[%swap3A_199, %swap3A_200, %swap3A_201] {strides = array<i32>} : memref<4x8x1024xf32, #tpu.memory_space<vmem>>, vector<1x1x16xf32>,
      %swap3A_203 = vector.shape_cast %swap3A_202 : vector<1x1x16xf32> to vector<16xf32>
      %swap3A_204 = vector.shape_cast %get3A_196 : vector<16xf32> to vector<1x1x16xf32>
      tpu.vector_store %arg6[%swap3A_199, %swap3A_200, %swap3A_201], %swap3A_204 {add = true, strides = array<i32>} : memref<4x8x1024xf32, #tpu.memory_space<vmem>>, vector<1x1x16xf32>,
      %swap3A_205 = arith.constant 1 : i32
      %swap3A_206 = arith.constant 5 : i32
      %swap3A_207 = arith.index_cast %swap3A_205 : i32 to index
      %swap3A_208 = arith.index_cast %swap3A_206 : i32 to index
      %swap3A_209 = arith.index_cast %add3A_191 : i32 to index
      %swap3A_210 = tpu.vector_load %arg6[%swap3A_207, %swap3A_208, %swap3A_209] {strides = array<i32>} : memref<4x8x1024xf32, #tpu.memory_space<vmem>>, vector<1x1x16xf32>,
      %swap3A_211 = vector.shape_cast %swap3A_210 : vector<1x1x16xf32> to vector<16xf32>
      %swap3A_212 = vector.shape_cast %get3A_196 : vector<16xf32> to vector<1x1x16xf32>
      tpu.vector_store %arg6[%swap3A_207, %swap3A_208, %swap3A_209], %swap3A_212 {add = true, strides = array<i32>} : memref<4x8x1024xf32, #tpu.memory_space<vmem>>, vector<1x1x16xf32>,
      %swap3A_213 = arith.constant 2 : i32
      %swap3A_214 = arith.constant 5 : i32
      %swap3A_215 = arith.index_cast %swap3A_213 : i32 to index
      %swap3A_216 = arith.index_cast %swap3A_214 : i32 to index
      %swap3A_217 = arith.index_cast %add3A_191 : i32 to index
      %swap3A_218 = tpu.vector_load %arg6[%swap3A_215, %swap3A_216, %swap3A_217] {strides = array<i32>} : memref<4x8x1024xf32, #tpu.memory_space<vmem>>, vector<1x1x16xf32>,
      %swap3A_219 = vector.shape_cast %swap3A_218 : vector<1x1x16xf32> to vector<16xf32>
      %swap3A_220 = vector.shape_cast %get3A_196 : vector<16xf32> to vector<1x1x16xf32>
      tpu.vector_store %arg6[%swap3A_215, %swap3A_216, %swap3A_217], %swap3A_220 {add = true, strides = array<i32>} : memref<4x8x1024xf32, #tpu.memory_space<vmem>>, vector<1x1x16xf32>,
      %swap3A_221 = arith.constant 3 : i32
      %swap3A_222 = arith.constant 5 : i32
      %swap3A_223 = arith.index_cast %swap3A_221 : i32 to index
      %swap3A_224 = arith.index_cast %swap3A_222 : i32 to index
      %swap3A_225 = arith.index_cast %add3A_191 : i32 to index
      %swap3A_226 = tpu.vector_load %arg6[%swap3A_223, %swap3A_224, %swap3A_225] {strides = array<i32>} : memref<4x8x1024xf32, #tpu.memory_space<vmem>>, vector<1x1x16xf32>,
      %swap3A_227 = vector.shape_cast %swap3A_226 : vector<1x1x16xf32> to vector<16xf32>
      %swap3A_228 = vector.shape_cast %get3A_196 : vector<16xf32> to vector<1x1x16xf32>
      tpu.vector_store %arg6[%swap3A_223, %swap3A_224, %swap3A_225], %swap3A_228 {add = true, strides = array<i32>} : memref<4x8x1024xf32, #tpu.memory_space<vmem>>, vector<1x1x16xf32>,
      %add3A_229 = arith.constant 64 : i32
      %add3A_230 = arith.addi %mul3A_74, %add3A_229 : i32
      %get3A_231 = arith.constant 5 : i32
      %get3A_232 = arith.index_cast %get3A_231 : i32 to index
      %get3A_233 = arith.index_cast %add3A_230 : i32 to index
      %get3A_234 = tpu.vector_load %arg5[%get3A_232, %get3A_233] {strides = array<i32>} : memref<8x1024xf32, #tpu.memory_space<vmem>>, vector<1x16xf32>,
      %get3A_235 = vector.shape_cast %get3A_234 : vector<1x16xf32> to vector<16xf32>
      %swap3A_236 = arith.constant 0 : i32
      %swap3A_237 = arith.constant 5 : i32
      %swap3A_238 = arith.index_cast %swap3A_236 : i32 to index
      %swap3A_239 = arith.index_cast %swap3A_237 : i32 to index
      %swap3A_240 = arith.index_cast %add3A_230 : i32 to index
      %swap3A_241 = tpu.vector_load %arg6[%swap3A_238, %swap3A_239, %swap3A_240] {strides = array<i32>} : memref<4x8x1024xf32, #tpu.memory_space<vmem>>, vector<1x1x16xf32>,
      %swap3A_242 = vector.shape_cast %swap3A_241 : vector<1x1x16xf32> to vector<16xf32>
      %swap3A_243 = vector.shape_cast %get3A_235 : vector<16xf32> to vector<1x1x16xf32>
      tpu.vector_store %arg6[%swap3A_238, %swap3A_239, %swap3A_240], %swap3A_243 {add = true, strides = array<i32>} : memref<4x8x1024xf32, #tpu.memory_space<vmem>>, vector<1x1x16xf32>,
      %swap3A_244 = arith.constant 1 : i32
      %swap3A_245 = arith.constant 5 : i32
      %swap3A_246 = arith.index_cast %swap3A_244 : i32 to index
      %swap3A_247 = arith.index_cast %swap3A_245 : i32 to index
      %swap3A_248 = arith.index_cast %add3A_230 : i32 to index
      %swap3A_249 = tpu.vector_load %arg6[%swap3A_246, %swap3A_247, %swap3A_248] {strides = array<i32>} : memref<4x8x1024xf32, #tpu.memory_space<vmem>>, vector<1x1x16xf32>,
      %swap3A_250 = vector.shape_cast %swap3A_249 : vector<1x1x16xf32> to vector<16xf32>
      %swap3A_251 = vector.shape_cast %get3A_235 : vector<16xf32> to vector<1x1x16xf32>
      tpu.vector_store %arg6[%swap3A_246, %swap3A_247, %swap3A_248], %swap3A_251 {add = true, strides = array<i32>} : memref<4x8x1024xf32, #tpu.memory_space<vmem>>, vector<1x1x16xf32>,
      %swap3A_252 = arith.constant 2 : i32
      %swap3A_253 = arith.constant 5 : i32
      %swap3A_254 = arith.index_cast %swap3A_252 : i32 to index
      %swap3A_255 = arith.index_cast %swap3A_253 : i32 to index
      %swap3A_256 = arith.index_cast %add3A_230 : i32 to index
      %swap3A_257 = tpu.vector_load %arg6[%swap3A_254, %swap3A_255, %swap3A_256] {strides = array<i32>} : memref<4x8x1024xf32, #tpu.memory_space<vmem>>, vector<1x1x16xf32>,
      %swap3A_258 = vector.shape_cast %swap3A_257 : vector<1x1x16xf32> to vector<16xf32>
      %swap3A_259 = vector.shape_cast %get3A_235 : vector<16xf32> to vector<1x1x16xf32>
      tpu.vector_store %arg6[%swap3A_254, %swap3A_255, %swap3A_256], %swap3A_259 {add = true, strides = array<i32>} : memref<4x8x1024xf32, #tpu.memory_space<vmem>>, vector<1x1x16xf32>,
      %swap3A_260 = arith.constant 3 : i32
      %swap3A_261 = arith.constant 5 : i32
      %swap3A_262 = arith.index_cast %swap3A_260 : i32 to index
      %swap3A_263 = arith.index_cast %swap3A_261 : i32 to index
      %swap3A_264 = arith.index_cast %add3A_230 : i32 to index
      %swap3A_265 = tpu.vector_load %arg6[%swap3A_262, %swap3A_263, %swap3A_264] {strides = array<i32>} : memref<4x8x1024xf32, #tpu.memory_space<vmem>>, vector<1x1x16xf32>,
      %swap3A_266 = vector.shape_cast %swap3A_265 : vector<1x1x16xf32> to vector<16xf32>
      %swap3A_267 = vector.shape_cast %get3A_235 : vector<16xf32> to vector<1x1x16xf32>
      tpu.vector_store %arg6[%swap3A_262, %swap3A_263, %swap3A_264], %swap3A_267 {add = true, strides = array<i32>} : memref<4x8x1024xf32, #tpu.memory_space<vmem>>, vector<1x1x16xf32>,
      %add3A_268 = arith.constant 80 : i32
      %add3A_269 = arith.addi %mul3A_74, %add3A_268 : i32
      %get3A_270 = arith.constant 5 : i32
      %get3A_271 = arith.index_cast %get3A_270 : i32 to index
      %get3A_272 = arith.index_cast %add3A_269 : i32 to index
      %get3A_273 = tpu.vector_load %arg5[%get3A_271, %get3A_272] {strides = array<i32>} : memref<8x1024xf32, #tpu.memory_space<vmem>>, vector<1x16xf32>,
      %get3A_274 = vector.shape_cast %get3A_273 : vector<1x16xf32> to vector<16xf32>
      %swap3A_275 = arith.constant 0 : i32
      %swap3A_276 = arith.constant 5 : i32
      %swap3A_277 = arith.index_cast %swap3A_275 : i32 to index
      %swap3A_278 = arith.index_cast %swap3A_276 : i32 to index
      %swap3A_279 = arith.index_cast %add3A_269 : i32 to index
      %swap3A_280 = tpu.vector_load %arg6[%swap3A_277, %swap3A_278, %swap3A_279] {strides = array<i32>} : memref<4x8x1024xf32, #tpu.memory_space<vmem>>, vector<1x1x16xf32>,
      %swap3A_281 = vector.shape_cast %swap3A_280 : vector<1x1x16xf32> to vector<16xf32>
      %swap3A_282 = vector.shape_cast %get3A_274 : vector<16xf32> to vector<1x1x16xf32>
      tpu.vector_store %arg6[%swap3A_277, %swap3A_278, %swap3A_279], %swap3A_282 {add = true, strides = array<i32>} : memref<4x8x1024xf32, #tpu.memory_space<vmem>>, vector<1x1x16xf32>,
      %swap3A_283 = arith.constant 1 : i32
      %swap3A_284 = arith.constant 5 : i32
      %swap3A_285 = arith.index_cast %swap3A_283 : i32 to index
      %swap3A_286 = arith.index_cast %swap3A_284 : i32 to index
      %swap3A_287 = arith.index_cast %add3A_269 : i32 to index
      %swap3A_288 = tpu.vector_load %arg6[%swap3A_285, %swap3A_286, %swap3A_287] {strides = array<i32>} : memref<4x8x1024xf32, #tpu.memory_space<vmem>>, vector<1x1x16xf32>,
      %swap3A_289 = vector.shape_cast %swap3A_288 : vector<1x1x16xf32> to vector<16xf32>
      %swap3A_290 = vector.shape_cast %get3A_274 : vector<16xf32> to vector<1x1x16xf32>
      tpu.vector_store %arg6[%swap3A_285, %swap3A_286, %swap3A_287], %swap3A_290 {add = true, strides = array<i32>} : memref<4x8x1024xf32, #tpu.memory_space<vmem>>, vector<1x1x16xf32>,
      %swap3A_291 = arith.constant 2 : i32
      %swap3A_292 = arith.constant 5 : i32
      %swap3A_293 = arith.index_cast %swap3A_291 : i32 to index
      %swap3A_294 = arith.index_cast %swap3A_292 : i32 to index
      %swap3A_295 = arith.index_cast %add3A_269 : i32 to index
      %swap3A_296 = tpu.vector_load %arg6[%swap3A_293, %swap3A_294, %swap3A_295] {strides = array<i32>} : memref<4x8x1024xf32, #tpu.memory_space<vmem>>, vector<1x1x16xf32>,
      %swap3A_297 = vector.shape_cast %swap3A_296 : vector<1x1x16xf32> to vector<16xf32>
      %swap3A_298 = vector.shape_cast %get3A_274 : vector<16xf32> to vector<1x1x16xf32>
      tpu.vector_store %arg6[%swap3A_293, %swap3A_294, %swap3A_295], %swap3A_298 {add = true, strides = array<i32>} : memref<4x8x1024xf32, #tpu.memory_space<vmem>>, vector<1x1x16xf32>,
      %swap3A_299 = arith.constant 3 : i32
      %swap3A_300 = arith.constant 5 : i32
      %swap3A_301 = arith.index_cast %swap3A_299 : i32 to index
      %swap3A_302 = arith.index_cast %swap3A_300 : i32 to index
      %swap3A_303 = arith.index_cast %add3A_269 : i32 to index
      %swap3A_304 = tpu.vector_load %arg6[%swap3A_301, %swap3A_302, %swap3A_303] {strides = array<i32>} : memref<4x8x1024xf32, #tpu.memory_space<vmem>>, vector<1x1x16xf32>,
      %swap3A_305 = vector.shape_cast %swap3A_304 : vector<1x1x16xf32> to vector<16xf32>
      %swap3A_306 = vector.shape_cast %get3A_274 : vector<16xf32> to vector<1x1x16xf32>
      tpu.vector_store %arg6[%swap3A_301, %swap3A_302, %swap3A_303], %swap3A_306 {add = true, strides = array<i32>} : memref<4x8x1024xf32, #tpu.memory_space<vmem>>, vector<1x1x16xf32>,
      %add3A_307 = arith.constant 96 : i32
      %add3A_308 = arith.addi %mul3A_74, %add3A_307 : i32
      %get3A_309 = arith.constant 5 : i32
      %get3A_310 = arith.index_cast %get3A_309 : i32 to index
      %get3A_311 = arith.index_cast %add3A_308 : i32 to index
      %get3A_312 = tpu.vector_load %arg5[%get3A_310, %get3A_311] {strides = array<i32>} : memref<8x1024xf32, #tpu.memory_space<vmem>>, vector<1x16xf32>,
      %get3A_313 = vector.shape_cast %get3A_312 : vector<1x16xf32> to vector<16xf32>
      %swap3A_314 = arith.constant 0 : i32
      %swap3A_315 = arith.constant 5 : i32
      %swap3A_316 = arith.index_cast %swap3A_314 : i32 to index
      %swap3A_317 = arith.index_cast %swap3A_315 : i32 to index
      %swap3A_318 = arith.index_cast %add3A_308 : i32 to index
      %swap3A_319 = tpu.vector_load %arg6[%swap3A_316, %swap3A_317, %swap3A_318] {strides = array<i32>} : memref<4x8x1024xf32, #tpu.memory_space<vmem>>, vector<1x1x16xf32>,
      %swap3A_320 = vector.shape_cast %swap3A_319 : vector<1x1x16xf32> to vector<16xf32>
      %swap3A_321 = vector.shape_cast %get3A_313 : vector<16xf32> to vector<1x1x16xf32>
      tpu.vector_store %arg6[%swap3A_316, %swap3A_317, %swap3A_318], %swap3A_321 {add = true, strides = array<i32>} : memref<4x8x1024xf32, #tpu.memory_space<vmem>>, vector<1x1x16xf32>,
      %swap3A_322 = arith.constant 1 : i32
      %swap3A_323 = arith.constant 5 : i32
      %swap3A_324 = arith.index_cast %swap3A_322 : i32 to index
      %swap3A_325 = arith.index_cast %swap3A_323 : i32 to index
      %swap3A_326 = arith.index_cast %add3A_308 : i32 to index
      %swap3A_327 = tpu.vector_load %arg6[%swap3A_324, %swap3A_325, %swap3A_326] {strides = array<i32>} : memref<4x8x1024xf32, #tpu.memory_space<vmem>>, vector<1x1x16xf32>,
      %swap3A_328 = vector.shape_cast %swap3A_327 : vector<1x1x16xf32> to vector<16xf32>
      %swap3A_329 = vector.shape_cast %get3A_313 : vector<16xf32> to vector<1x1x16xf32>
      tpu.vector_store %arg6[%swap3A_324, %swap3A_325, %swap3A_326], %swap3A_329 {add = true, strides = array<i32>} : memref<4x8x1024xf32, #tpu.memory_space<vmem>>, vector<1x1x16xf32>,
      %swap3A_330 = arith.constant 2 : i32
      %swap3A_331 = arith.constant 5 : i32
      %swap3A_332 = arith.index_cast %swap3A_330 : i32 to index
      %swap3A_333 = arith.index_cast %swap3A_331 : i32 to index
      %swap3A_334 = arith.index_cast %add3A_308 : i32 to index
      %swap3A_335 = tpu.vector_load %arg6[%swap3A_332, %swap3A_333, %swap3A_334] {strides = array<i32>} : memref<4x8x1024xf32, #tpu.memory_space<vmem>>, vector<1x1x16xf32>,
      %swap3A_336 = vector.shape_cast %swap3A_335 : vector<1x1x16xf32> to vector<16xf32>
      %swap3A_337 = vector.shape_cast %get3A_313 : vector<16xf32> to vector<1x1x16xf32>
      tpu.vector_store %arg6[%swap3A_332, %swap3A_333, %swap3A_334], %swap3A_337 {add = true, strides = array<i32>} : memref<4x8x1024xf32, #tpu.memory_space<vmem>>, vector<1x1x16xf32>,
      %swap3A_338 = arith.constant 3 : i32
      %swap3A_339 = arith.constant 5 : i32
      %swap3A_340 = arith.index_cast %swap3A_338 : i32 to index
      %swap3A_341 = arith.index_cast %swap3A_339 : i32 to index
      %swap3A_342 = arith.index_cast %add3A_308 : i32 to index
      %swap3A_343 = tpu.vector_load %arg6[%swap3A_340, %swap3A_341, %swap3A_342] {strides = array<i32>} : memref<4x8x1024xf32, #tpu.memory_space<vmem>>, vector<1x1x16xf32>,
      %swap3A_344 = vector.shape_cast %swap3A_343 : vector<1x1x16xf32> to vector<16xf32>
      %swap3A_345 = vector.shape_cast %get3A_313 : vector<16xf32> to vector<1x1x16xf32>
      tpu.vector_store %arg6[%swap3A_340, %swap3A_341, %swap3A_342], %swap3A_345 {add = true, strides = array<i32>} : memref<4x8x1024xf32, #tpu.memory_space<vmem>>, vector<1x1x16xf32>,
      %add3A_346 = arith.constant 112 : i32
      %add3A_347 = arith.addi %mul3A_74, %add3A_346 : i32
      %get3A_348 = arith.constant 5 : i32
      %get3A_349 = arith.index_cast %get3A_348 : i32 to index
      %get3A_350 = arith.index_cast %add3A_347 : i32 to index
      %get3A_351 = tpu.vector_load %arg5[%get3A_349, %get3A_350] {strides = array<i32>} : memref<8x1024xf32, #tpu.memory_space<vmem>>, vector<1x16xf32>,
      %get3A_352 = vector.shape_cast %get3A_351 : vector<1x16xf32> to vector<16xf32>
      %swap3A_353 = arith.constant 0 : i32
      %swap3A_354 = arith.constant 5 : i32
      %swap3A_355 = arith.index_cast %swap3A_353 : i32 to index
      %swap3A_356 = arith.index_cast %swap3A_354 : i32 to index
      %swap3A_357 = arith.index_cast %add3A_347 : i32 to index
      %swap3A_358 = tpu.vector_load %arg6[%swap3A_355, %swap3A_356, %swap3A_357] {strides = array<i32>} : memref<4x8x1024xf32, #tpu.memory_space<vmem>>, vector<1x1x16xf32>,
      %swap3A_359 = vector.shape_cast %swap3A_358 : vector<1x1x16xf32> to vector<16xf32>
      %swap3A_360 = vector.shape_cast %get3A_352 : vector<16xf32> to vector<1x1x16xf32>
      tpu.vector_store %arg6[%swap3A_355, %swap3A_356, %swap3A_357], %swap3A_360 {add = true, strides = array<i32>} : memref<4x8x1024xf32, #tpu.memory_space<vmem>>, vector<1x1x16xf32>,
      %swap3A_361 = arith.constant 1 : i32
      %swap3A_362 = arith.constant 5 : i32
      %swap3A_363 = arith.index_cast %swap3A_361 : i32 to index
      %swap3A_364 = arith.index_cast %swap3A_362 : i32 to index
      %swap3A_365 = arith.index_cast %add3A_347 : i32 to index
      %swap3A_366 = tpu.vector_load %arg6[%swap3A_363, %swap3A_364, %swap3A_365] {strides = array<i32>} : memref<4x8x1024xf32, #tpu.memory_space<vmem>>, vector<1x1x16xf32>,
      %swap3A_367 = vector.shape_cast %swap3A_366 : vector<1x1x16xf32> to vector<16xf32>
      %swap3A_368 = vector.shape_cast %get3A_352 : vector<16xf32> to vector<1x1x16xf32>
      tpu.vector_store %arg6[%swap3A_363, %swap3A_364, %swap3A_365], %swap3A_368 {add = true, strides = array<i32>} : memref<4x8x1024xf32, #tpu.memory_space<vmem>>, vector<1x1x16xf32>,
      %swap3A_369 = arith.constant 2 : i32
      %swap3A_370 = arith.constant 5 : i32
      %swap3A_371 = arith.index_cast %swap3A_369 : i32 to index
      %swap3A_372 = arith.index_cast %swap3A_370 : i32 to index
      %swap3A_373 = arith.index_cast %add3A_347 : i32 to index
      %swap3A_374 = tpu.vector_load %arg6[%swap3A_371, %swap3A_372, %swap3A_373] {strides = array<i32>} : memref<4x8x1024xf32, #tpu.memory_space<vmem>>, vector<1x1x16xf32>,
      %swap3A_375 = vector.shape_cast %swap3A_374 : vector<1x1x16xf32> to vector<16xf32>
      %swap3A_376 = vector.shape_cast %get3A_352 : vector<16xf32> to vector<1x1x16xf32>
      tpu.vector_store %arg6[%swap3A_371, %swap3A_372, %swap3A_373], %swap3A_376 {add = true, strides = array<i32>} : memref<4x8x1024xf32, #tpu.memory_space<vmem>>, vector<1x1x16xf32>,
      %swap3A_377 = arith.constant 3 : i32
      %swap3A_378 = arith.constant 5 : i32
      %swap3A_379 = arith.index_cast %swap3A_377 : i32 to index
      %swap3A_380 = arith.index_cast %swap3A_378 : i32 to index
      %swap3A_381 = arith.index_cast %add3A_347 : i32 to index
      %swap3A_382 = tpu.vector_load %arg6[%swap3A_379, %swap3A_380, %swap3A_381] {strides = array<i32>} : memref<4x8x1024xf32, #tpu.memory_space<vmem>>, vector<1x1x16xf32>,
      %swap3A_383 = vector.shape_cast %swap3A_382 : vector<1x1x16xf32> to vector<16xf32>
      %swap3A_384 = vector.shape_cast %get3A_352 : vector<16xf32> to vector<1x1x16xf32>
      tpu.vector_store %arg6[%swap3A_379, %swap3A_380, %swap3A_381], %swap3A_384 {add = true, strides = array<i32>} : memref<4x8x1024xf32, #tpu.memory_space<vmem>>, vector<1x1x16xf32>,
    }
    %scan3A_57 = arith.constant 8 : i32
    %scan3A_58 = arith.constant 0 : i32
    %scan3A_59 = arith.constant 0 : i32
    %scan3A_60 = arith.constant 8 : i32
    %scan3A_61 = arith.addi %scan3A_59, %scan3A_60 : i32
    %scan3A_62 = arith.constant 1 : i32
    scf.for %scan3A_72 = %scan3A_59 to %scan3A_61 step %scan3A_62  : i32 {
      %mul3A_73 = arith.constant 128 : i32
      %mul3A_74 = arith.muli %scan3A_72, %mul3A_73 : i32
      %add3A_75 = arith.constant 0 : i32
      %add3A_76 = arith.addi %mul3A_74, %add3A_75 : i32
      %get3A = arith.constant 6 : i32
      %get3A_77 = arith.index_cast %get3A : i32 to index
      %get3A_78 = arith.index_cast %add3A_76 : i32 to index
      %get3A_79 = tpu.vector_load %arg5[%get3A_77, %get3A_78] {strides = array<i32>} : memref<8x1024xf32, #tpu.memory_space<vmem>>, vector<1x16xf32>,
      %get3A_80 = vector.shape_cast %get3A_79 : vector<1x16xf32> to vector<16xf32>
      %swap3A = arith.constant 0 : i32
      %swap3A_81 = arith.constant 6 : i32
      %swap3A_82 = arith.index_cast %swap3A : i32 to index
      %swap3A_83 = arith.index_cast %swap3A_81 : i32 to index
      %swap3A_84 = arith.index_cast %add3A_76 : i32 to index
      %swap3A_85 = tpu.vector_load %arg6[%swap3A_82, %swap3A_83, %swap3A_84] {strides = array<i32>} : memref<4x8x1024xf32, #tpu.memory_space<vmem>>, vector<1x1x16xf32>,
      %swap3A_86 = vector.shape_cast %swap3A_85 : vector<1x1x16xf32> to vector<16xf32>
      %swap3A_87 = vector.shape_cast %get3A_80 : vector<16xf32> to vector<1x1x16xf32>
      tpu.vector_store %arg6[%swap3A_82, %swap3A_83, %swap3A_84], %swap3A_87 {add = true, strides = array<i32>} : memref<4x8x1024xf32, #tpu.memory_space<vmem>>, vector<1x1x16xf32>,
      %swap3A_88 = arith.constant 1 : i32
      %swap3A_89 = arith.constant 6 : i32
      %swap3A_90 = arith.index_cast %swap3A_88 : i32 to index
      %swap3A_91 = arith.index_cast %swap3A_89 : i32 to index
      %swap3A_92 = arith.index_cast %add3A_76 : i32 to index
      %swap3A_93 = tpu.vector_load %arg6[%swap3A_90, %swap3A_91, %swap3A_92] {strides = array<i32>} : memref<4x8x1024xf32, #tpu.memory_space<vmem>>, vector<1x1x16xf32>,
      %swap3A_94 = vector.shape_cast %swap3A_93 : vector<1x1x16xf32> to vector<16xf32>
      %swap3A_95 = vector.shape_cast %get3A_80 : vector<16xf32> to vector<1x1x16xf32>
      tpu.vector_store %arg6[%swap3A_90, %swap3A_91, %swap3A_92], %swap3A_95 {add = true, strides = array<i32>} : memref<4x8x1024xf32, #tpu.memory_space<vmem>>, vector<1x1x16xf32>,
      %swap3A_96 = arith.constant 2 : i32
      %swap3A_97 = arith.constant 6 : i32
      %swap3A_98 = arith.index_cast %swap3A_96 : i32 to index
      %swap3A_99 = arith.index_cast %swap3A_97 : i32 to index
      %swap3A_100 = arith.index_cast %add3A_76 : i32 to index
      %swap3A_101 = tpu.vector_load %arg6[%swap3A_98, %swap3A_99, %swap3A_100] {strides = array<i32>} : memref<4x8x1024xf32, #tpu.memory_space<vmem>>, vector<1x1x16xf32>,
      %swap3A_102 = vector.shape_cast %swap3A_101 : vector<1x1x16xf32> to vector<16xf32>
      %swap3A_103 = vector.shape_cast %get3A_80 : vector<16xf32> to vector<1x1x16xf32>
      tpu.vector_store %arg6[%swap3A_98, %swap3A_99, %swap3A_100], %swap3A_103 {add = true, strides = array<i32>} : memref<4x8x1024xf32, #tpu.memory_space<vmem>>, vector<1x1x16xf32>,
      %swap3A_104 = arith.constant 3 : i32
      %swap3A_105 = arith.constant 6 : i32
      %swap3A_106 = arith.index_cast %swap3A_104 : i32 to index
      %swap3A_107 = arith.index_cast %swap3A_105 : i32 to index
      %swap3A_108 = arith.index_cast %add3A_76 : i32 to index
      %swap3A_109 = tpu.vector_load %arg6[%swap3A_106, %swap3A_107, %swap3A_108] {strides = array<i32>} : memref<4x8x1024xf32, #tpu.memory_space<vmem>>, vector<1x1x16xf32>,
      %swap3A_110 = vector.shape_cast %swap3A_109 : vector<1x1x16xf32> to vector<16xf32>
      %swap3A_111 = vector.shape_cast %get3A_80 : vector<16xf32> to vector<1x1x16xf32>
      tpu.vector_store %arg6[%swap3A_106, %swap3A_107, %swap3A_108], %swap3A_111 {add = true, strides = array<i32>} : memref<4x8x1024xf32, #tpu.memory_space<vmem>>, vector<1x1x16xf32>,
      %add3A_112 = arith.constant 16 : i32
      %add3A_113 = arith.addi %mul3A_74, %add3A_112 : i32
      %get3A_114 = arith.constant 6 : i32
      %get3A_115 = arith.index_cast %get3A_114 : i32 to index
      %get3A_116 = arith.index_cast %add3A_113 : i32 to index
      %get3A_117 = tpu.vector_load %arg5[%get3A_115, %get3A_116] {strides = array<i32>} : memref<8x1024xf32, #tpu.memory_space<vmem>>, vector<1x16xf32>,
      %get3A_118 = vector.shape_cast %get3A_117 : vector<1x16xf32> to vector<16xf32>
      %swap3A_119 = arith.constant 0 : i32
      %swap3A_120 = arith.constant 6 : i32
      %swap3A_121 = arith.index_cast %swap3A_119 : i32 to index
      %swap3A_122 = arith.index_cast %swap3A_120 : i32 to index
      %swap3A_123 = arith.index_cast %add3A_113 : i32 to index
      %swap3A_124 = tpu.vector_load %arg6[%swap3A_121, %swap3A_122, %swap3A_123] {strides = array<i32>} : memref<4x8x1024xf32, #tpu.memory_space<vmem>>, vector<1x1x16xf32>,
      %swap3A_125 = vector.shape_cast %swap3A_124 : vector<1x1x16xf32> to vector<16xf32>
      %swap3A_126 = vector.shape_cast %get3A_118 : vector<16xf32> to vector<1x1x16xf32>
      tpu.vector_store %arg6[%swap3A_121, %swap3A_122, %swap3A_123], %swap3A_126 {add = true, strides = array<i32>} : memref<4x8x1024xf32, #tpu.memory_space<vmem>>, vector<1x1x16xf32>,
      %swap3A_127 = arith.constant 1 : i32
      %swap3A_128 = arith.constant 6 : i32
      %swap3A_129 = arith.index_cast %swap3A_127 : i32 to index
      %swap3A_130 = arith.index_cast %swap3A_128 : i32 to index
      %swap3A_131 = arith.index_cast %add3A_113 : i32 to index
      %swap3A_132 = tpu.vector_load %arg6[%swap3A_129, %swap3A_130, %swap3A_131] {strides = array<i32>} : memref<4x8x1024xf32, #tpu.memory_space<vmem>>, vector<1x1x16xf32>,
      %swap3A_133 = vector.shape_cast %swap3A_132 : vector<1x1x16xf32> to vector<16xf32>
      %swap3A_134 = vector.shape_cast %get3A_118 : vector<16xf32> to vector<1x1x16xf32>
      tpu.vector_store %arg6[%swap3A_129, %swap3A_130, %swap3A_131], %swap3A_134 {add = true, strides = array<i32>} : memref<4x8x1024xf32, #tpu.memory_space<vmem>>, vector<1x1x16xf32>,
      %swap3A_135 = arith.constant 2 : i32
      %swap3A_136 = arith.constant 6 : i32
      %swap3A_137 = arith.index_cast %swap3A_135 : i32 to index
      %swap3A_138 = arith.index_cast %swap3A_136 : i32 to index
      %swap3A_139 = arith.index_cast %add3A_113 : i32 to index
      %swap3A_140 = tpu.vector_load %arg6[%swap3A_137, %swap3A_138, %swap3A_139] {strides = array<i32>} : memref<4x8x1024xf32, #tpu.memory_space<vmem>>, vector<1x1x16xf32>,
      %swap3A_141 = vector.shape_cast %swap3A_140 : vector<1x1x16xf32> to vector<16xf32>
      %swap3A_142 = vector.shape_cast %get3A_118 : vector<16xf32> to vector<1x1x16xf32>
      tpu.vector_store %arg6[%swap3A_137, %swap3A_138, %swap3A_139], %swap3A_142 {add = true, strides = array<i32>} : memref<4x8x1024xf32, #tpu.memory_space<vmem>>, vector<1x1x16xf32>,
      %swap3A_143 = arith.constant 3 : i32
      %swap3A_144 = arith.constant 6 : i32
      %swap3A_145 = arith.index_cast %swap3A_143 : i32 to index
      %swap3A_146 = arith.index_cast %swap3A_144 : i32 to index
      %swap3A_147 = arith.index_cast %add3A_113 : i32 to index
      %swap3A_148 = tpu.vector_load %arg6[%swap3A_145, %swap3A_146, %swap3A_147] {strides = array<i32>} : memref<4x8x1024xf32, #tpu.memory_space<vmem>>, vector<1x1x16xf32>,
      %swap3A_149 = vector.shape_cast %swap3A_148 : vector<1x1x16xf32> to vector<16xf32>
      %swap3A_150 = vector.shape_cast %get3A_118 : vector<16xf32> to vector<1x1x16xf32>
      tpu.vector_store %arg6[%swap3A_145, %swap3A_146, %swap3A_147], %swap3A_150 {add = true, strides = array<i32>} : memref<4x8x1024xf32, #tpu.memory_space<vmem>>, vector<1x1x16xf32>,
      %add3A_151 = arith.constant 32 : i32
      %add3A_152 = arith.addi %mul3A_74, %add3A_151 : i32
      %get3A_153 = arith.constant 6 : i32
      %get3A_154 = arith.index_cast %get3A_153 : i32 to index
      %get3A_155 = arith.index_cast %add3A_152 : i32 to index
      %get3A_156 = tpu.vector_load %arg5[%get3A_154, %get3A_155] {strides = array<i32>} : memref<8x1024xf32, #tpu.memory_space<vmem>>, vector<1x16xf32>,
      %get3A_157 = vector.shape_cast %get3A_156 : vector<1x16xf32> to vector<16xf32>
      %swap3A_158 = arith.constant 0 : i32
      %swap3A_159 = arith.constant 6 : i32
      %swap3A_160 = arith.index_cast %swap3A_158 : i32 to index
      %swap3A_161 = arith.index_cast %swap3A_159 : i32 to index
      %swap3A_162 = arith.index_cast %add3A_152 : i32 to index
      %swap3A_163 = tpu.vector_load %arg6[%swap3A_160, %swap3A_161, %swap3A_162] {strides = array<i32>} : memref<4x8x1024xf32, #tpu.memory_space<vmem>>, vector<1x1x16xf32>,
      %swap3A_164 = vector.shape_cast %swap3A_163 : vector<1x1x16xf32> to vector<16xf32>
      %swap3A_165 = vector.shape_cast %get3A_157 : vector<16xf32> to vector<1x1x16xf32>
      tpu.vector_store %arg6[%swap3A_160, %swap3A_161, %swap3A_162], %swap3A_165 {add = true, strides = array<i32>} : memref<4x8x1024xf32, #tpu.memory_space<vmem>>, vector<1x1x16xf32>,
      %swap3A_166 = arith.constant 1 : i32
      %swap3A_167 = arith.constant 6 : i32
      %swap3A_168 = arith.index_cast %swap3A_166 : i32 to index
      %swap3A_169 = arith.index_cast %swap3A_167 : i32 to index
      %swap3A_170 = arith.index_cast %add3A_152 : i32 to index
      %swap3A_171 = tpu.vector_load %arg6[%swap3A_168, %swap3A_169, %swap3A_170] {strides = array<i32>} : memref<4x8x1024xf32, #tpu.memory_space<vmem>>, vector<1x1x16xf32>,
      %swap3A_172 = vector.shape_cast %swap3A_171 : vector<1x1x16xf32> to vector<16xf32>
      %swap3A_173 = vector.shape_cast %get3A_157 : vector<16xf32> to vector<1x1x16xf32>
      tpu.vector_store %arg6[%swap3A_168, %swap3A_169, %swap3A_170], %swap3A_173 {add = true, strides = array<i32>} : memref<4x8x1024xf32, #tpu.memory_space<vmem>>, vector<1x1x16xf32>,
      %swap3A_174 = arith.constant 2 : i32
      %swap3A_175 = arith.constant 6 : i32
      %swap3A_176 = arith.index_cast %swap3A_174 : i32 to index
      %swap3A_177 = arith.index_cast %swap3A_175 : i32 to index
      %swap3A_178 = arith.index_cast %add3A_152 : i32 to index
      %swap3A_179 = tpu.vector_load %arg6[%swap3A_176, %swap3A_177, %swap3A_178] {strides = array<i32>} : memref<4x8x1024xf32, #tpu.memory_space<vmem>>, vector<1x1x16xf32>,
      %swap3A_180 = vector.shape_cast %swap3A_179 : vector<1x1x16xf32> to vector<16xf32>
      %swap3A_181 = vector.shape_cast %get3A_157 : vector<16xf32> to vector<1x1x16xf32>
      tpu.vector_store %arg6[%swap3A_176, %swap3A_177, %swap3A_178], %swap3A_181 {add = true, strides = array<i32>} : memref<4x8x1024xf32, #tpu.memory_space<vmem>>, vector<1x1x16xf32>,
      %swap3A_182 = arith.constant 3 : i32
      %swap3A_183 = arith.constant 6 : i32
      %swap3A_184 = arith.index_cast %swap3A_182 : i32 to index
      %swap3A_185 = arith.index_cast %swap3A_183 : i32 to index
      %swap3A_186 = arith.index_cast %add3A_152 : i32 to index
      %swap3A_187 = tpu.vector_load %arg6[%swap3A_184, %swap3A_185, %swap3A_186] {strides = array<i32>} : memref<4x8x1024xf32, #tpu.memory_space<vmem>>, vector<1x1x16xf32>,
      %swap3A_188 = vector.shape_cast %swap3A_187 : vector<1x1x16xf32> to vector<16xf32>
      %swap3A_189 = vector.shape_cast %get3A_157 : vector<16xf32> to vector<1x1x16xf32>
      tpu.vector_store %arg6[%swap3A_184, %swap3A_185, %swap3A_186], %swap3A_189 {add = true, strides = array<i32>} : memref<4x8x1024xf32, #tpu.memory_space<vmem>>, vector<1x1x16xf32>,
      %add3A_190 = arith.constant 48 : i32
      %add3A_191 = arith.addi %mul3A_74, %add3A_190 : i32
      %get3A_192 = arith.constant 6 : i32
      %get3A_193 = arith.index_cast %get3A_192 : i32 to index
      %get3A_194 = arith.index_cast %add3A_191 : i32 to index
      %get3A_195 = tpu.vector_load %arg5[%get3A_193, %get3A_194] {strides = array<i32>} : memref<8x1024xf32, #tpu.memory_space<vmem>>, vector<1x16xf32>,
      %get3A_196 = vector.shape_cast %get3A_195 : vector<1x16xf32> to vector<16xf32>
      %swap3A_197 = arith.constant 0 : i32
      %swap3A_198 = arith.constant 6 : i32
      %swap3A_199 = arith.index_cast %swap3A_197 : i32 to index
      %swap3A_200 = arith.index_cast %swap3A_198 : i32 to index
      %swap3A_201 = arith.index_cast %add3A_191 : i32 to index
      %swap3A_202 = tpu.vector_load %arg6[%swap3A_199, %swap3A_200, %swap3A_201] {strides = array<i32>} : memref<4x8x1024xf32, #tpu.memory_space<vmem>>, vector<1x1x16xf32>,
      %swap3A_203 = vector.shape_cast %swap3A_202 : vector<1x1x16xf32> to vector<16xf32>
      %swap3A_204 = vector.shape_cast %get3A_196 : vector<16xf32> to vector<1x1x16xf32>
      tpu.vector_store %arg6[%swap3A_199, %swap3A_200, %swap3A_201], %swap3A_204 {add = true, strides = array<i32>} : memref<4x8x1024xf32, #tpu.memory_space<vmem>>, vector<1x1x16xf32>,
      %swap3A_205 = arith.constant 1 : i32
      %swap3A_206 = arith.constant 6 : i32
      %swap3A_207 = arith.index_cast %swap3A_205 : i32 to index
      %swap3A_208 = arith.index_cast %swap3A_206 : i32 to index
      %swap3A_209 = arith.index_cast %add3A_191 : i32 to index
      %swap3A_210 = tpu.vector_load %arg6[%swap3A_207, %swap3A_208, %swap3A_209] {strides = array<i32>} : memref<4x8x1024xf32, #tpu.memory_space<vmem>>, vector<1x1x16xf32>,
      %swap3A_211 = vector.shape_cast %swap3A_210 : vector<1x1x16xf32> to vector<16xf32>
      %swap3A_212 = vector.shape_cast %get3A_196 : vector<16xf32> to vector<1x1x16xf32>
      tpu.vector_store %arg6[%swap3A_207, %swap3A_208, %swap3A_209], %swap3A_212 {add = true, strides = array<i32>} : memref<4x8x1024xf32, #tpu.memory_space<vmem>>, vector<1x1x16xf32>,
      %swap3A_213 = arith.constant 2 : i32
      %swap3A_214 = arith.constant 6 : i32
      %swap3A_215 = arith.index_cast %swap3A_213 : i32 to index
      %swap3A_216 = arith.index_cast %swap3A_214 : i32 to index
      %swap3A_217 = arith.index_cast %add3A_191 : i32 to index
      %swap3A_218 = tpu.vector_load %arg6[%swap3A_215, %swap3A_216, %swap3A_217] {strides = array<i32>} : memref<4x8x1024xf32, #tpu.memory_space<vmem>>, vector<1x1x16xf32>,
      %swap3A_219 = vector.shape_cast %swap3A_218 : vector<1x1x16xf32> to vector<16xf32>
      %swap3A_220 = vector.shape_cast %get3A_196 : vector<16xf32> to vector<1x1x16xf32>
      tpu.vector_store %arg6[%swap3A_215, %swap3A_216, %swap3A_217], %swap3A_220 {add = true, strides = array<i32>} : memref<4x8x1024xf32, #tpu.memory_space<vmem>>, vector<1x1x16xf32>,
      %swap3A_221 = arith.constant 3 : i32
      %swap3A_222 = arith.constant 6 : i32
      %swap3A_223 = arith.index_cast %swap3A_221 : i32 to index
      %swap3A_224 = arith.index_cast %swap3A_222 : i32 to index
      %swap3A_225 = arith.index_cast %add3A_191 : i32 to index
      %swap3A_226 = tpu.vector_load %arg6[%swap3A_223, %swap3A_224, %swap3A_225] {strides = array<i32>} : memref<4x8x1024xf32, #tpu.memory_space<vmem>>, vector<1x1x16xf32>,
      %swap3A_227 = vector.shape_cast %swap3A_226 : vector<1x1x16xf32> to vector<16xf32>
      %swap3A_228 = vector.shape_cast %get3A_196 : vector<16xf32> to vector<1x1x16xf32>
      tpu.vector_store %arg6[%swap3A_223, %swap3A_224, %swap3A_225], %swap3A_228 {add = true, strides = array<i32>} : memref<4x8x1024xf32, #tpu.memory_space<vmem>>, vector<1x1x16xf32>,
      %add3A_229 = arith.constant 64 : i32
      %add3A_230 = arith.addi %mul3A_74, %add3A_229 : i32
      %get3A_231 = arith.constant 6 : i32
      %get3A_232 = arith.index_cast %get3A_231 : i32 to index
      %get3A_233 = arith.index_cast %add3A_230 : i32 to index
      %get3A_234 = tpu.vector_load %arg5[%get3A_232, %get3A_233] {strides = array<i32>} : memref<8x1024xf32, #tpu.memory_space<vmem>>, vector<1x16xf32>,
      %get3A_235 = vector.shape_cast %get3A_234 : vector<1x16xf32> to vector<16xf32>
      %swap3A_236 = arith.constant 0 : i32
      %swap3A_237 = arith.constant 6 : i32
      %swap3A_238 = arith.index_cast %swap3A_236 : i32 to index
      %swap3A_239 = arith.index_cast %swap3A_237 : i32 to index
      %swap3A_240 = arith.index_cast %add3A_230 : i32 to index
      %swap3A_241 = tpu.vector_load %arg6[%swap3A_238, %swap3A_239, %swap3A_240] {strides = array<i32>} : memref<4x8x1024xf32, #tpu.memory_space<vmem>>, vector<1x1x16xf32>,
      %swap3A_242 = vector.shape_cast %swap3A_241 : vector<1x1x16xf32> to vector<16xf32>
      %swap3A_243 = vector.shape_cast %get3A_235 : vector<16xf32> to vector<1x1x16xf32>
      tpu.vector_store %arg6[%swap3A_238, %swap3A_239, %swap3A_240], %swap3A_243 {add = true, strides = array<i32>} : memref<4x8x1024xf32, #tpu.memory_space<vmem>>, vector<1x1x16xf32>,
      %swap3A_244 = arith.constant 1 : i32
      %swap3A_245 = arith.constant 6 : i32
      %swap3A_246 = arith.index_cast %swap3A_244 : i32 to index
      %swap3A_247 = arith.index_cast %swap3A_245 : i32 to index
      %swap3A_248 = arith.index_cast %add3A_230 : i32 to index
      %swap3A_249 = tpu.vector_load %arg6[%swap3A_246, %swap3A_247, %swap3A_248] {strides = array<i32>} : memref<4x8x1024xf32, #tpu.memory_space<vmem>>, vector<1x1x16xf32>,
      %swap3A_250 = vector.shape_cast %swap3A_249 : vector<1x1x16xf32> to vector<16xf32>
      %swap3A_251 = vector.shape_cast %get3A_235 : vector<16xf32> to vector<1x1x16xf32>
      tpu.vector_store %arg6[%swap3A_246, %swap3A_247, %swap3A_248], %swap3A_251 {add = true, strides = array<i32>} : memref<4x8x1024xf32, #tpu.memory_space<vmem>>, vector<1x1x16xf32>,
      %swap3A_252 = arith.constant 2 : i32
      %swap3A_253 = arith.constant 6 : i32
      %swap3A_254 = arith.index_cast %swap3A_252 : i32 to index
      %swap3A_255 = arith.index_cast %swap3A_253 : i32 to index
      %swap3A_256 = arith.index_cast %add3A_230 : i32 to index
      %swap3A_257 = tpu.vector_load %arg6[%swap3A_254, %swap3A_255, %swap3A_256] {strides = array<i32>} : memref<4x8x1024xf32, #tpu.memory_space<vmem>>, vector<1x1x16xf32>,
      %swap3A_258 = vector.shape_cast %swap3A_257 : vector<1x1x16xf32> to vector<16xf32>
      %swap3A_259 = vector.shape_cast %get3A_235 : vector<16xf32> to vector<1x1x16xf32>
      tpu.vector_store %arg6[%swap3A_254, %swap3A_255, %swap3A_256], %swap3A_259 {add = true, strides = array<i32>} : memref<4x8x1024xf32, #tpu.memory_space<vmem>>, vector<1x1x16xf32>,
      %swap3A_260 = arith.constant 3 : i32
      %swap3A_261 = arith.constant 6 : i32
      %swap3A_262 = arith.index_cast %swap3A_260 : i32 to index
      %swap3A_263 = arith.index_cast %swap3A_261 : i32 to index
      %swap3A_264 = arith.index_cast %add3A_230 : i32 to index
      %swap3A_265 = tpu.vector_load %arg6[%swap3A_262, %swap3A_263, %swap3A_264] {strides = array<i32>} : memref<4x8x1024xf32, #tpu.memory_space<vmem>>, vector<1x1x16xf32>,
      %swap3A_266 = vector.shape_cast %swap3A_265 : vector<1x1x16xf32> to vector<16xf32>
      %swap3A_267 = vector.shape_cast %get3A_235 : vector<16xf32> to vector<1x1x16xf32>
      tpu.vector_store %arg6[%swap3A_262, %swap3A_263, %swap3A_264], %swap3A_267 {add = true, strides = array<i32>} : memref<4x8x1024xf32, #tpu.memory_space<vmem>>, vector<1x1x16xf32>,
      %add3A_268 = arith.constant 80 : i32
      %add3A_269 = arith.addi %mul3A_74, %add3A_268 : i32
      %get3A_270 = arith.constant 6 : i32
      %get3A_271 = arith.index_cast %get3A_270 : i32 to index
      %get3A_272 = arith.index_cast %add3A_269 : i32 to index
      %get3A_273 = tpu.vector_load %arg5[%get3A_271, %get3A_272] {strides = array<i32>} : memref<8x1024xf32, #tpu.memory_space<vmem>>, vector<1x16xf32>,
      %get3A_274 = vector.shape_cast %get3A_273 : vector<1x16xf32> to vector<16xf32>
      %swap3A_275 = arith.constant 0 : i32
      %swap3A_276 = arith.constant 6 : i32
      %swap3A_277 = arith.index_cast %swap3A_275 : i32 to index
      %swap3A_278 = arith.index_cast %swap3A_276 : i32 to index
      %swap3A_279 = arith.index_cast %add3A_269 : i32 to index
      %swap3A_280 = tpu.vector_load %arg6[%swap3A_277, %swap3A_278, %swap3A_279] {strides = array<i32>} : memref<4x8x1024xf32, #tpu.memory_space<vmem>>, vector<1x1x16xf32>,
      %swap3A_281 = vector.shape_cast %swap3A_280 : vector<1x1x16xf32> to vector<16xf32>
      %swap3A_282 = vector.shape_cast %get3A_274 : vector<16xf32> to vector<1x1x16xf32>
      tpu.vector_store %arg6[%swap3A_277, %swap3A_278, %swap3A_279], %swap3A_282 {add = true, strides = array<i32>} : memref<4x8x1024xf32, #tpu.memory_space<vmem>>, vector<1x1x16xf32>,
      %swap3A_283 = arith.constant 1 : i32
      %swap3A_284 = arith.constant 6 : i32
      %swap3A_285 = arith.index_cast %swap3A_283 : i32 to index
      %swap3A_286 = arith.index_cast %swap3A_284 : i32 to index
      %swap3A_287 = arith.index_cast %add3A_269 : i32 to index
      %swap3A_288 = tpu.vector_load %arg6[%swap3A_285, %swap3A_286, %swap3A_287] {strides = array<i32>} : memref<4x8x1024xf32, #tpu.memory_space<vmem>>, vector<1x1x16xf32>,
      %swap3A_289 = vector.shape_cast %swap3A_288 : vector<1x1x16xf32> to vector<16xf32>
      %swap3A_290 = vector.shape_cast %get3A_274 : vector<16xf32> to vector<1x1x16xf32>
      tpu.vector_store %arg6[%swap3A_285, %swap3A_286, %swap3A_287], %swap3A_290 {add = true, strides = array<i32>} : memref<4x8x1024xf32, #tpu.memory_space<vmem>>, vector<1x1x16xf32>,
      %swap3A_291 = arith.constant 2 : i32
      %swap3A_292 = arith.constant 6 : i32
      %swap3A_293 = arith.index_cast %swap3A_291 : i32 to index
      %swap3A_294 = arith.index_cast %swap3A_292 : i32 to index
      %swap3A_295 = arith.index_cast %add3A_269 : i32 to index
      %swap3A_296 = tpu.vector_load %arg6[%swap3A_293, %swap3A_294, %swap3A_295] {strides = array<i32>} : memref<4x8x1024xf32, #tpu.memory_space<vmem>>, vector<1x1x16xf32>,
      %swap3A_297 = vector.shape_cast %swap3A_296 : vector<1x1x16xf32> to vector<16xf32>
      %swap3A_298 = vector.shape_cast %get3A_274 : vector<16xf32> to vector<1x1x16xf32>
      tpu.vector_store %arg6[%swap3A_293, %swap3A_294, %swap3A_295], %swap3A_298 {add = true, strides = array<i32>} : memref<4x8x1024xf32, #tpu.memory_space<vmem>>, vector<1x1x16xf32>,
      %swap3A_299 = arith.constant 3 : i32
      %swap3A_300 = arith.constant 6 : i32
      %swap3A_301 = arith.index_cast %swap3A_299 : i32 to index
      %swap3A_302 = arith.index_cast %swap3A_300 : i32 to index
      %swap3A_303 = arith.index_cast %add3A_269 : i32 to index
      %swap3A_304 = tpu.vector_load %arg6[%swap3A_301, %swap3A_302, %swap3A_303] {strides = array<i32>} : memref<4x8x1024xf32, #tpu.memory_space<vmem>>, vector<1x1x16xf32>,
      %swap3A_305 = vector.shape_cast %swap3A_304 : vector<1x1x16xf32> to vector<16xf32>
      %swap3A_306 = vector.shape_cast %get3A_274 : vector<16xf32> to vector<1x1x16xf32>
      tpu.vector_store %arg6[%swap3A_301, %swap3A_302, %swap3A_303], %swap3A_306 {add = true, strides = array<i32>} : memref<4x8x1024xf32, #tpu.memory_space<vmem>>, vector<1x1x16xf32>,
      %add3A_307 = arith.constant 96 : i32
      %add3A_308 = arith.addi %mul3A_74, %add3A_307 : i32
      %get3A_309 = arith.constant 6 : i32
      %get3A_310 = arith.index_cast %get3A_309 : i32 to index
      %get3A_311 = arith.index_cast %add3A_308 : i32 to index
      %get3A_312 = tpu.vector_load %arg5[%get3A_310, %get3A_311] {strides = array<i32>} : memref<8x1024xf32, #tpu.memory_space<vmem>>, vector<1x16xf32>,
      %get3A_313 = vector.shape_cast %get3A_312 : vector<1x16xf32> to vector<16xf32>
      %swap3A_314 = arith.constant 0 : i32
      %swap3A_315 = arith.constant 6 : i32
      %swap3A_316 = arith.index_cast %swap3A_314 : i32 to index
      %swap3A_317 = arith.index_cast %swap3A_315 : i32 to index
      %swap3A_318 = arith.index_cast %add3A_308 : i32 to index
      %swap3A_319 = tpu.vector_load %arg6[%swap3A_316, %swap3A_317, %swap3A_318] {strides = array<i32>} : memref<4x8x1024xf32, #tpu.memory_space<vmem>>, vector<1x1x16xf32>,
      %swap3A_320 = vector.shape_cast %swap3A_319 : vector<1x1x16xf32> to vector<16xf32>
      %swap3A_321 = vector.shape_cast %get3A_313 : vector<16xf32> to vector<1x1x16xf32>
      tpu.vector_store %arg6[%swap3A_316, %swap3A_317, %swap3A_318], %swap3A_321 {add = true, strides = array<i32>} : memref<4x8x1024xf32, #tpu.memory_space<vmem>>, vector<1x1x16xf32>,
      %swap3A_322 = arith.constant 1 : i32
      %swap3A_323 = arith.constant 6 : i32
      %swap3A_324 = arith.index_cast %swap3A_322 : i32 to index
      %swap3A_325 = arith.index_cast %swap3A_323 : i32 to index
      %swap3A_326 = arith.index_cast %add3A_308 : i32 to index
      %swap3A_327 = tpu.vector_load %arg6[%swap3A_324, %swap3A_325, %swap3A_326] {strides = array<i32>} : memref<4x8x1024xf32, #tpu.memory_space<vmem>>, vector<1x1x16xf32>,
      %swap3A_328 = vector.shape_cast %swap3A_327 : vector<1x1x16xf32> to vector<16xf32>
      %swap3A_329 = vector.shape_cast %get3A_313 : vector<16xf32> to vector<1x1x16xf32>
      tpu.vector_store %arg6[%swap3A_324, %swap3A_325, %swap3A_326], %swap3A_329 {add = true, strides = array<i32>} : memref<4x8x1024xf32, #tpu.memory_space<vmem>>, vector<1x1x16xf32>,
      %swap3A_330 = arith.constant 2 : i32
      %swap3A_331 = arith.constant 6 : i32
      %swap3A_332 = arith.index_cast %swap3A_330 : i32 to index
      %swap3A_333 = arith.index_cast %swap3A_331 : i32 to index
      %swap3A_334 = arith.index_cast %add3A_308 : i32 to index
      %swap3A_335 = tpu.vector_load %arg6[%swap3A_332, %swap3A_333, %swap3A_334] {strides = array<i32>} : memref<4x8x1024xf32, #tpu.memory_space<vmem>>, vector<1x1x16xf32>,
      %swap3A_336 = vector.shape_cast %swap3A_335 : vector<1x1x16xf32> to vector<16xf32>
      %swap3A_337 = vector.shape_cast %get3A_313 : vector<16xf32> to vector<1x1x16xf32>
      tpu.vector_store %arg6[%swap3A_332, %swap3A_333, %swap3A_334], %swap3A_337 {add = true, strides = array<i32>} : memref<4x8x1024xf32, #tpu.memory_space<vmem>>, vector<1x1x16xf32>,
      %swap3A_338 = arith.constant 3 : i32
      %swap3A_339 = arith.constant 6 : i32
      %swap3A_340 = arith.index_cast %swap3A_338 : i32 to index
      %swap3A_341 = arith.index_cast %swap3A_339 : i32 to index
      %swap3A_342 = arith.index_cast %add3A_308 : i32 to index
      %swap3A_343 = tpu.vector_load %arg6[%swap3A_340, %swap3A_341, %swap3A_342] {strides = array<i32>} : memref<4x8x1024xf32, #tpu.memory_space<vmem>>, vector<1x1x16xf32>,
      %swap3A_344 = vector.shape_cast %swap3A_343 : vector<1x1x16xf32> to vector<16xf32>
      %swap3A_345 = vector.shape_cast %get3A_313 : vector<16xf32> to vector<1x1x16xf32>
      tpu.vector_store %arg6[%swap3A_340, %swap3A_341, %swap3A_342], %swap3A_345 {add = true, strides = array<i32>} : memref<4x8x1024xf32, #tpu.memory_space<vmem>>, vector<1x1x16xf32>,
      %add3A_346 = arith.constant 112 : i32
      %add3A_347 = arith.addi %mul3A_74, %add3A_346 : i32
      %get3A_348 = arith.constant 6 : i32
      %get3A_349 = arith.index_cast %get3A_348 : i32 to index
      %get3A_350 = arith.index_cast %add3A_347 : i32 to index
      %get3A_351 = tpu.vector_load %arg5[%get3A_349, %get3A_350] {strides = array<i32>} : memref<8x1024xf32, #tpu.memory_space<vmem>>, vector<1x16xf32>,
      %get3A_352 = vector.shape_cast %get3A_351 : vector<1x16xf32> to vector<16xf32>
      %swap3A_353 = arith.constant 0 : i32
      %swap3A_354 = arith.constant 6 : i32
      %swap3A_355 = arith.index_cast %swap3A_353 : i32 to index
      %swap3A_356 = arith.index_cast %swap3A_354 : i32 to index
      %swap3A_357 = arith.index_cast %add3A_347 : i32 to index
      %swap3A_358 = tpu.vector_load %arg6[%swap3A_355, %swap3A_356, %swap3A_357] {strides = array<i32>} : memref<4x8x1024xf32, #tpu.memory_space<vmem>>, vector<1x1x16xf32>,
      %swap3A_359 = vector.shape_cast %swap3A_358 : vector<1x1x16xf32> to vector<16xf32>
      %swap3A_360 = vector.shape_cast %get3A_352 : vector<16xf32> to vector<1x1x16xf32>
      tpu.vector_store %arg6[%swap3A_355, %swap3A_356, %swap3A_357], %swap3A_360 {add = true, strides = array<i32>} : memref<4x8x1024xf32, #tpu.memory_space<vmem>>, vector<1x1x16xf32>,
      %swap3A_361 = arith.constant 1 : i32
      %swap3A_362 = arith.constant 6 : i32
      %swap3A_363 = arith.index_cast %swap3A_361 : i32 to index
      %swap3A_364 = arith.index_cast %swap3A_362 : i32 to index
      %swap3A_365 = arith.index_cast %add3A_347 : i32 to index
      %swap3A_366 = tpu.vector_load %arg6[%swap3A_363, %swap3A_364, %swap3A_365] {strides = array<i32>} : memref<4x8x1024xf32, #tpu.memory_space<vmem>>, vector<1x1x16xf32>,
      %swap3A_367 = vector.shape_cast %swap3A_366 : vector<1x1x16xf32> to vector<16xf32>
      %swap3A_368 = vector.shape_cast %get3A_352 : vector<16xf32> to vector<1x1x16xf32>
      tpu.vector_store %arg6[%swap3A_363, %swap3A_364, %swap3A_365], %swap3A_368 {add = true, strides = array<i32>} : memref<4x8x1024xf32, #tpu.memory_space<vmem>>, vector<1x1x16xf32>,
      %swap3A_369 = arith.constant 2 : i32
      %swap3A_370 = arith.constant 6 : i32
      %swap3A_371 = arith.index_cast %swap3A_369 : i32 to index
      %swap3A_372 = arith.index_cast %swap3A_370 : i32 to index
      %swap3A_373 = arith.index_cast %add3A_347 : i32 to index
      %swap3A_374 = tpu.vector_load %arg6[%swap3A_371, %swap3A_372, %swap3A_373] {strides = array<i32>} : memref<4x8x1024xf32, #tpu.memory_space<vmem>>, vector<1x1x16xf32>,
      %swap3A_375 = vector.shape_cast %swap3A_374 : vector<1x1x16xf32> to vector<16xf32>
      %swap3A_376 = vector.shape_cast %get3A_352 : vector<16xf32> to vector<1x1x16xf32>
      tpu.vector_store %arg6[%swap3A_371, %swap3A_372, %swap3A_373], %swap3A_376 {add = true, strides = array<i32>} : memref<4x8x1024xf32, #tpu.memory_space<vmem>>, vector<1x1x16xf32>,
      %swap3A_377 = arith.constant 3 : i32
      %swap3A_378 = arith.constant 6 : i32
      %swap3A_379 = arith.index_cast %swap3A_377 : i32 to index
      %swap3A_380 = arith.index_cast %swap3A_378 : i32 to index
      %swap3A_381 = arith.index_cast %add3A_347 : i32 to index
      %swap3A_382 = tpu.vector_load %arg6[%swap3A_379, %swap3A_380, %swap3A_381] {strides = array<i32>} : memref<4x8x1024xf32, #tpu.memory_space<vmem>>, vector<1x1x16xf32>,
      %swap3A_383 = vector.shape_cast %swap3A_382 : vector<1x1x16xf32> to vector<16xf32>
      %swap3A_384 = vector.shape_cast %get3A_352 : vector<16xf32> to vector<1x1x16xf32>
      tpu.vector_store %arg6[%swap3A_379, %swap3A_380, %swap3A_381], %swap3A_384 {add = true, strides = array<i32>} : memref<4x8x1024xf32, #tpu.memory_space<vmem>>, vector<1x1x16xf32>,
    }
    %scan3A_63 = arith.constant 8 : i32
    %scan3A_64 = arith.constant 0 : i32
    %scan3A_65 = arith.constant 0 : i32
    %scan3A_66 = arith.constant 8 : i32
    %scan3A_67 = arith.addi %scan3A_65, %scan3A_66 : i32
    %scan3A_68 = arith.constant 1 : i32
    scf.for %scan3A_72 = %scan3A_65 to %scan3A_67 step %scan3A_68  : i32 {
      %mul3A_73 = arith.constant 128 : i32
      %mul3A_74 = arith.muli %scan3A_72, %mul3A_73 : i32
      %add3A_75 = arith.constant 0 : i32
      %add3A_76 = arith.addi %mul3A_74, %add3A_75 : i32
      %get3A = arith.constant 7 : i32
      %get3A_77 = arith.index_cast %get3A : i32 to index
      %get3A_78 = arith.index_cast %add3A_76 : i32 to index
      %get3A_79 = tpu.vector_load %arg5[%get3A_77, %get3A_78] {strides = array<i32>} : memref<8x1024xf32, #tpu.memory_space<vmem>>, vector<1x16xf32>,
      %get3A_80 = vector.shape_cast %get3A_79 : vector<1x16xf32> to vector<16xf32>
      %swap3A = arith.constant 0 : i32
      %swap3A_81 = arith.constant 7 : i32
      %swap3A_82 = arith.index_cast %swap3A : i32 to index
      %swap3A_83 = arith.index_cast %swap3A_81 : i32 to index
      %swap3A_84 = arith.index_cast %add3A_76 : i32 to index
      %swap3A_85 = tpu.vector_load %arg6[%swap3A_82, %swap3A_83, %swap3A_84] {strides = array<i32>} : memref<4x8x1024xf32, #tpu.memory_space<vmem>>, vector<1x1x16xf32>,
      %swap3A_86 = vector.shape_cast %swap3A_85 : vector<1x1x16xf32> to vector<16xf32>
      %swap3A_87 = vector.shape_cast %get3A_80 : vector<16xf32> to vector<1x1x16xf32>
      tpu.vector_store %arg6[%swap3A_82, %swap3A_83, %swap3A_84], %swap3A_87 {add = true, strides = array<i32>} : memref<4x8x1024xf32, #tpu.memory_space<vmem>>, vector<1x1x16xf32>,
      %swap3A_88 = arith.constant 1 : i32
      %swap3A_89 = arith.constant 7 : i32
      %swap3A_90 = arith.index_cast %swap3A_88 : i32 to index
      %swap3A_91 = arith.index_cast %swap3A_89 : i32 to index
      %swap3A_92 = arith.index_cast %add3A_76 : i32 to index
      %swap3A_93 = tpu.vector_load %arg6[%swap3A_90, %swap3A_91, %swap3A_92] {strides = array<i32>} : memref<4x8x1024xf32, #tpu.memory_space<vmem>>, vector<1x1x16xf32>,
      %swap3A_94 = vector.shape_cast %swap3A_93 : vector<1x1x16xf32> to vector<16xf32>
      %swap3A_95 = vector.shape_cast %get3A_80 : vector<16xf32> to vector<1x1x16xf32>
      tpu.vector_store %arg6[%swap3A_90, %swap3A_91, %swap3A_92], %swap3A_95 {add = true, strides = array<i32>} : memref<4x8x1024xf32, #tpu.memory_space<vmem>>, vector<1x1x16xf32>,
      %swap3A_96 = arith.constant 2 : i32
      %swap3A_97 = arith.constant 7 : i32
      %swap3A_98 = arith.index_cast %swap3A_96 : i32 to index
      %swap3A_99 = arith.index_cast %swap3A_97 : i32 to index
      %swap3A_100 = arith.index_cast %add3A_76 : i32 to index
      %swap3A_101 = tpu.vector_load %arg6[%swap3A_98, %swap3A_99, %swap3A_100] {strides = array<i32>} : memref<4x8x1024xf32, #tpu.memory_space<vmem>>, vector<1x1x16xf32>,
      %swap3A_102 = vector.shape_cast %swap3A_101 : vector<1x1x16xf32> to vector<16xf32>
      %swap3A_103 = vector.shape_cast %get3A_80 : vector<16xf32> to vector<1x1x16xf32>
      tpu.vector_store %arg6[%swap3A_98, %swap3A_99, %swap3A_100], %swap3A_103 {add = true, strides = array<i32>} : memref<4x8x1024xf32, #tpu.memory_space<vmem>>, vector<1x1x16xf32>,
      %swap3A_104 = arith.constant 3 : i32
      %swap3A_105 = arith.constant 7 : i32
      %swap3A_106 = arith.index_cast %swap3A_104 : i32 to index
      %swap3A_107 = arith.index_cast %swap3A_105 : i32 to index
      %swap3A_108 = arith.index_cast %add3A_76 : i32 to index
      %swap3A_109 = tpu.vector_load %arg6[%swap3A_106, %swap3A_107, %swap3A_108] {strides = array<i32>} : memref<4x8x1024xf32, #tpu.memory_space<vmem>>, vector<1x1x16xf32>,
      %swap3A_110 = vector.shape_cast %swap3A_109 : vector<1x1x16xf32> to vector<16xf32>
      %swap3A_111 = vector.shape_cast %get3A_80 : vector<16xf32> to vector<1x1x16xf32>
      tpu.vector_store %arg6[%swap3A_106, %swap3A_107, %swap3A_108], %swap3A_111 {add = true, strides = array<i32>} : memref<4x8x1024xf32, #tpu.memory_space<vmem>>, vector<1x1x16xf32>,
      %add3A_112 = arith.constant 16 : i32
      %add3A_113 = arith.addi %mul3A_74, %add3A_112 : i32
      %get3A_114 = arith.constant 7 : i32
      %get3A_115 = arith.index_cast %get3A_114 : i32 to index
      %get3A_116 = arith.index_cast %add3A_113 : i32 to index
      %get3A_117 = tpu.vector_load %arg5[%get3A_115, %get3A_116] {strides = array<i32>} : memref<8x1024xf32, #tpu.memory_space<vmem>>, vector<1x16xf32>,
      %get3A_118 = vector.shape_cast %get3A_117 : vector<1x16xf32> to vector<16xf32>
      %swap3A_119 = arith.constant 0 : i32
      %swap3A_120 = arith.constant 7 : i32
      %swap3A_121 = arith.index_cast %swap3A_119 : i32 to index
      %swap3A_122 = arith.index_cast %swap3A_120 : i32 to index
      %swap3A_123 = arith.index_cast %add3A_113 : i32 to index
      %swap3A_124 = tpu.vector_load %arg6[%swap3A_121, %swap3A_122, %swap3A_123] {strides = array<i32>} : memref<4x8x1024xf32, #tpu.memory_space<vmem>>, vector<1x1x16xf32>,
      %swap3A_125 = vector.shape_cast %swap3A_124 : vector<1x1x16xf32> to vector<16xf32>
      %swap3A_126 = vector.shape_cast %get3A_118 : vector<16xf32> to vector<1x1x16xf32>
      tpu.vector_store %arg6[%swap3A_121, %swap3A_122, %swap3A_123], %swap3A_126 {add = true, strides = array<i32>} : memref<4x8x1024xf32, #tpu.memory_space<vmem>>, vector<1x1x16xf32>,
      %swap3A_127 = arith.constant 1 : i32
      %swap3A_128 = arith.constant 7 : i32
      %swap3A_129 = arith.index_cast %swap3A_127 : i32 to index
      %swap3A_130 = arith.index_cast %swap3A_128 : i32 to index
      %swap3A_131 = arith.index_cast %add3A_113 : i32 to index
      %swap3A_132 = tpu.vector_load %arg6[%swap3A_129, %swap3A_130, %swap3A_131] {strides = array<i32>} : memref<4x8x1024xf32, #tpu.memory_space<vmem>>, vector<1x1x16xf32>,
      %swap3A_133 = vector.shape_cast %swap3A_132 : vector<1x1x16xf32> to vector<16xf32>
      %swap3A_134 = vector.shape_cast %get3A_118 : vector<16xf32> to vector<1x1x16xf32>
      tpu.vector_store %arg6[%swap3A_129, %swap3A_130, %swap3A_131], %swap3A_134 {add = true, strides = array<i32>} : memref<4x8x1024xf32, #tpu.memory_space<vmem>>, vector<1x1x16xf32>,
      %swap3A_135 = arith.constant 2 : i32
      %swap3A_136 = arith.constant 7 : i32
      %swap3A_137 = arith.index_cast %swap3A_135 : i32 to index
      %swap3A_138 = arith.index_cast %swap3A_136 : i32 to index
      %swap3A_139 = arith.index_cast %add3A_113 : i32 to index
      %swap3A_140 = tpu.vector_load %arg6[%swap3A_137, %swap3A_138, %swap3A_139] {strides = array<i32>} : memref<4x8x1024xf32, #tpu.memory_space<vmem>>, vector<1x1x16xf32>,
      %swap3A_141 = vector.shape_cast %swap3A_140 : vector<1x1x16xf32> to vector<16xf32>
      %swap3A_142 = vector.shape_cast %get3A_118 : vector<16xf32> to vector<1x1x16xf32>
      tpu.vector_store %arg6[%swap3A_137, %swap3A_138, %swap3A_139], %swap3A_142 {add = true, strides = array<i32>} : memref<4x8x1024xf32, #tpu.memory_space<vmem>>, vector<1x1x16xf32>,
      %swap3A_143 = arith.constant 3 : i32
      %swap3A_144 = arith.constant 7 : i32
      %swap3A_145 = arith.index_cast %swap3A_143 : i32 to index
      %swap3A_146 = arith.index_cast %swap3A_144 : i32 to index
      %swap3A_147 = arith.index_cast %add3A_113 : i32 to index
      %swap3A_148 = tpu.vector_load %arg6[%swap3A_145, %swap3A_146, %swap3A_147] {strides = array<i32>} : memref<4x8x1024xf32, #tpu.memory_space<vmem>>, vector<1x1x16xf32>,
      %swap3A_149 = vector.shape_cast %swap3A_148 : vector<1x1x16xf32> to vector<16xf32>
      %swap3A_150 = vector.shape_cast %get3A_118 : vector<16xf32> to vector<1x1x16xf32>
      tpu.vector_store %arg6[%swap3A_145, %swap3A_146, %swap3A_147], %swap3A_150 {add = true, strides = array<i32>} : memref<4x8x1024xf32, #tpu.memory_space<vmem>>, vector<1x1x16xf32>,
      %add3A_151 = arith.constant 32 : i32
      %add3A_152 = arith.addi %mul3A_74, %add3A_151 : i32
      %get3A_153 = arith.constant 7 : i32
      %get3A_154 = arith.index_cast %get3A_153 : i32 to index
      %get3A_155 = arith.index_cast %add3A_152 : i32 to index
      %get3A_156 = tpu.vector_load %arg5[%get3A_154, %get3A_155] {strides = array<i32>} : memref<8x1024xf32, #tpu.memory_space<vmem>>, vector<1x16xf32>,
      %get3A_157 = vector.shape_cast %get3A_156 : vector<1x16xf32> to vector<16xf32>
      %swap3A_158 = arith.constant 0 : i32
      %swap3A_159 = arith.constant 7 : i32
      %swap3A_160 = arith.index_cast %swap3A_158 : i32 to index
      %swap3A_161 = arith.index_cast %swap3A_159 : i32 to index
      %swap3A_162 = arith.index_cast %add3A_152 : i32 to index
      %swap3A_163 = tpu.vector_load %arg6[%swap3A_160, %swap3A_161, %swap3A_162] {strides = array<i32>} : memref<4x8x1024xf32, #tpu.memory_space<vmem>>, vector<1x1x16xf32>,
      %swap3A_164 = vector.shape_cast %swap3A_163 : vector<1x1x16xf32> to vector<16xf32>
      %swap3A_165 = vector.shape_cast %get3A_157 : vector<16xf32> to vector<1x1x16xf32>
      tpu.vector_store %arg6[%swap3A_160, %swap3A_161, %swap3A_162], %swap3A_165 {add = true, strides = array<i32>} : memref<4x8x1024xf32, #tpu.memory_space<vmem>>, vector<1x1x16xf32>,
      %swap3A_166 = arith.constant 1 : i32
      %swap3A_167 = arith.constant 7 : i32
      %swap3A_168 = arith.index_cast %swap3A_166 : i32 to index
      %swap3A_169 = arith.index_cast %swap3A_167 : i32 to index
      %swap3A_170 = arith.index_cast %add3A_152 : i32 to index
      %swap3A_171 = tpu.vector_load %arg6[%swap3A_168, %swap3A_169, %swap3A_170] {strides = array<i32>} : memref<4x8x1024xf32, #tpu.memory_space<vmem>>, vector<1x1x16xf32>,
      %swap3A_172 = vector.shape_cast %swap3A_171 : vector<1x1x16xf32> to vector<16xf32>
      %swap3A_173 = vector.shape_cast %get3A_157 : vector<16xf32> to vector<1x1x16xf32>
      tpu.vector_store %arg6[%swap3A_168, %swap3A_169, %swap3A_170], %swap3A_173 {add = true, strides = array<i32>} : memref<4x8x1024xf32, #tpu.memory_space<vmem>>, vector<1x1x16xf32>,
      %swap3A_174 = arith.constant 2 : i32
      %swap3A_175 = arith.constant 7 : i32
      %swap3A_176 = arith.index_cast %swap3A_174 : i32 to index
      %swap3A_177 = arith.index_cast %swap3A_175 : i32 to index
      %swap3A_178 = arith.index_cast %add3A_152 : i32 to index
      %swap3A_179 = tpu.vector_load %arg6[%swap3A_176, %swap3A_177, %swap3A_178] {strides = array<i32>} : memref<4x8x1024xf32, #tpu.memory_space<vmem>>, vector<1x1x16xf32>,
      %swap3A_180 = vector.shape_cast %swap3A_179 : vector<1x1x16xf32> to vector<16xf32>
      %swap3A_181 = vector.shape_cast %get3A_157 : vector<16xf32> to vector<1x1x16xf32>
      tpu.vector_store %arg6[%swap3A_176, %swap3A_177, %swap3A_178], %swap3A_181 {add = true, strides = array<i32>} : memref<4x8x1024xf32, #tpu.memory_space<vmem>>, vector<1x1x16xf32>,
      %swap3A_182 = arith.constant 3 : i32
      %swap3A_183 = arith.constant 7 : i32
      %swap3A_184 = arith.index_cast %swap3A_182 : i32 to index
      %swap3A_185 = arith.index_cast %swap3A_183 : i32 to index
      %swap3A_186 = arith.index_cast %add3A_152 : i32 to index
      %swap3A_187 = tpu.vector_load %arg6[%swap3A_184, %swap3A_185, %swap3A_186] {strides = array<i32>} : memref<4x8x1024xf32, #tpu.memory_space<vmem>>, vector<1x1x16xf32>,
      %swap3A_188 = vector.shape_cast %swap3A_187 : vector<1x1x16xf32> to vector<16xf32>
      %swap3A_189 = vector.shape_cast %get3A_157 : vector<16xf32> to vector<1x1x16xf32>
      tpu.vector_store %arg6[%swap3A_184, %swap3A_185, %swap3A_186], %swap3A_189 {add = true, strides = array<i32>} : memref<4x8x1024xf32, #tpu.memory_space<vmem>>, vector<1x1x16xf32>,
      %add3A_190 = arith.constant 48 : i32
      %add3A_191 = arith.addi %mul3A_74, %add3A_190 : i32
      %get3A_192 = arith.constant 7 : i32
      %get3A_193 = arith.index_cast %get3A_192 : i32 to index
      %get3A_194 = arith.index_cast %add3A_191 : i32 to index
      %get3A_195 = tpu.vector_load %arg5[%get3A_193, %get3A_194] {strides = array<i32>} : memref<8x1024xf32, #tpu.memory_space<vmem>>, vector<1x16xf32>,
      %get3A_196 = vector.shape_cast %get3A_195 : vector<1x16xf32> to vector<16xf32>
      %swap3A_197 = arith.constant 0 : i32
      %swap3A_198 = arith.constant 7 : i32
      %swap3A_199 = arith.index_cast %swap3A_197 : i32 to index
      %swap3A_200 = arith.index_cast %swap3A_198 : i32 to index
      %swap3A_201 = arith.index_cast %add3A_191 : i32 to index
      %swap3A_202 = tpu.vector_load %arg6[%swap3A_199, %swap3A_200, %swap3A_201] {strides = array<i32>} : memref<4x8x1024xf32, #tpu.memory_space<vmem>>, vector<1x1x16xf32>,
      %swap3A_203 = vector.shape_cast %swap3A_202 : vector<1x1x16xf32> to vector<16xf32>
      %swap3A_204 = vector.shape_cast %get3A_196 : vector<16xf32> to vector<1x1x16xf32>
      tpu.vector_store %arg6[%swap3A_199, %swap3A_200, %swap3A_201], %swap3A_204 {add = true, strides = array<i32>} : memref<4x8x1024xf32, #tpu.memory_space<vmem>>, vector<1x1x16xf32>,
      %swap3A_205 = arith.constant 1 : i32
      %swap3A_206 = arith.constant 7 : i32
      %swap3A_207 = arith.index_cast %swap3A_205 : i32 to index
      %swap3A_208 = arith.index_cast %swap3A_206 : i32 to index
      %swap3A_209 = arith.index_cast %add3A_191 : i32 to index
      %swap3A_210 = tpu.vector_load %arg6[%swap3A_207, %swap3A_208, %swap3A_209] {strides = array<i32>} : memref<4x8x1024xf32, #tpu.memory_space<vmem>>, vector<1x1x16xf32>,
      %swap3A_211 = vector.shape_cast %swap3A_210 : vector<1x1x16xf32> to vector<16xf32>
      %swap3A_212 = vector.shape_cast %get3A_196 : vector<16xf32> to vector<1x1x16xf32>
      tpu.vector_store %arg6[%swap3A_207, %swap3A_208, %swap3A_209], %swap3A_212 {add = true, strides = array<i32>} : memref<4x8x1024xf32, #tpu.memory_space<vmem>>, vector<1x1x16xf32>,
      %swap3A_213 = arith.constant 2 : i32
      %swap3A_214 = arith.constant 7 : i32
      %swap3A_215 = arith.index_cast %swap3A_213 : i32 to index
      %swap3A_216 = arith.index_cast %swap3A_214 : i32 to index
      %swap3A_217 = arith.index_cast %add3A_191 : i32 to index
      %swap3A_218 = tpu.vector_load %arg6[%swap3A_215, %swap3A_216, %swap3A_217] {strides = array<i32>} : memref<4x8x1024xf32, #tpu.memory_space<vmem>>, vector<1x1x16xf32>,
      %swap3A_219 = vector.shape_cast %swap3A_218 : vector<1x1x16xf32> to vector<16xf32>
      %swap3A_220 = vector.shape_cast %get3A_196 : vector<16xf32> to vector<1x1x16xf32>
      tpu.vector_store %arg6[%swap3A_215, %swap3A_216, %swap3A_217], %swap3A_220 {add = true, strides = array<i32>} : memref<4x8x1024xf32, #tpu.memory_space<vmem>>, vector<1x1x16xf32>,
      %swap3A_221 = arith.constant 3 : i32
      %swap3A_222 = arith.constant 7 : i32
      %swap3A_223 = arith.index_cast %swap3A_221 : i32 to index
      %swap3A_224 = arith.index_cast %swap3A_222 : i32 to index
      %swap3A_225 = arith.index_cast %add3A_191 : i32 to index
      %swap3A_226 = tpu.vector_load %arg6[%swap3A_223, %swap3A_224, %swap3A_225] {strides = array<i32>} : memref<4x8x1024xf32, #tpu.memory_space<vmem>>, vector<1x1x16xf32>,
      %swap3A_227 = vector.shape_cast %swap3A_226 : vector<1x1x16xf32> to vector<16xf32>
      %swap3A_228 = vector.shape_cast %get3A_196 : vector<16xf32> to vector<1x1x16xf32>
      tpu.vector_store %arg6[%swap3A_223, %swap3A_224, %swap3A_225], %swap3A_228 {add = true, strides = array<i32>} : memref<4x8x1024xf32, #tpu.memory_space<vmem>>, vector<1x1x16xf32>,
      %add3A_229 = arith.constant 64 : i32
      %add3A_230 = arith.addi %mul3A_74, %add3A_229 : i32
      %get3A_231 = arith.constant 7 : i32
      %get3A_232 = arith.index_cast %get3A_231 : i32 to index
      %get3A_233 = arith.index_cast %add3A_230 : i32 to index
      %get3A_234 = tpu.vector_load %arg5[%get3A_232, %get3A_233] {strides = array<i32>} : memref<8x1024xf32, #tpu.memory_space<vmem>>, vector<1x16xf32>,
      %get3A_235 = vector.shape_cast %get3A_234 : vector<1x16xf32> to vector<16xf32>
      %swap3A_236 = arith.constant 0 : i32
      %swap3A_237 = arith.constant 7 : i32
      %swap3A_238 = arith.index_cast %swap3A_236 : i32 to index
      %swap3A_239 = arith.index_cast %swap3A_237 : i32 to index
      %swap3A_240 = arith.index_cast %add3A_230 : i32 to index
      %swap3A_241 = tpu.vector_load %arg6[%swap3A_238, %swap3A_239, %swap3A_240] {strides = array<i32>} : memref<4x8x1024xf32, #tpu.memory_space<vmem>>, vector<1x1x16xf32>,
      %swap3A_242 = vector.shape_cast %swap3A_241 : vector<1x1x16xf32> to vector<16xf32>
      %swap3A_243 = vector.shape_cast %get3A_235 : vector<16xf32> to vector<1x1x16xf32>
      tpu.vector_store %arg6[%swap3A_238, %swap3A_239, %swap3A_240], %swap3A_243 {add = true, strides = array<i32>} : memref<4x8x1024xf32, #tpu.memory_space<vmem>>, vector<1x1x16xf32>,
      %swap3A_244 = arith.constant 1 : i32
      %swap3A_245 = arith.constant 7 : i32
      %swap3A_246 = arith.index_cast %swap3A_244 : i32 to index
      %swap3A_247 = arith.index_cast %swap3A_245 : i32 to index
      %swap3A_248 = arith.index_cast %add3A_230 : i32 to index
      %swap3A_249 = tpu.vector_load %arg6[%swap3A_246, %swap3A_247, %swap3A_248] {strides = array<i32>} : memref<4x8x1024xf32, #tpu.memory_space<vmem>>, vector<1x1x16xf32>,
      %swap3A_250 = vector.shape_cast %swap3A_249 : vector<1x1x16xf32> to vector<16xf32>
      %swap3A_251 = vector.shape_cast %get3A_235 : vector<16xf32> to vector<1x1x16xf32>
      tpu.vector_store %arg6[%swap3A_246, %swap3A_247, %swap3A_248], %swap3A_251 {add = true, strides = array<i32>} : memref<4x8x1024xf32, #tpu.memory_space<vmem>>, vector<1x1x16xf32>,
      %swap3A_252 = arith.constant 2 : i32
      %swap3A_253 = arith.constant 7 : i32
      %swap3A_254 = arith.index_cast %swap3A_252 : i32 to index
      %swap3A_255 = arith.index_cast %swap3A_253 : i32 to index
      %swap3A_256 = arith.index_cast %add3A_230 : i32 to index
      %swap3A_257 = tpu.vector_load %arg6[%swap3A_254, %swap3A_255, %swap3A_256] {strides = array<i32>} : memref<4x8x1024xf32, #tpu.memory_space<vmem>>, vector<1x1x16xf32>,
      %swap3A_258 = vector.shape_cast %swap3A_257 : vector<1x1x16xf32> to vector<16xf32>
      %swap3A_259 = vector.shape_cast %get3A_235 : vector<16xf32> to vector<1x1x16xf32>
      tpu.vector_store %arg6[%swap3A_254, %swap3A_255, %swap3A_256], %swap3A_259 {add = true, strides = array<i32>} : memref<4x8x1024xf32, #tpu.memory_space<vmem>>, vector<1x1x16xf32>,
      %swap3A_260 = arith.constant 3 : i32
      %swap3A_261 = arith.constant 7 : i32
      %swap3A_262 = arith.index_cast %swap3A_260 : i32 to index
      %swap3A_263 = arith.index_cast %swap3A_261 : i32 to index
      %swap3A_264 = arith.index_cast %add3A_230 : i32 to index
      %swap3A_265 = tpu.vector_load %arg6[%swap3A_262, %swap3A_263, %swap3A_264] {strides = array<i32>} : memref<4x8x1024xf32, #tpu.memory_space<vmem>>, vector<1x1x16xf32>,
      %swap3A_266 = vector.shape_cast %swap3A_265 : vector<1x1x16xf32> to vector<16xf32>
      %swap3A_267 = vector.shape_cast %get3A_235 : vector<16xf32> to vector<1x1x16xf32>
      tpu.vector_store %arg6[%swap3A_262, %swap3A_263, %swap3A_264], %swap3A_267 {add = true, strides = array<i32>} : memref<4x8x1024xf32, #tpu.memory_space<vmem>>, vector<1x1x16xf32>,
      %add3A_268 = arith.constant 80 : i32
      %add3A_269 = arith.addi %mul3A_74, %add3A_268 : i32
      %get3A_270 = arith.constant 7 : i32
      %get3A_271 = arith.index_cast %get3A_270 : i32 to index
      %get3A_272 = arith.index_cast %add3A_269 : i32 to index
      %get3A_273 = tpu.vector_load %arg5[%get3A_271, %get3A_272] {strides = array<i32>} : memref<8x1024xf32, #tpu.memory_space<vmem>>, vector<1x16xf32>,
      %get3A_274 = vector.shape_cast %get3A_273 : vector<1x16xf32> to vector<16xf32>
      %swap3A_275 = arith.constant 0 : i32
      %swap3A_276 = arith.constant 7 : i32
      %swap3A_277 = arith.index_cast %swap3A_275 : i32 to index
      %swap3A_278 = arith.index_cast %swap3A_276 : i32 to index
      %swap3A_279 = arith.index_cast %add3A_269 : i32 to index
      %swap3A_280 = tpu.vector_load %arg6[%swap3A_277, %swap3A_278, %swap3A_279] {strides = array<i32>} : memref<4x8x1024xf32, #tpu.memory_space<vmem>>, vector<1x1x16xf32>,
      %swap3A_281 = vector.shape_cast %swap3A_280 : vector<1x1x16xf32> to vector<16xf32>
      %swap3A_282 = vector.shape_cast %get3A_274 : vector<16xf32> to vector<1x1x16xf32>
      tpu.vector_store %arg6[%swap3A_277, %swap3A_278, %swap3A_279], %swap3A_282 {add = true, strides = array<i32>} : memref<4x8x1024xf32, #tpu.memory_space<vmem>>, vector<1x1x16xf32>,
      %swap3A_283 = arith.constant 1 : i32
      %swap3A_284 = arith.constant 7 : i32
      %swap3A_285 = arith.index_cast %swap3A_283 : i32 to index
      %swap3A_286 = arith.index_cast %swap3A_284 : i32 to index
      %swap3A_287 = arith.index_cast %add3A_269 : i32 to index
      %swap3A_288 = tpu.vector_load %arg6[%swap3A_285, %swap3A_286, %swap3A_287] {strides = array<i32>} : memref<4x8x1024xf32, #tpu.memory_space<vmem>>, vector<1x1x16xf32>,
      %swap3A_289 = vector.shape_cast %swap3A_288 : vector<1x1x16xf32> to vector<16xf32>
      %swap3A_290 = vector.shape_cast %get3A_274 : vector<16xf32> to vector<1x1x16xf32>
      tpu.vector_store %arg6[%swap3A_285, %swap3A_286, %swap3A_287], %swap3A_290 {add = true, strides = array<i32>} : memref<4x8x1024xf32, #tpu.memory_space<vmem>>, vector<1x1x16xf32>,
      %swap3A_291 = arith.constant 2 : i32
      %swap3A_292 = arith.constant 7 : i32
      %swap3A_293 = arith.index_cast %swap3A_291 : i32 to index
      %swap3A_294 = arith.index_cast %swap3A_292 : i32 to index
      %swap3A_295 = arith.index_cast %add3A_269 : i32 to index
      %swap3A_296 = tpu.vector_load %arg6[%swap3A_293, %swap3A_294, %swap3A_295] {strides = array<i32>} : memref<4x8x1024xf32, #tpu.memory_space<vmem>>, vector<1x1x16xf32>,
      %swap3A_297 = vector.shape_cast %swap3A_296 : vector<1x1x16xf32> to vector<16xf32>
      %swap3A_298 = vector.shape_cast %get3A_274 : vector<16xf32> to vector<1x1x16xf32>
      tpu.vector_store %arg6[%swap3A_293, %swap3A_294, %swap3A_295], %swap3A_298 {add = true, strides = array<i32>} : memref<4x8x1024xf32, #tpu.memory_space<vmem>>, vector<1x1x16xf32>,
      %swap3A_299 = arith.constant 3 : i32
      %swap3A_300 = arith.constant 7 : i32
      %swap3A_301 = arith.index_cast %swap3A_299 : i32 to index
      %swap3A_302 = arith.index_cast %swap3A_300 : i32 to index
      %swap3A_303 = arith.index_cast %add3A_269 : i32 to index
      %swap3A_304 = tpu.vector_load %arg6[%swap3A_301, %swap3A_302, %swap3A_303] {strides = array<i32>} : memref<4x8x1024xf32, #tpu.memory_space<vmem>>, vector<1x1x16xf32>,
      %swap3A_305 = vector.shape_cast %swap3A_304 : vector<1x1x16xf32> to vector<16xf32>
      %swap3A_306 = vector.shape_cast %get3A_274 : vector<16xf32> to vector<1x1x16xf32>
      tpu.vector_store %arg6[%swap3A_301, %swap3A_302, %swap3A_303], %swap3A_306 {add = true, strides = array<i32>} : memref<4x8x1024xf32, #tpu.memory_space<vmem>>, vector<1x1x16xf32>,
      %add3A_307 = arith.constant 96 : i32
      %add3A_308 = arith.addi %mul3A_74, %add3A_307 : i32
      %get3A_309 = arith.constant 7 : i32
      %get3A_310 = arith.index_cast %get3A_309 : i32 to index
      %get3A_311 = arith.index_cast %add3A_308 : i32 to index
      %get3A_312 = tpu.vector_load %arg5[%get3A_310, %get3A_311] {strides = array<i32>} : memref<8x1024xf32, #tpu.memory_space<vmem>>, vector<1x16xf32>,
      %get3A_313 = vector.shape_cast %get3A_312 : vector<1x16xf32> to vector<16xf32>
      %swap3A_314 = arith.constant 0 : i32
      %swap3A_315 = arith.constant 7 : i32
      %swap3A_316 = arith.index_cast %swap3A_314 : i32 to index
      %swap3A_317 = arith.index_cast %swap3A_315 : i32 to index
      %swap3A_318 = arith.index_cast %add3A_308 : i32 to index
      %swap3A_319 = tpu.vector_load %arg6[%swap3A_316, %swap3A_317, %swap3A_318] {strides = array<i32>} : memref<4x8x1024xf32, #tpu.memory_space<vmem>>, vector<1x1x16xf32>,
      %swap3A_320 = vector.shape_cast %swap3A_319 : vector<1x1x16xf32> to vector<16xf32>
      %swap3A_321 = vector.shape_cast %get3A_313 : vector<16xf32> to vector<1x1x16xf32>
      tpu.vector_store %arg6[%swap3A_316, %swap3A_317, %swap3A_318], %swap3A_321 {add = true, strides = array<i32>} : memref<4x8x1024xf32, #tpu.memory_space<vmem>>, vector<1x1x16xf32>,
      %swap3A_322 = arith.constant 1 : i32
      %swap3A_323 = arith.constant 7 : i32
      %swap3A_324 = arith.index_cast %swap3A_322 : i32 to index
      %swap3A_325 = arith.index_cast %swap3A_323 : i32 to index
      %swap3A_326 = arith.index_cast %add3A_308 : i32 to index
      %swap3A_327 = tpu.vector_load %arg6[%swap3A_324, %swap3A_325, %swap3A_326] {strides = array<i32>} : memref<4x8x1024xf32, #tpu.memory_space<vmem>>, vector<1x1x16xf32>,
      %swap3A_328 = vector.shape_cast %swap3A_327 : vector<1x1x16xf32> to vector<16xf32>
      %swap3A_329 = vector.shape_cast %get3A_313 : vector<16xf32> to vector<1x1x16xf32>
      tpu.vector_store %arg6[%swap3A_324, %swap3A_325, %swap3A_326], %swap3A_329 {add = true, strides = array<i32>} : memref<4x8x1024xf32, #tpu.memory_space<vmem>>, vector<1x1x16xf32>,
      %swap3A_330 = arith.constant 2 : i32
      %swap3A_331 = arith.constant 7 : i32
      %swap3A_332 = arith.index_cast %swap3A_330 : i32 to index
      %swap3A_333 = arith.index_cast %swap3A_331 : i32 to index
      %swap3A_334 = arith.index_cast %add3A_308 : i32 to index
      %swap3A_335 = tpu.vector_load %arg6[%swap3A_332, %swap3A_333, %swap3A_334] {strides = array<i32>} : memref<4x8x1024xf32, #tpu.memory_space<vmem>>, vector<1x1x16xf32>,
      %swap3A_336 = vector.shape_cast %swap3A_335 : vector<1x1x16xf32> to vector<16xf32>
      %swap3A_337 = vector.shape_cast %get3A_313 : vector<16xf32> to vector<1x1x16xf32>
      tpu.vector_store %arg6[%swap3A_332, %swap3A_333, %swap3A_334], %swap3A_337 {add = true, strides = array<i32>} : memref<4x8x1024xf32, #tpu.memory_space<vmem>>, vector<1x1x16xf32>,
      %swap3A_338 = arith.constant 3 : i32
      %swap3A_339 = arith.constant 7 : i32
      %swap3A_340 = arith.index_cast %swap3A_338 : i32 to index
      %swap3A_341 = arith.index_cast %swap3A_339 : i32 to index
      %swap3A_342 = arith.index_cast %add3A_308 : i32 to index
      %swap3A_343 = tpu.vector_load %arg6[%swap3A_340, %swap3A_341, %swap3A_342] {strides = array<i32>} : memref<4x8x1024xf32, #tpu.memory_space<vmem>>, vector<1x1x16xf32>,
      %swap3A_344 = vector.shape_cast %swap3A_343 : vector<1x1x16xf32> to vector<16xf32>
      %swap3A_345 = vector.shape_cast %get3A_313 : vector<16xf32> to vector<1x1x16xf32>
      tpu.vector_store %arg6[%swap3A_340, %swap3A_341, %swap3A_342], %swap3A_345 {add = true, strides = array<i32>} : memref<4x8x1024xf32, #tpu.memory_space<vmem>>, vector<1x1x16xf32>,
      %add3A_346 = arith.constant 112 : i32
      %add3A_347 = arith.addi %mul3A_74, %add3A_346 : i32
      %get3A_348 = arith.constant 7 : i32
      %get3A_349 = arith.index_cast %get3A_348 : i32 to index
      %get3A_350 = arith.index_cast %add3A_347 : i32 to index
      %get3A_351 = tpu.vector_load %arg5[%get3A_349, %get3A_350] {strides = array<i32>} : memref<8x1024xf32, #tpu.memory_space<vmem>>, vector<1x16xf32>,
      %get3A_352 = vector.shape_cast %get3A_351 : vector<1x16xf32> to vector<16xf32>
      %swap3A_353 = arith.constant 0 : i32
      %swap3A_354 = arith.constant 7 : i32
      %swap3A_355 = arith.index_cast %swap3A_353 : i32 to index
      %swap3A_356 = arith.index_cast %swap3A_354 : i32 to index
      %swap3A_357 = arith.index_cast %add3A_347 : i32 to index
      %swap3A_358 = tpu.vector_load %arg6[%swap3A_355, %swap3A_356, %swap3A_357] {strides = array<i32>} : memref<4x8x1024xf32, #tpu.memory_space<vmem>>, vector<1x1x16xf32>,
      %swap3A_359 = vector.shape_cast %swap3A_358 : vector<1x1x16xf32> to vector<16xf32>
      %swap3A_360 = vector.shape_cast %get3A_352 : vector<16xf32> to vector<1x1x16xf32>
      tpu.vector_store %arg6[%swap3A_355, %swap3A_356, %swap3A_357], %swap3A_360 {add = true, strides = array<i32>} : memref<4x8x1024xf32, #tpu.memory_space<vmem>>, vector<1x1x16xf32>,
      %swap3A_361 = arith.constant 1 : i32
      %swap3A_362 = arith.constant 7 : i32
      %swap3A_363 = arith.index_cast %swap3A_361 : i32 to index
      %swap3A_364 = arith.index_cast %swap3A_362 : i32 to index
      %swap3A_365 = arith.index_cast %add3A_347 : i32 to index
      %swap3A_366 = tpu.vector_load %arg6[%swap3A_363, %swap3A_364, %swap3A_365] {strides = array<i32>} : memref<4x8x1024xf32, #tpu.memory_space<vmem>>, vector<1x1x16xf32>,
      %swap3A_367 = vector.shape_cast %swap3A_366 : vector<1x1x16xf32> to vector<16xf32>
      %swap3A_368 = vector.shape_cast %get3A_352 : vector<16xf32> to vector<1x1x16xf32>
      tpu.vector_store %arg6[%swap3A_363, %swap3A_364, %swap3A_365], %swap3A_368 {add = true, strides = array<i32>} : memref<4x8x1024xf32, #tpu.memory_space<vmem>>, vector<1x1x16xf32>,
      %swap3A_369 = arith.constant 2 : i32
      %swap3A_370 = arith.constant 7 : i32
      %swap3A_371 = arith.index_cast %swap3A_369 : i32 to index
      %swap3A_372 = arith.index_cast %swap3A_370 : i32 to index
      %swap3A_373 = arith.index_cast %add3A_347 : i32 to index
      %swap3A_374 = tpu.vector_load %arg6[%swap3A_371, %swap3A_372, %swap3A_373] {strides = array<i32>} : memref<4x8x1024xf32, #tpu.memory_space<vmem>>, vector<1x1x16xf32>,
      %swap3A_375 = vector.shape_cast %swap3A_374 : vector<1x1x16xf32> to vector<16xf32>
      %swap3A_376 = vector.shape_cast %get3A_352 : vector<16xf32> to vector<1x1x16xf32>
      tpu.vector_store %arg6[%swap3A_371, %swap3A_372, %swap3A_373], %swap3A_376 {add = true, strides = array<i32>} : memref<4x8x1024xf32, #tpu.memory_space<vmem>>, vector<1x1x16xf32>,
      %swap3A_377 = arith.constant 3 : i32
      %swap3A_378 = arith.constant 7 : i32
      %swap3A_379 = arith.index_cast %swap3A_377 : i32 to index
      %swap3A_380 = arith.index_cast %swap3A_378 : i32 to index
      %swap3A_381 = arith.index_cast %add3A_347 : i32 to index
      %swap3A_382 = tpu.vector_load %arg6[%swap3A_379, %swap3A_380, %swap3A_381] {strides = array<i32>} : memref<4x8x1024xf32, #tpu.memory_space<vmem>>, vector<1x1x16xf32>,
      %swap3A_383 = vector.shape_cast %swap3A_382 : vector<1x1x16xf32> to vector<16xf32>
      %swap3A_384 = vector.shape_cast %get3A_352 : vector<16xf32> to vector<1x1x16xf32>
      tpu.vector_store %arg6[%swap3A_379, %swap3A_380, %swap3A_381], %swap3A_384 {add = true, strides = array<i32>} : memref<4x8x1024xf32, #tpu.memory_space<vmem>>, vector<1x1x16xf32>,
    }
    %scan3A_69 = arith.constant 8 : i32
    %mul3A_70 = arith.constant 8 : i32
    %mul3A_71 = arith.muli %add3A, %mul3A_70 : i32
    "tpu.region"() ({
      %run_scoped3A = tpu.sem_alloc : memref<!tpu.dma_semaphore, #tpu.memory_space<semaphore_mem>>
      %dma_start3A_72 = arith.constant 0 : i32
      %dma_start3A_73 = arith.constant 0 : i32
      %dma_start3A_74 = tpu.memref_slice %arg4[%dma_start3A_72, %mul3A_71, %dma_start3A_73] : memref<4x256x1024xf32, #tpu.memory_space<hbm>> -> memref<4x8x1024xf32, #tpu.memory_space<hbm>>
      %dma_start3A_75 = arith.constant 0 : i32
      %dma_start3A_76 = arith.constant 0 : i32
      %dma_start3A_77 = tpu.memref_slice %arg4[%dma_start3A_75, %mul3A_71, %dma_start3A_76] : memref<4x256x1024xf32, #tpu.memory_space<hbm>> -> memref<4x8x1024xf32, #tpu.memory_space<hbm>>
      tpu.enqueue_dma source(%arg6 : memref<4x8x1024xf32, #tpu.memory_space<vmem>>) target(%dma_start3A_77 : memref<4x8x1024xf32, #tpu.memory_space<hbm>>) target_semaphore(%run_scoped3A : memref<!tpu.dma_semaphore, #tpu.memory_space<semaphore_mem>>)
      %dma_wait3A_78 = arith.constant 0 : i32
      %dma_wait3A_79 = arith.constant 0 : i32
      %dma_wait3A_80 = tpu.memref_slice %arg4[%dma_wait3A_78, %mul3A_71, %dma_wait3A_79] : memref<4x256x1024xf32, #tpu.memory_space<hbm>> -> memref<4x8x1024xf32, #tpu.memory_space<hbm>>
      %dma_wait3A_81 = arith.constant 0 : i32
      %dma_wait3A_82 = arith.constant 0 : i32
      %dma_wait3A_83 = tpu.memref_slice %arg4[%dma_wait3A_81, %mul3A_71, %dma_wait3A_82] : memref<4x256x1024xf32, #tpu.memory_space<hbm>> -> memref<4x8x1024xf32, #tpu.memory_space<hbm>>
      tpu.wait_dma2 semaphore(%run_scoped3A : memref<!tpu.dma_semaphore, #tpu.memory_space<semaphore_mem>>) src(%arg6 : memref<4x8x1024xf32, #tpu.memory_space<vmem>>) dst(%dma_wait3A_83 : memref<4x8x1024xf32, #tpu.memory_space<hbm>>)
      tpu.yield
    }) : () -> ()
    return
  }
}

module attributes {stable_mosaic.version = 14 : i64} {
  func.func @_tc_body(%arg0: i32, %arg1: i32, %arg2: memref<1x1792x1024xf32, #tpu.memory_space<vmem>>, %arg3: memref<1792x1024xf32, #tpu.memory_space<vmem>>, %arg4: memref<1x1792x1024xf32, #tpu.memory_space<vmem>>) attributes {dimension_semantics = [#tpu.dimension_semantics<arbitrary>, #tpu.dimension_semantics<arbitrary>], iteration_bounds = array<i64: 1, 4>, scalar_prefetch = 0 : i64, scratch_operands = 0 : i64, tpu.core_type = #tpu.core_type<tc>, window_params = [{transform_indices = @transform_0, window_bounds = array<i64: 1, 1792, 1024>}, {transform_indices = @transform_1, window_bounds = array<i64: 1792, 1024>}, {transform_indices = @transform_2, window_bounds = array<i64: 1, 1792, 1024>}]} {
    %get3A = arith.constant 0 : index
    %get3A_0 = arith.constant 0 : index
    %get3A_1 = arith.constant 0 : index
    %get3A_2 = vector.load %arg2[%get3A, %get3A_0, %get3A_1] : memref<1x1792x1024xf32, #tpu.memory_space<vmem>>, vector<1x1792x1024xf32>
    %get3A_3 = arith.constant 0 : index
    %get3A_4 = arith.constant 0 : index
    %get3A_5 = vector.load %arg3[%get3A_3, %get3A_4] : memref<1792x1024xf32, #tpu.memory_space<vmem>>, vector<1792x1024xf32>
    %broadcast_in_dim3A = vector.shape_cast %get3A_5 : vector<1792x1024xf32> to vector<1x1792x1024xf32>
    %add3A = arith.addf %get3A_2, %broadcast_in_dim3A : vector<1x1792x1024xf32>
    %swap3A = arith.constant 0 : index
    %swap3A_6 = arith.constant 0 : index
    %swap3A_7 = arith.constant 0 : index
    %swap3A_8 = vector.load %arg4[%swap3A, %swap3A_6, %swap3A_7] : memref<1x1792x1024xf32, #tpu.memory_space<vmem>>, vector<1x1792x1024xf32>
    tpu.vector_store %arg4[%swap3A, %swap3A_6, %swap3A_7], %add3A {strides = array<i32>} : memref<1x1792x1024xf32, #tpu.memory_space<vmem>>, vector<1x1792x1024xf32>,
    return
  }
  func.func @transform_0(%arg0: i32, %arg1: i32) -> (i32, i32, i32) {
    %c0_i32 = arith.constant 0 : i32
    %c0_i32_0 = arith.constant 0 : i32
    return %arg1, %arg0, %c0_i32 : i32, i32, i32
  }
  func.func @transform_1(%arg0: i32, %arg1: i32) -> (i32, i32) {
    %c0_i32 = arith.constant 0 : i32
    %c0_i32_0 = arith.constant 0 : i32
    return %arg0, %c0_i32 : i32, i32
  }
  func.func @transform_2(%arg0: i32, %arg1: i32) -> (i32, i32, i32) {
    %c0_i32 = arith.constant 0 : i32
    %c0_i32_0 = arith.constant 0 : i32
    return %arg1, %arg0, %c0_i32 : i32, i32, i32
  }
}

</mosaic_0001>

<sc_bundles>
// kernel: kernel.4.cloned.1.call-start
scs
__scs_entry_jumppad:
0x0: {  	(pc) =	sbr.rel $0x88, $3  }
0x1: {  	(tag) =	ssettag $0x0;
	lr =	simm.s32 $0x1  }
0x2: {  	[smem:$0x3F9F] =	sst lr;
	_ =	strace $0xD0000000  }
0x3: {  	_ = 	snop  }
0x4: {  	_ = 	snop  }
0x5: {  	_ = 	snop  }
0x6: {  	_ = 	snop  }
0x7: {  	_ = 	snop  }
__scs_overlays_trampoline_lowered:
0x8: {  	[smem:$0x3FAE] =	sst s0  }
0x9: {  	[smem:$0x3FAF] =	sst s1  }
0xa: {  	[smem:$0x3FB0] =	sst s2  }
0xb: {  	[smem:$0x3FB1] =	sst s3  }
0xc: {  	[smem:$0x3FB2] =	sst s4  }
0xd: {  	[smem:$0x3FB3] =	sst s5  }
0xe: {  	[smem:$0x3FB4] =	sst s6  }
0xf: {  	[smem:$0x3FB5] =	sst s7  }
0x10: {  	[smem:$0x3FB6] =	sst s8  }
0x11: {  	[smem:$0x3FB7] =	sst s9;
	s0 =	simm.s32 @!p0 $0x0  }
0x12: {  	s1 =	sld [smem:$0x3F9D];
	s0 =	simm.s32 @p0 $0x1  }
0x13: {  	[smem:$0x3FB8] =	sst s0;
	s0 =	simm.s32 @!p1 $0x0  }
0x14: {  	s2 =	sld [smem:$0x3F9C];
	s0 =	simm.s32 @p1 $0x1  }
0x15: {  	[smem:$0x3FB9] =	sst s0;
	s0 =	simm.s32 @!p2 $0x0  }
0x16: {  	s3 =	sld [smem:$0x3FDB];
	s0 =	simm.s32 @p2 $0x1  }
0x17: {  	s4 =	simm.s32 $0x1BF5;
	[smem:$0x3FBB] =	sst s0  }
0x18: {  	s0 =	sld [smem:$0x3F9E];
	_ =	swait.ge [sflag:s4], $0x0  }
0x19: {  	s7 =	sld [smem:$0x3F9F]  }
0x1a: {  	s8 =	sadd.s32 $0xFFFFE003, lr  }
0x1b: {  	s9 =	sadd.s32 $0xFFFFFEF7, lr;
	s5 =	simm.s32 $0xFFFFFFFF;
	p2 =	slt.u32 s8, $0xFFFFF086  }
0x1c: {  	p1 =	slt.u32 s9, $0xF7A;
	s5 =	simm.s32 @!p2 $0x0  }
0x1d: {  	s5 =	simm.s32 @p1 $0x1;
	p0 =	seq.s32 s7, s2  }
0x1e: {  	s7 =	smul.u32 @!p0 $0xF7A, s2;
	p2 =	seq.s32 @!p0 s5, $0x0  }
0x1f: {  	s9 =	smul.u32 $0xF7A, s1;
	s8 =	simm.s32 @!p0 $0x1BF5;
	p2 =	por !p2, p0  }
0x20: {  	[sflag:s8] =	ssyncset.s32 @!p0 $0xFFFFF086;
	s6 =	sadd.s32 @!p0 s3, s7;
	s7 =	simm.s32 @!p0 $0x108  }
0x21: {  	s3 =	sadd.s32 s3, s9;
	s6 =	sadd.s32 @!p0 $0x88, s6;
	s7 =	simm.s32 @p2 $0x1082  }
0x22: {  	[simem:s7], [sflag:s8] =	dma.local @!p0 [hbm:s6], $0xF7A  }
0x23: {  	s9 =	sor.u32 $0xD0000000, s2;
	s6 =	simm.s32 $0x108;
	_ =	swait.ge @!p0 [sflag:s8], $0x0  }
0x24: {  	s3 =	sadd.s32 $0x88, s3;
	s6 =	simm.s32 @!p1 $0x1082;
	[sflag:s4] =	ssyncset.s32 $0xFFFFF086  }
0x25: {  	[simem:s6], [sflag:s4] =	dma.local [hbm:s3], $0xF7A  }
0x26: {  	[smem:$0x3F9F] =	sst s1;
	(tag) =	ssettag s2;
	_ =	strace s9  }
0x27: {  	s1 =	sld [smem:$0x3FAF]  }
0x28: {  	s2 =	sld [smem:$0x3FB0]  }
0x29: {  	s4 =	sld [smem:$0x3FB2]  }
0x2a: {  	p0 =	seq.s32 s5, $0x0;
	s5 =	sld [smem:$0x3FB3]  }
0x2b: {  	s6 =	sld [smem:$0x3FB4]  }
0x2c: {  	s7 =	sld [smem:$0x3FB5]  }
0x2d: {  	s3 =	simm.s32 $0x108;
	s8 =	sld [smem:$0x3FB6]  }
0x2e: {  	s3 =	simm.s32 @!p0 $0x1082;
	s9 =	sld [smem:$0x3FB7]  }
0x2f: {  	lr =	sadd.s32 s0, s3;
	s0 =	sld [smem:$0x3FAE]  }
0x30: {  	s3 =	sld [smem:$0x3FB1]  }
0x31: {  	[smem:$0x3FBA] =	sst s10  }
0x32: {  	s10 =	sld [smem:$0x3FB8];
	_ =	sdelay $0x3  }
0x33: {  	p0 =	seq.s32 s10, $0x1;
	s10 =	sld [smem:$0x3FBA];
	_ =	sdelay $0x3  }
0x34: {  	[smem:$0x3FBA] =	sst s10  }
0x35: {  	s10 =	sld [smem:$0x3FB9];
	_ =	sdelay $0x3  }
0x36: {  	p1 =	seq.s32 s10, $0x1;
	s10 =	sld [smem:$0x3FBA];
	_ =	sdelay $0x3  }
0x37: {  	[smem:$0x3FBA] =	sst s10  }
0x38: {  	s10 =	sld [smem:$0x3FBB]  }
0x39: {  	_ = 	snop;
	(pc) =	sbr.ind lr, $3  }
0x3a: {  	_ = 	snop  }
0x3b: {  	_ = 	snop  }
0x3c: {  	p2 =	seq.s32 s10, $0x1;
	s10 =	sld [smem:$0x3FBA]  }
0x3d: {  	_ =	shalt  }
0x3e: {  	_ =	shalt  }
0x3f: {  	_ =	shalt  }
0x40: {  	_ =	shalt  }
0x41: {  	_ =	shalt  }
0x42: {  	_ =	shalt  }
0x43: {  	_ =	shalt  }
0x44: {  	_ =	shalt  }
0x45: {  	_ =	shalt  }
0x46: {  	_ =	shalt  }
0x47: {  	_ =	shalt  }
0x48: {  	_ =	shalt  }
0x49: {  	_ =	shalt  }
0x4a: {  	_ =	shalt  }
0x4b: {  	_ =	shalt  }
0x4c: {  	_ =	shalt  }
0x4d: {  	_ =	shalt  }
0x4e: {  	_ =	shalt  }
0x4f: {  	_ =	shalt  }
0x50: {  	_ =	shalt  }
0x51: {  	_ =	shalt  }
0x52: {  	_ =	shalt  }
0x53: {  	_ =	shalt  }
0x54: {  	_ =	shalt  }
0x55: {  	_ =	shalt  }
0x56: {  	_ =	shalt  }
0x57: {  	_ =	shalt  }
0x58: {  	_ =	shalt  }
0x59: {  	_ =	shalt  }
0x5a: {  	_ =	shalt  }
0x5b: {  	_ =	shalt  }
0x5c: {  	_ =	shalt  }
0x5d: {  	_ =	shalt  }
0x5e: {  	_ =	shalt  }
0x5f: {  	_ =	shalt  }
0x60: {  	_ =	shalt  }
0x61: {  	_ =	shalt  }
0x62: {  	_ =	shalt  }
0x63: {  	_ =	shalt  }
0x64: {  	_ =	shalt  }
0x65: {  	_ =	shalt  }
0x66: {  	_ =	shalt  }
0x67: {  	_ =	shalt  }
0x68: {  	_ =	shalt  }
0x69: {  	_ =	shalt  }
0x6a: {  	_ =	shalt  }
0x6b: {  	_ =	shalt  }
0x6c: {  	_ =	shalt  }
0x6d: {  	_ =	shalt  }
0x6e: {  	_ =	shalt  }
0x6f: {  	_ =	shalt  }
0x70: {  	_ =	shalt  }
0x71: {  	_ =	shalt  }
0x72: {  	_ =	shalt  }
0x73: {  	_ =	shalt  }
0x74: {  	_ =	shalt  }
0x75: {  	_ =	shalt  }
0x76: {  	_ =	shalt  }
0x77: {  	_ =	shalt  }
0x78: {  	_ =	shalt  }
0x79: {  	_ =	shalt  }
0x7a: {  	_ =	shalt  }
0x7b: {  	_ =	shalt  }
0x7c: {  	_ =	shalt  }
0x7d: {  	_ =	shalt  }
0x7e: {  	_ =	shalt  }
0x7f: {  	_ =	shalt  }
0x80: {  	_ =	shalt  }
0x81: {  	_ =	shalt  }
0x82: {  	_ =	shalt  }
0x83: {  	_ =	shalt  }
0x84: {  	_ =	shalt  }
0x85: {  	_ =	shalt  }
0x86: {  	_ =	shalt  }
0x87: {  	_ =	shalt  }
.Lfunc_end0:
.L_simem_size_0:
called_computation_lowered:
.L_overlay_start_0:
0x88: {  	s2 =	sld [smem:$0x3FD9]  }
0x89: {  	s3 =	sld [smem:$0x3FFE];
	_ =	sdelay $0x1  }
0x8a: {  	s1 =	srdreg.scid  }
0x8b: {  	s0 =	sand.u32 $0x1, s1  }
0x8c: {  	s17 =	sshll.u32 s0, $0xA;
	s2 =	sadd.s32 s3, s2  }
0x8d: {  	s2 =	sadd.s32 s2, s17  }
0x8e: {  	[smem:$0x3FC6] =	sst s2  }
0x8f: {  	_ = 	snop  }
0x90: {  	s2 =	sld [smem:$0x3FC9]  }
0x91: {  	s18 =	sld [smem:$0x3FC8];
	(tm) =	ssettm $0x1  }
0x92: {  	s4 =	sld [smem:$0x3FFB];
	_ =	sdelay $0x3  }
0x93: {  	_ =	strace s4  }
0x94: {  	s4 =	sld [smem:$0x3FFC];
	_ =	sdelay $0x3  }
0x95: {  	_ =	strace s4  }
0x96: {  	s4 =	sld [smem:$0x3FFD];
	_ =	sdelay $0x3  }
0x97: {  	_ =	strace s4  }
0x98: {  	_ =	strace $0x8FFFFFFF  }
0x99: {  	s19 =	sld [smem:$0x3FDB];
	_ =	sdelay $0x1  }
0x9a: {  	s5 =	simm.s32 $_scs_section_size  }
0x9b: {  	s6 =	simm.s32 $_size__tile_overlayer_lowered;
	s7 =	simm.s32 $_tile_overlayer_lowered  }
0x9c: {  	s22 =	simm.s32 $0x1BFF;
	s21 =	sshll.u32 s7, $0x1;
	s4 =	sadd.s32 s5, s19  }
0x9d: {  	s8 =	simm.s32 $0x0;
	s20 =	sshll.u32 s6, $0x1;
	s6 =	sadd.s32 s21, s4  }
0x9e: {  	[timem:s8], [sflag:s22] =	dma.local [hbm:s6], s20  }
0x9f: {  	_ =	swait.ge [sflag:s22], s20  }
0xa0: {  	s5 =	ssub.s32 $0x0, s20;
	[sflag:s22] =	ssyncset.done $0x0  }
0xa1: {  	[sflag:s22] =	ssyncadd.s32 s5;
	_ =	sdelay $0x1  }
0xa2: {  	s23 =	simm.s32 $0x1B8B  }
0xa3: {  	_ =	swait.ge [sflag:s23], $0x1  }
0xa4: {  	[sflag:s23] =	ssyncset.done $0x0  }
0xa5: {  	s25 =	simm.s32 $0x1B8E;
	s24 =	sld [smem:$0x3FFE];
	[sflag:s23] =	ssyncadd.s32 $0xFFFFFFFF  }
0xa6: {  	s26 =	simm.s32 $execute0_lowered;
	[smem:$0x3FD2] =	sst s25  }
0xa7: {  	s6 =	sshll.u32 s26, $0x1;
	_ =	strace $0x80000046;
	[dreg:$0x1] =	wrdreg $0xFFFFFFFF  }
0xa8: {  	s28 =	simm.s32 $_size_execute0_lowered;
	s4 =	sadd.s32 s4, s6;
	[dreg:$0x0] =	wrdreg $0x0  }
0xa9: {  	s6 =	sshll.u32 s28, $0x1;
	[dreg:$0x2] =	wrdreg s4  }
0xaa: {  	[dreg:$0x3] =	wrdreg s6  }
0xab: {  	[dreg:$0x4] =	wrdreg $0xC0  }
0xac: {  	_ =	task [dreg:s8], $0x5FFFF  }
0xad: {  	[dreg:$0x1] =	wrdreg $0xFFFFFFFF  }
0xae: {  	[dreg:$0x0] =	wrdreg $0x60  }
0xaf: {  	[dreg:$0x2] =	wrdreg s2  }
0xb0: {  	[dreg:$0x3] =	wrdreg s18  }
0xb1: {  	[dreg:$0x4] =	wrdreg s24  }
0xb2: {  	[dreg:$0x5] =	wrdreg $0x9  }
0xb3: {  	_ =	task.clear_ibuf [dreg:s8], $0x6FFFF;
	_ =	strace $0x90000046  }
0xb4: {  	s29 =	simm.s32 $0x9;
	_ =	strace $0x80000048  }
0xb5: {  	_ =	swait.ge [sflag:s29], $0x1  }
0xb6: {  	[sflag:s29] =	ssyncadd.s32 $0xFFFFFFFF  }
0xb7: {  	_ =	strace $0x90000048  }
0xb8: {  	_ =	sfence  }
0xb9: {  	s30 =	sld [smem:$0x0];
	_ =	sdelay $0x2  }
0xba: {  	s31 =	sshll.u32 s1, $0xD;
	s1 =	sshrl.u32 s1, $0x2  }
0xbb: {  	s3 =	sand.u32 $0x4000, s31;
	s1 =	sadd.s32 s1, s30  }
0xbc: {  	s0 =	sor.u32 s3, s0;
	s1 =	sshll.u32 s1, $0x11  }
0xbd: {  	s0 =	sor.u32 s1, s0  }
0xbe: {  	s0 =	sadd.s32 $0x8F2B, s0  }
0xbf: {  	[sflag:s0] =	ssyncadd.remote.s32 $0x1  }
0xc0: {  	_ =	sfence.sel $0xFFFF  }
0xc1: {  	[dreg:$0x0] =	wrdreg $0xFFFFFFFF;
	(pc) =	sbr.abs _section_cstart, $3  }
0xc2: {  	[dreg:$0x1] =	wrdreg $0xFFFFFFFF  }
0xc3: {  	_ =	task.clear_ibuf [dreg:s8], $0x2FFFF;
	_ =	strace $0x9FFFFFFF  }
0xc4: {  	(tm) =	ssettm $0x7FFFFFFF  }
0xc5: {  	_ =	shalt  }
tec
execute0_lowered:
.L_overlay_start_1:
0x0: {  	(tag) =	ssettag $0x1  }
0x1: {  	s4 =	rddreg [dreg:$0x0]  }
0x2: {  	s3 =	rddreg [dreg:$0x1]  }
0x3: {  	s5 =	rddreg [dreg:$0x2];
	s2 =	srdreg.scid  }
0x4: {  	s0 =	rddreg [dreg:$0x3];
	s1 =	stileid.u32;
	s10 =	simm.s32 $0x40000  }
0x5: {  	s11 =	simm.s32 $0x2;
	s12 =	simm.s32 $0x0;
	s6 =	sand.u32 $0x1, s2  }
0x6: {  	s2 =	simm.s32 $0x0;
	s7 =	sshll.u32 s1, $0xB;
	s8 =	sshll.u32 s6, $0xA  }
0x7: {  	[smem:$0x7FF] =	sst s2;
	s6 =	ssub.s32 $0x2, s6;
	s7 =	sor.u32 s8, s7  }
0x8: {  	_ =	strace $0x80000047;
	s31 =	sshrl.u32 s6, $0x1;
	s8 =	simm.s32 $0x2000  }
0x9: {  	s9 =	sor.u32 $0x38000, s7;
	s5 =	sadd.s32 s7, s5;
	s6 =	ssub.s32 s6, s31  }
0xa: {  	s7 =	simm.s32 $0x200000;
	s3 =	sadd.s32 s3, s9;
	s4 =	sadd.s32 s4, s9  }
0xb: {  	s5 =	sadd.s32 $0x600, s5;
	s6 =	smax.u32 s6, $0x1;
	s9 =	simm.s32 $0x1  }
.LBB2_1:
0xc: {  	[tilespmem:s2], [sflag:$0x1] =	stream.linear.gather [hbm4b:s3+s2], $0x2000, $0x38;
	[tilespmem:$0xA000] =	vst v63  }
0xd: {  	_ = 	snop  }
0xe: {  	[tilespmem:s8], [sflag:$0x1] =	stream.strided.gather [hbm4b:s4+s8], $0x8000, s7, s8, $0x38;
	[tilespmem:$0xA000] =	vst v63  }
0xf: {  	_ =	swait.ge [sflag:s9], $0x2000  }
0x10: {  	[sflag:s9] =	ssyncset.done $0x0  }
0x11: {  	[sflag:s9] =	ssyncadd.s32 $0xFFFFE000  }
0x12: {  	_ =	swait.ge [sflag:s9], $0x8000  }
0x13: {  	[sflag:s9] =	ssyncset.done $0x0  }
0x14: {  	s13 =	simm.s32 $0x0;
	s14 =	simm.s32 $0x1000;
	[sflag:s9] =	ssyncadd.s32 $0xFFFF8000  }
.LBB2_2:
0x15: {  	p0 =	sne.s32 s14, $0x7000;
	v0 =	vld [tilespmem:s13+$0x70]  }
0x16: {  	v1 =	vld [tilespmem:s13+$0x0]  }
0x17: {  	v2 =	vld [tilespmem:s13+$0x10]  }
0x18: {  	v3 =	vld [tilespmem:s13+$0x20]  }
0x19: {  	v4 =	vld [tilespmem:s13+$0x30]  }
0x1a: {  	[tilespmem:s13+$0x8070] =	vst.add.f32.msk $0xffff, v0  }
0x1b: {  	v5 =	vld [tilespmem:s13+$0x40]  }
0x1c: {  	v6 =	vld [tilespmem:s13+$0x50]  }
0x1d: {  	v7 =	vld [tilespmem:s13+$0x60]  }
0x1e: {  	[tilespmem:s13+$0x2000] =	vst.add.f32.msk $0xffff, v1  }
0x1f: {  	[tilespmem:s13+$0x4000] =	vst.add.f32.msk $0xffff, v1  }
0x20: {  	[tilespmem:s13+$0x6000] =	vst.add.f32.msk $0xffff, v1  }
0x21: {  	[tilespmem:s13+$0x8000] =	vst.add.f32.msk $0xffff, v1  }
0x22: {  	[tilespmem:s13+$0x2010] =	vst.add.f32.msk $0xffff, v2  }
0x23: {  	[tilespmem:s13+$0x4010] =	vst.add.f32.msk $0xffff, v2  }
0x24: {  	[tilespmem:s13+$0x6010] =	vst.add.f32.msk $0xffff, v2  }
0x25: {  	[tilespmem:s13+$0x8010] =	vst.add.f32.msk $0xffff, v2  }
0x26: {  	[tilespmem:s13+$0x2020] =	vst.add.f32.msk $0xffff, v3  }
0x27: {  	[tilespmem:s13+$0x4020] =	vst.add.f32.msk $0xffff, v3  }
0x28: {  	[tilespmem:s13+$0x6020] =	vst.add.f32.msk $0xffff, v3  }
0x29: {  	[tilespmem:s13+$0x8020] =	vst.add.f32.msk $0xffff, v3  }
0x2a: {  	[tilespmem:s13+$0x2030] =	vst.add.f32.msk $0xffff, v4  }
0x2b: {  	[tilespmem:s13+$0x4030] =	vst.add.f32.msk $0xffff, v4  }
0x2c: {  	[tilespmem:s13+$0x6030] =	vst.add.f32.msk $0xffff, v4  }
0x2d: {  	[tilespmem:s13+$0x8030] =	vst.add.f32.msk $0xffff, v4  }
0x2e: {  	[tilespmem:s13+$0x2040] =	vst.add.f32.msk $0xffff, v5  }
0x2f: {  	[tilespmem:s13+$0x4040] =	vst.add.f32.msk $0xffff, v5  }
0x30: {  	[tilespmem:s13+$0x6040] =	vst.add.f32.msk $0xffff, v5  }
0x31: {  	[tilespmem:s13+$0x8040] =	vst.add.f32.msk $0xffff, v5  }
0x32: {  	[tilespmem:s13+$0x2050] =	vst.add.f32.msk $0xffff, v6  }
0x33: {  	[tilespmem:s13+$0x4050] =	vst.add.f32.msk $0xffff, v6  }
0x34: {  	[tilespmem:s13+$0x6050] =	vst.add.f32.msk $0xffff, v6  }
0x35: {  	[tilespmem:s13+$0x8050] =	vst.add.f32.msk $0xffff, v6  }
0x36: {  	[tilespmem:s13+$0x2060] =	vst.add.f32.msk $0xffff, v7  }
0x37: {  	[tilespmem:s13+$0x4060] =	vst.add.f32.msk $0xffff, v7  }
.Ltmp0:
0x38: {  	[tilespmem:s13+$0x6060] =	vst.add.f32.msk $0xffff, v7;
	(pc) =	sbr.rel @p0 .LBB2_2-.Ltmp0, $4  }
0x39: {  	[tilespmem:s13+$0x8060] =	vst.add.f32.msk $0xffff, v7  }
0x3a: {  	[tilespmem:s13+$0x2070] =	vst.add.f32.msk $0xffff, v0  }
0x3b: {  	[tilespmem:s13+$0x4070] =	vst.add.f32.msk $0xffff, v0  }
0x3c: {  	[tilespmem:s13+$0x6070] =	vst.add.f32.msk $0xffff, v0;
	s13 =	sshra.s32 s14, $0x2;
	s14 =	sadd.s32 $0x1000, s14  }
0x3d: {  	v0 =	vld [tilespmem:s13+$0x70]  }
0x3e: {  	v1 =	vld [tilespmem:s13+$0x0]  }
0x3f: {  	v2 =	vld [tilespmem:s13+$0x10]  }
0x40: {  	v3 =	vld [tilespmem:s13+$0x20]  }
0x41: {  	v4 =	vld [tilespmem:s13+$0x30]  }
0x42: {  	v5 =	vld [tilespmem:s13+$0x40]  }
0x43: {  	v6 =	vld [tilespmem:s13+$0x50]  }
0x44: {  	v7 =	vld [tilespmem:s13+$0x60]  }
0x45: {  	[tilespmem:s13+$0x8070] =	vst.add.f32.msk $0xffff, v0  }
0x46: {  	[tilespmem:s13+$0x2000] =	vst.add.f32.msk $0xffff, v1  }
0x47: {  	[tilespmem:s13+$0x4000] =	vst.add.f32.msk $0xffff, v1  }
0x48: {  	[tilespmem:s13+$0x6000] =	vst.add.f32.msk $0xffff, v1  }
0x49: {  	[tilespmem:s13+$0x8000] =	vst.add.f32.msk $0xffff, v1  }
0x4a: {  	[tilespmem:s13+$0x2010] =	vst.add.f32.msk $0xffff, v2  }
0x4b: {  	[tilespmem:s13+$0x4010] =	vst.add.f32.msk $0xffff, v2  }
0x4c: {  	[tilespmem:s13+$0x6010] =	vst.add.f32.msk $0xffff, v2  }
0x4d: {  	[tilespmem:s13+$0x8010] =	vst.add.f32.msk $0xffff, v2  }
0x4e: {  	[tilespmem:s13+$0x2020] =	vst.add.f32.msk $0xffff, v3  }
0x4f: {  	[tilespmem:s13+$0x4020] =	vst.add.f32.msk $0xffff, v3  }
0x50: {  	[tilespmem:s13+$0x6020] =	vst.add.f32.msk $0xffff, v3  }
0x51: {  	[tilespmem:s13+$0x8020] =	vst.add.f32.msk $0xffff, v3  }
0x52: {  	[tilespmem:s13+$0x2030] =	vst.add.f32.msk $0xffff, v4  }
0x53: {  	[tilespmem:s13+$0x4030] =	vst.add.f32.msk $0xffff, v4  }
0x54: {  	[tilespmem:s13+$0x6030] =	vst.add.f32.msk $0xffff, v4  }
0x55: {  	[tilespmem:s13+$0x8030] =	vst.add.f32.msk $0xffff, v4  }
0x56: {  	[tilespmem:s13+$0x2040] =	vst.add.f32.msk $0xffff, v5  }
0x57: {  	[tilespmem:s13+$0x4040] =	vst.add.f32.msk $0xffff, v5  }
0x58: {  	[tilespmem:s13+$0x6040] =	vst.add.f32.msk $0xffff, v5  }
0x59: {  	[tilespmem:s13+$0x8040] =	vst.add.f32.msk $0xffff, v5  }
0x5a: {  	[tilespmem:s13+$0x2050] =	vst.add.f32.msk $0xffff, v6  }
0x5b: {  	[tilespmem:s13+$0x4050] =	vst.add.f32.msk $0xffff, v6  }
0x5c: {  	[tilespmem:s13+$0x6050] =	vst.add.f32.msk $0xffff, v6  }
0x5d: {  	[tilespmem:s13+$0x8050] =	vst.add.f32.msk $0xffff, v6  }
0x5e: {  	[tilespmem:s13+$0x2060] =	vst.add.f32.msk $0xffff, v7  }
0x5f: {  	[tilespmem:s13+$0x4060] =	vst.add.f32.msk $0xffff, v7  }
0x60: {  	[tilespmem:s13+$0x6060] =	vst.add.f32.msk $0xffff, v7  }
0x61: {  	[tilespmem:s13+$0x8060] =	vst.add.f32.msk $0xffff, v7  }
0x62: {  	[tilespmem:s13+$0x2070] =	vst.add.f32.msk $0xffff, v0  }
0x63: {  	[tilespmem:s13+$0x4070] =	vst.add.f32.msk $0xffff, v0  }
0x64: {  	s14 =	simm.s32 $0x1000;
	[tilespmem:s13+$0x6070] =	vst.add.f32.msk $0xffff, v0;
	s13 =	simm.s32 $0x0  }
.LBB2_4:
0x65: {  	p0 =	sne.s32 s14, $0x7000;
	v0 =	vld [tilespmem:s13+$0xF0]  }
0x66: {  	v1 =	vld [tilespmem:s13+$0x80]  }
0x67: {  	v2 =	vld [tilespmem:s13+$0x90]  }
0x68: {  	v3 =	vld [tilespmem:s13+$0xA0]  }
0x69: {  	v4 =	vld [tilespmem:s13+$0xB0]  }
0x6a: {  	[tilespmem:s13+$0x80F0] =	vst.add.f32.msk $0xffff, v0  }
0x6b: {  	v5 =	vld [tilespmem:s13+$0xC0]  }
0x6c: {  	v6 =	vld [tilespmem:s13+$0xD0]  }
0x6d: {  	v7 =	vld [tilespmem:s13+$0xE0]  }
0x6e: {  	[tilespmem:s13+$0x2080] =	vst.add.f32.msk $0xffff, v1  }
0x6f: {  	[tilespmem:s13+$0x4080] =	vst.add.f32.msk $0xffff, v1  }
0x70: {  	[tilespmem:s13+$0x6080] =	vst.add.f32.msk $0xffff, v1  }
0x71: {  	[tilespmem:s13+$0x8080] =	vst.add.f32.msk $0xffff, v1  }
0x72: {  	[tilespmem:s13+$0x2090] =	vst.add.f32.msk $0xffff, v2  }
0x73: {  	[tilespmem:s13+$0x4090] =	vst.add.f32.msk $0xffff, v2  }
0x74: {  	[tilespmem:s13+$0x6090] =	vst.add.f32.msk $0xffff, v2  }
0x75: {  	[tilespmem:s13+$0x8090] =	vst.add.f32.msk $0xffff, v2  }
0x76: {  	[tilespmem:s13+$0x20A0] =	vst.add.f32.msk $0xffff, v3  }
0x77: {  	[tilespmem:s13+$0x40A0] =	vst.add.f32.msk $0xffff, v3  }
0x78: {  	[tilespmem:s13+$0x60A0] =	vst.add.f32.msk $0xffff, v3  }
0x79: {  	[tilespmem:s13+$0x80A0] =	vst.add.f32.msk $0xffff, v3  }
0x7a: {  	[tilespmem:s13+$0x20B0] =	vst.add.f32.msk $0xffff, v4  }
0x7b: {  	[tilespmem:s13+$0x40B0] =	vst.add.f32.msk $0xffff, v4  }
0x7c: {  	[tilespmem:s13+$0x60B0] =	vst.add.f32.msk $0xffff, v4  }
0x7d: {  	[tilespmem:s13+$0x80B0] =	vst.add.f32.msk $0xffff, v4  }
0x7e: {  	[tilespmem:s13+$0x20C0] =	vst.add.f32.msk $0xffff, v5  }
0x7f: {  	[tilespmem:s13+$0x40C0] =	vst.add.f32.msk $0xffff, v5  }
0x80: {  	[tilespmem:s13+$0x60C0] =	vst.add.f32.msk $0xffff, v5  }
0x81: {  	[tilespmem:s13+$0x80C0] =	vst.add.f32.msk $0xffff, v5  }
0x82: {  	[tilespmem:s13+$0x20D0] =	vst.add.f32.msk $0xffff, v6  }
0x83: {  	[tilespmem:s13+$0x40D0] =	vst.add.f32.msk $0xffff, v6  }
0x84: {  	[tilespmem:s13+$0x60D0] =	vst.add.f32.msk $0xffff, v6  }
0x85: {  	[tilespmem:s13+$0x80D0] =	vst.add.f32.msk $0xffff, v6  }
0x86: {  	[tilespmem:s13+$0x20E0] =	vst.add.f32.msk $0xffff, v7  }
0x87: {  	[tilespmem:s13+$0x40E0] =	vst.add.f32.msk $0xffff, v7  }
.Ltmp1:
0x88: {  	[tilespmem:s13+$0x60E0] =	vst.add.f32.msk $0xffff, v7;
	(pc) =	sbr.rel @p0 .LBB2_4-.Ltmp1, $4  }
0x89: {  	[tilespmem:s13+$0x80E0] =	vst.add.f32.msk $0xffff, v7  }
0x8a: {  	[tilespmem:s13+$0x20F0] =	vst.add.f32.msk $0xffff, v0  }
0x8b: {  	[tilespmem:s13+$0x40F0] =	vst.add.f32.msk $0xffff, v0  }
0x8c: {  	[tilespmem:s13+$0x60F0] =	vst.add.f32.msk $0xffff, v0;
	s13 =	sshra.s32 s14, $0x2;
	s14 =	sadd.s32 $0x1000, s14  }
0x8d: {  	v0 =	vld [tilespmem:s13+$0xF0]  }
0x8e: {  	v1 =	vld [tilespmem:s13+$0x80]  }
0x8f: {  	v2 =	vld [tilespmem:s13+$0x90]  }
0x90: {  	v3 =	vld [tilespmem:s13+$0xA0]  }
0x91: {  	v4 =	vld [tilespmem:s13+$0xB0]  }
0x92: {  	v5 =	vld [tilespmem:s13+$0xC0]  }
0x93: {  	v6 =	vld [tilespmem:s13+$0xD0]  }
0x94: {  	v7 =	vld [tilespmem:s13+$0xE0]  }
0x95: {  	[tilespmem:s13+$0x80F0] =	vst.add.f32.msk $0xffff, v0  }
0x96: {  	[tilespmem:s13+$0x2080] =	vst.add.f32.msk $0xffff, v1  }
0x97: {  	[tilespmem:s13+$0x4080] =	vst.add.f32.msk $0xffff, v1  }
0x98: {  	[tilespmem:s13+$0x6080] =	vst.add.f32.msk $0xffff, v1  }
0x99: {  	[tilespmem:s13+$0x8080] =	vst.add.f32.msk $0xffff, v1  }
0x9a: {  	[tilespmem:s13+$0x2090] =	vst.add.f32.msk $0xffff, v2  }
0x9b: {  	[tilespmem:s13+$0x4090] =	vst.add.f32.msk $0xffff, v2  }
0x9c: {  	[tilespmem:s13+$0x6090] =	vst.add.f32.msk $0xffff, v2  }
0x9d: {  	[tilespmem:s13+$0x8090] =	vst.add.f32.msk $0xffff, v2  }
0x9e: {  	[tilespmem:s13+$0x20A0] =	vst.add.f32.msk $0xffff, v3  }
0x9f: {  	[tilespmem:s13+$0x40A0] =	vst.add.f32.msk $0xffff, v3  }
0xa0: {  	[tilespmem:s13+$0x60A0] =	vst.add.f32.msk $0xffff, v3  }
0xa1: {  	[tilespmem:s13+$0x80A0] =	vst.add.f32.msk $0xffff, v3  }
0xa2: {  	[tilespmem:s13+$0x20B0] =	vst.add.f32.msk $0xffff, v4  }
0xa3: {  	[tilespmem:s13+$0x40B0] =	vst.add.f32.msk $0xffff, v4  }
0xa4: {  	[tilespmem:s13+$0x60B0] =	vst.add.f32.msk $0xffff, v4  }
0xa5: {  	[tilespmem:s13+$0x80B0] =	vst.add.f32.msk $0xffff, v4  }
0xa6: {  	[tilespmem:s13+$0x20C0] =	vst.add.f32.msk $0xffff, v5  }
0xa7: {  	[tilespmem:s13+$0x40C0] =	vst.add.f32.msk $0xffff, v5  }
0xa8: {  	[tilespmem:s13+$0x60C0] =	vst.add.f32.msk $0xffff, v5  }
0xa9: {  	[tilespmem:s13+$0x80C0] =	vst.add.f32.msk $0xffff, v5  }
0xaa: {  	[tilespmem:s13+$0x20D0] =	vst.add.f32.msk $0xffff, v6  }
0xab: {  	[tilespmem:s13+$0x40D0] =	vst.add.f32.msk $0xffff, v6  }
0xac: {  	[tilespmem:s13+$0x60D0] =	vst.add.f32.msk $0xffff, v6  }
0xad: {  	[tilespmem:s13+$0x80D0] =	vst.add.f32.msk $0xffff, v6  }
0xae: {  	[tilespmem:s13+$0x20E0] =	vst.add.f32.msk $0xffff, v7  }
0xaf: {  	[tilespmem:s13+$0x40E0] =	vst.add.f32.msk $0xffff, v7  }
0xb0: {  	[tilespmem:s13+$0x60E0] =	vst.add.f32.msk $0xffff, v7  }
0xb1: {  	[tilespmem:s13+$0x80E0] =	vst.add.f32.msk $0xffff, v7  }
0xb2: {  	[tilespmem:s13+$0x20F0] =	vst.add.f32.msk $0xffff, v0  }
0xb3: {  	[tilespmem:s13+$0x40F0] =	vst.add.f32.msk $0xffff, v0  }
0xb4: {  	s14 =	simm.s32 $0x1000;
	[tilespmem:s13+$0x60F0] =	vst.add.f32.msk $0xffff, v0;
	s13 =	simm.s32 $0x0  }
.LBB2_6:
0xb5: {  	p0 =	sne.s32 s14, $0x7000;
	v0 =	vld [tilespmem:s13+$0x170]  }
0xb6: {  	v1 =	vld [tilespmem:s13+$0x100]  }
0xb7: {  	v2 =	vld [tilespmem:s13+$0x110]  }
0xb8: {  	v3 =	vld [tilespmem:s13+$0x120]  }
0xb9: {  	v4 =	vld [tilespmem:s13+$0x130]  }
0xba: {  	[tilespmem:s13+$0x8170] =	vst.add.f32.msk $0xffff, v0  }
0xbb: {  	v5 =	vld [tilespmem:s13+$0x140]  }
0xbc: {  	v6 =	vld [tilespmem:s13+$0x150]  }
0xbd: {  	v7 =	vld [tilespmem:s13+$0x160]  }
0xbe: {  	[tilespmem:s13+$0x2100] =	vst.add.f32.msk $0xffff, v1  }
0xbf: {  	[tilespmem:s13+$0x4100] =	vst.add.f32.msk $0xffff, v1  }
0xc0: {  	[tilespmem:s13+$0x6100] =	vst.add.f32.msk $0xffff, v1  }
0xc1: {  	[tilespmem:s13+$0x8100] =	vst.add.f32.msk $0xffff, v1  }
0xc2: {  	[tilespmem:s13+$0x2110] =	vst.add.f32.msk $0xffff, v2  }
0xc3: {  	[tilespmem:s13+$0x4110] =	vst.add.f32.msk $0xffff, v2  }
0xc4: {  	[tilespmem:s13+$0x6110] =	vst.add.f32.msk $0xffff, v2  }
0xc5: {  	[tilespmem:s13+$0x8110] =	vst.add.f32.msk $0xffff, v2  }
0xc6: {  	[tilespmem:s13+$0x2120] =	vst.add.f32.msk $0xffff, v3  }
0xc7: {  	[tilespmem:s13+$0x4120] =	vst.add.f32.msk $0xffff, v3  }
0xc8: {  	[tilespmem:s13+$0x6120] =	vst.add.f32.msk $0xffff, v3  }
0xc9: {  	[tilespmem:s13+$0x8120] =	vst.add.f32.msk $0xffff, v3  }
0xca: {  	[tilespmem:s13+$0x2130] =	vst.add.f32.msk $0xffff, v4  }
0xcb: {  	[tilespmem:s13+$0x4130] =	vst.add.f32.msk $0xffff, v4  }
0xcc: {  	[tilespmem:s13+$0x6130] =	vst.add.f32.msk $0xffff, v4  }
0xcd: {  	[tilespmem:s13+$0x8130] =	vst.add.f32.msk $0xffff, v4  }
0xce: {  	[tilespmem:s13+$0x2140] =	vst.add.f32.msk $0xffff, v5  }
0xcf: {  	[tilespmem:s13+$0x4140] =	vst.add.f32.msk $0xffff, v5  }
0xd0: {  	[tilespmem:s13+$0x6140] =	vst.add.f32.msk $0xffff, v5  }
0xd1: {  	[tilespmem:s13+$0x8140] =	vst.add.f32.msk $0xffff, v5  }
0xd2: {  	[tilespmem:s13+$0x2150] =	vst.add.f32.msk $0xffff, v6  }
0xd3: {  	[tilespmem:s13+$0x4150] =	vst.add.f32.msk $0xffff, v6  }
0xd4: {  	[tilespmem:s13+$0x6150] =	vst.add.f32.msk $0xffff, v6  }
0xd5: {  	[tilespmem:s13+$0x8150] =	vst.add.f32.msk $0xffff, v6  }
0xd6: {  	[tilespmem:s13+$0x2160] =	vst.add.f32.msk $0xffff, v7  }
0xd7: {  	[tilespmem:s13+$0x4160] =	vst.add.f32.msk $0xffff, v7  }
.Ltmp2:
0xd8: {  	[tilespmem:s13+$0x6160] =	vst.add.f32.msk $0xffff, v7;
	(pc) =	sbr.rel @p0 .LBB2_6-.Ltmp2, $4  }
0xd9: {  	[tilespmem:s13+$0x8160] =	vst.add.f32.msk $0xffff, v7  }
0xda: {  	[tilespmem:s13+$0x2170] =	vst.add.f32.msk $0xffff, v0  }
0xdb: {  	[tilespmem:s13+$0x4170] =	vst.add.f32.msk $0xffff, v0  }
0xdc: {  	[tilespmem:s13+$0x6170] =	vst.add.f32.msk $0xffff, v0;
	s13 =	sshra.s32 s14, $0x2;
	s14 =	sadd.s32 $0x1000, s14  }
0xdd: {  	v0 =	vld [tilespmem:s13+$0x170]  }
0xde: {  	v1 =	vld [tilespmem:s13+$0x100]  }
0xdf: {  	v2 =	vld [tilespmem:s13+$0x110]  }
0xe0: {  	v3 =	vld [tilespmem:s13+$0x120]  }
0xe1: {  	v4 =	vld [tilespmem:s13+$0x130]  }
0xe2: {  	v5 =	vld [tilespmem:s13+$0x140]  }
0xe3: {  	v6 =	vld [tilespmem:s13+$0x150]  }
0xe4: {  	v7 =	vld [tilespmem:s13+$0x160]  }
0xe5: {  	[tilespmem:s13+$0x8170] =	vst.add.f32.msk $0xffff, v0  }
0xe6: {  	[tilespmem:s13+$0x2100] =	vst.add.f32.msk $0xffff, v1  }
0xe7: {  	[tilespmem:s13+$0x4100] =	vst.add.f32.msk $0xffff, v1  }
0xe8: {  	[tilespmem:s13+$0x6100] =	vst.add.f32.msk $0xffff, v1  }
0xe9: {  	[tilespmem:s13+$0x8100] =	vst.add.f32.msk $0xffff, v1  }
0xea: {  	[tilespmem:s13+$0x2110] =	vst.add.f32.msk $0xffff, v2  }
0xeb: {  	[tilespmem:s13+$0x4110] =	vst.add.f32.msk $0xffff, v2  }
0xec: {  	[tilespmem:s13+$0x6110] =	vst.add.f32.msk $0xffff, v2  }
0xed: {  	[tilespmem:s13+$0x8110] =	vst.add.f32.msk $0xffff, v2  }
0xee: {  	[tilespmem:s13+$0x2120] =	vst.add.f32.msk $0xffff, v3  }
0xef: {  	[tilespmem:s13+$0x4120] =	vst.add.f32.msk $0xffff, v3  }
0xf0: {  	[tilespmem:s13+$0x6120] =	vst.add.f32.msk $0xffff, v3  }
0xf1: {  	[tilespmem:s13+$0x8120] =	vst.add.f32.msk $0xffff, v3  }
0xf2: {  	[tilespmem:s13+$0x2130] =	vst.add.f32.msk $0xffff, v4  }
0xf3: {  	[tilespmem:s13+$0x4130] =	vst.add.f32.msk $0xffff, v4  }
0xf4: {  	[tilespmem:s13+$0x6130] =	vst.add.f32.msk $0xffff, v4  }
0xf5: {  	[tilespmem:s13+$0x8130] =	vst.add.f32.msk $0xffff, v4  }
0xf6: {  	[tilespmem:s13+$0x2140] =	vst.add.f32.msk $0xffff, v5  }
0xf7: {  	[tilespmem:s13+$0x4140] =	vst.add.f32.msk $0xffff, v5  }
0xf8: {  	[tilespmem:s13+$0x6140] =	vst.add.f32.msk $0xffff, v5  }
0xf9: {  	[tilespmem:s13+$0x8140] =	vst.add.f32.msk $0xffff, v5  }
0xfa: {  	[tilespmem:s13+$0x2150] =	vst.add.f32.msk $0xffff, v6  }
0xfb: {  	[tilespmem:s13+$0x4150] =	vst.add.f32.msk $0xffff, v6  }
0xfc: {  	[tilespmem:s13+$0x6150] =	vst.add.f32.msk $0xffff, v6  }
0xfd: {  	[tilespmem:s13+$0x8150] =	vst.add.f32.msk $0xffff, v6  }
0xfe: {  	[tilespmem:s13+$0x2160] =	vst.add.f32.msk $0xffff, v7  }
0xff: {  	[tilespmem:s13+$0x4160] =	vst.add.f32.msk $0xffff, v7  }
0x100: {  	[tilespmem:s13+$0x6160] =	vst.add.f32.msk $0xffff, v7  }
0x101: {  	[tilespmem:s13+$0x8160] =	vst.add.f32.msk $0xffff, v7  }
0x102: {  	[tilespmem:s13+$0x2170] =	vst.add.f32.msk $0xffff, v0  }
0x103: {  	[tilespmem:s13+$0x4170] =	vst.add.f32.msk $0xffff, v0  }
0x104: {  	s14 =	simm.s32 $0x1000;
	[tilespmem:s13+$0x6170] =	vst.add.f32.msk $0xffff, v0;
	s13 =	simm.s32 $0x0  }
.LBB2_8:
0x105: {  	p0 =	sne.s32 s14, $0x7000;
	v0 =	vld [tilespmem:s13+$0x1F0]  }
0x106: {  	v1 =	vld [tilespmem:s13+$0x180]  }
0x107: {  	v2 =	vld [tilespmem:s13+$0x190]  }
0x108: {  	v3 =	vld [tilespmem:s13+$0x1A0]  }
0x109: {  	v4 =	vld [tilespmem:s13+$0x1B0]  }
0x10a: {  	[tilespmem:s13+$0x81F0] =	vst.add.f32.msk $0xffff, v0  }
0x10b: {  	v5 =	vld [tilespmem:s13+$0x1C0]  }
0x10c: {  	v6 =	vld [tilespmem:s13+$0x1D0]  }
0x10d: {  	v7 =	vld [tilespmem:s13+$0x1E0]  }
0x10e: {  	[tilespmem:s13+$0x2180] =	vst.add.f32.msk $0xffff, v1  }
0x10f: {  	[tilespmem:s13+$0x4180] =	vst.add.f32.msk $0xffff, v1  }
0x110: {  	[tilespmem:s13+$0x6180] =	vst.add.f32.msk $0xffff, v1  }
0x111: {  	[tilespmem:s13+$0x8180] =	vst.add.f32.msk $0xffff, v1  }
0x112: {  	[tilespmem:s13+$0x2190] =	vst.add.f32.msk $0xffff, v2  }
0x113: {  	[tilespmem:s13+$0x4190] =	vst.add.f32.msk $0xffff, v2  }
0x114: {  	[tilespmem:s13+$0x6190] =	vst.add.f32.msk $0xffff, v2  }
0x115: {  	[tilespmem:s13+$0x8190] =	vst.add.f32.msk $0xffff, v2  }
0x116: {  	[tilespmem:s13+$0x21A0] =	vst.add.f32.msk $0xffff, v3  }
0x117: {  	[tilespmem:s13+$0x41A0] =	vst.add.f32.msk $0xffff, v3  }
0x118: {  	[tilespmem:s13+$0x61A0] =	vst.add.f32.msk $0xffff, v3  }
0x119: {  	[tilespmem:s13+$0x81A0] =	vst.add.f32.msk $0xffff, v3  }
0x11a: {  	[tilespmem:s13+$0x21B0] =	vst.add.f32.msk $0xffff, v4  }
0x11b: {  	[tilespmem:s13+$0x41B0] =	vst.add.f32.msk $0xffff, v4  }
0x11c: {  	[tilespmem:s13+$0x61B0] =	vst.add.f32.msk $0xffff, v4  }
0x11d: {  	[tilespmem:s13+$0x81B0] =	vst.add.f32.msk $0xffff, v4  }
0x11e: {  	[tilespmem:s13+$0x21C0] =	vst.add.f32.msk $0xffff, v5  }
0x11f: {  	[tilespmem:s13+$0x41C0] =	vst.add.f32.msk $0xffff, v5  }
0x120: {  	[tilespmem:s13+$0x61C0] =	vst.add.f32.msk $0xffff, v5  }
0x121: {  	[tilespmem:s13+$0x81C0] =	vst.add.f32.msk $0xffff, v5  }
0x122: {  	[tilespmem:s13+$0x21D0] =	vst.add.f32.msk $0xffff, v6  }
0x123: {  	[tilespmem:s13+$0x41D0] =	vst.add.f32.msk $0xffff, v6  }
0x124: {  	[tilespmem:s13+$0x61D0] =	vst.add.f32.msk $0xffff, v6  }
0x125: {  	[tilespmem:s13+$0x81D0] =	vst.add.f32.msk $0xffff, v6  }
0x126: {  	[tilespmem:s13+$0x21E0] =	vst.add.f32.msk $0xffff, v7  }
0x127: {  	[tilespmem:s13+$0x41E0] =	vst.add.f32.msk $0xffff, v7  }
.Ltmp3:
0x128: {  	[tilespmem:s13+$0x61E0] =	vst.add.f32.msk $0xffff, v7;
	(pc) =	sbr.rel @p0 .LBB2_8-.Ltmp3, $4  }
0x129: {  	[tilespmem:s13+$0x81E0] =	vst.add.f32.msk $0xffff, v7  }
0x12a: {  	[tilespmem:s13+$0x21F0] =	vst.add.f32.msk $0xffff, v0  }
0x12b: {  	[tilespmem:s13+$0x41F0] =	vst.add.f32.msk $0xffff, v0  }
0x12c: {  	[tilespmem:s13+$0x61F0] =	vst.add.f32.msk $0xffff, v0;
	s13 =	sshra.s32 s14, $0x2;
	s14 =	sadd.s32 $0x1000, s14  }
0x12d: {  	v0 =	vld [tilespmem:s13+$0x1F0]  }
0x12e: {  	v1 =	vld [tilespmem:s13+$0x180]  }
0x12f: {  	v2 =	vld [tilespmem:s13+$0x190]  }
0x130: {  	v3 =	vld [tilespmem:s13+$0x1A0]  }
0x131: {  	v4 =	vld [tilespmem:s13+$0x1B0]  }
0x132: {  	v5 =	vld [tilespmem:s13+$0x1C0]  }
0x133: {  	v6 =	vld [tilespmem:s13+$0x1D0]  }
0x134: {  	v7 =	vld [tilespmem:s13+$0x1E0]  }
0x135: {  	[tilespmem:s13+$0x81F0] =	vst.add.f32.msk $0xffff, v0  }
0x136: {  	[tilespmem:s13+$0x2180] =	vst.add.f32.msk $0xffff, v1  }
0x137: {  	[tilespmem:s13+$0x4180] =	vst.add.f32.msk $0xffff, v1  }
0x138: {  	[tilespmem:s13+$0x6180] =	vst.add.f32.msk $0xffff, v1  }
0x139: {  	[tilespmem:s13+$0x8180] =	vst.add.f32.msk $0xffff, v1  }
0x13a: {  	[tilespmem:s13+$0x2190] =	vst.add.f32.msk $0xffff, v2  }
0x13b: {  	[tilespmem:s13+$0x4190] =	vst.add.f32.msk $0xffff, v2  }
0x13c: {  	[tilespmem:s13+$0x6190] =	vst.add.f32.msk $0xffff, v2  }
0x13d: {  	[tilespmem:s13+$0x8190] =	vst.add.f32.msk $0xffff, v2  }
0x13e: {  	[tilespmem:s13+$0x21A0] =	vst.add.f32.msk $0xffff, v3  }
0x13f: {  	[tilespmem:s13+$0x41A0] =	vst.add.f32.msk $0xffff, v3  }
0x140: {  	[tilespmem:s13+$0x61A0] =	vst.add.f32.msk $0xffff, v3  }
0x141: {  	[tilespmem:s13+$0x81A0] =	vst.add.f32.msk $0xffff, v3  }
0x142: {  	[tilespmem:s13+$0x21B0] =	vst.add.f32.msk $0xffff, v4  }
0x143: {  	[tilespmem:s13+$0x41B0] =	vst.add.f32.msk $0xffff, v4  }
0x144: {  	[tilespmem:s13+$0x61B0] =	vst.add.f32.msk $0xffff, v4  }
0x145: {  	[tilespmem:s13+$0x81B0] =	vst.add.f32.msk $0xffff, v4  }
0x146: {  	[tilespmem:s13+$0x21C0] =	vst.add.f32.msk $0xffff, v5  }
0x147: {  	[tilespmem:s13+$0x41C0] =	vst.add.f32.msk $0xffff, v5  }
0x148: {  	[tilespmem:s13+$0x61C0] =	vst.add.f32.msk $0xffff, v5  }
0x149: {  	[tilespmem:s13+$0x81C0] =	vst.add.f32.msk $0xffff, v5  }
0x14a: {  	[tilespmem:s13+$0x21D0] =	vst.add.f32.msk $0xffff, v6  }
0x14b: {  	[tilespmem:s13+$0x41D0] =	vst.add.f32.msk $0xffff, v6  }
0x14c: {  	[tilespmem:s13+$0x61D0] =	vst.add.f32.msk $0xffff, v6  }
0x14d: {  	[tilespmem:s13+$0x81D0] =	vst.add.f32.msk $0xffff, v6  }
0x14e: {  	[tilespmem:s13+$0x21E0] =	vst.add.f32.msk $0xffff, v7  }
0x14f: {  	[tilespmem:s13+$0x41E0] =	vst.add.f32.msk $0xffff, v7  }
0x150: {  	[tilespmem:s13+$0x61E0] =	vst.add.f32.msk $0xffff, v7  }
0x151: {  	[tilespmem:s13+$0x81E0] =	vst.add.f32.msk $0xffff, v7  }
0x152: {  	[tilespmem:s13+$0x21F0] =	vst.add.f32.msk $0xffff, v0  }
0x153: {  	[tilespmem:s13+$0x41F0] =	vst.add.f32.msk $0xffff, v0  }
0x154: {  	s14 =	simm.s32 $0x1000;
	[tilespmem:s13+$0x61F0] =	vst.add.f32.msk $0xffff, v0;
	s13 =	simm.s32 $0x0  }
.LBB2_10:
0x155: {  	p0 =	sne.s32 s14, $0x7000;
	v0 =	vld [tilespmem:s13+$0x270]  }
0x156: {  	v1 =	vld [tilespmem:s13+$0x200]  }
0x157: {  	v2 =	vld [tilespmem:s13+$0x210]  }
0x158: {  	v3 =	vld [tilespmem:s13+$0x220]  }
0x159: {  	v4 =	vld [tilespmem:s13+$0x230]  }
0x15a: {  	[tilespmem:s13+$0x8270] =	vst.add.f32.msk $0xffff, v0  }
0x15b: {  	v5 =	vld [tilespmem:s13+$0x240]  }
0x15c: {  	v6 =	vld [tilespmem:s13+$0x250]  }
0x15d: {  	v7 =	vld [tilespmem:s13+$0x260]  }
0x15e: {  	[tilespmem:s13+$0x2200] =	vst.add.f32.msk $0xffff, v1  }
0x15f: {  	[tilespmem:s13+$0x4200] =	vst.add.f32.msk $0xffff, v1  }
0x160: {  	[tilespmem:s13+$0x6200] =	vst.add.f32.msk $0xffff, v1  }
0x161: {  	[tilespmem:s13+$0x8200] =	vst.add.f32.msk $0xffff, v1  }
0x162: {  	[tilespmem:s13+$0x2210] =	vst.add.f32.msk $0xffff, v2  }
0x163: {  	[tilespmem:s13+$0x4210] =	vst.add.f32.msk $0xffff, v2  }
0x164: {  	[tilespmem:s13+$0x6210] =	vst.add.f32.msk $0xffff, v2  }
0x165: {  	[tilespmem:s13+$0x8210] =	vst.add.f32.msk $0xffff, v2  }
0x166: {  	[tilespmem:s13+$0x2220] =	vst.add.f32.msk $0xffff, v3  }
0x167: {  	[tilespmem:s13+$0x4220] =	vst.add.f32.msk $0xffff, v3  }
0x168: {  	[tilespmem:s13+$0x6220] =	vst.add.f32.msk $0xffff, v3  }
0x169: {  	[tilespmem:s13+$0x8220] =	vst.add.f32.msk $0xffff, v3  }
0x16a: {  	[tilespmem:s13+$0x2230] =	vst.add.f32.msk $0xffff, v4  }
0x16b: {  	[tilespmem:s13+$0x4230] =	vst.add.f32.msk $0xffff, v4  }
0x16c: {  	[tilespmem:s13+$0x6230] =	vst.add.f32.msk $0xffff, v4  }
0x16d: {  	[tilespmem:s13+$0x8230] =	vst.add.f32.msk $0xffff, v4  }
0x16e: {  	[tilespmem:s13+$0x2240] =	vst.add.f32.msk $0xffff, v5  }
0x16f: {  	[tilespmem:s13+$0x4240] =	vst.add.f32.msk $0xffff, v5  }
0x170: {  	[tilespmem:s13+$0x6240] =	vst.add.f32.msk $0xffff, v5  }
0x171: {  	[tilespmem:s13+$0x8240] =	vst.add.f32.msk $0xffff, v5  }
0x172: {  	[tilespmem:s13+$0x2250] =	vst.add.f32.msk $0xffff, v6  }
0x173: {  	[tilespmem:s13+$0x4250] =	vst.add.f32.msk $0xffff, v6  }
0x174: {  	[tilespmem:s13+$0x6250] =	vst.add.f32.msk $0xffff, v6  }
0x175: {  	[tilespmem:s13+$0x8250] =	vst.add.f32.msk $0xffff, v6  }
0x176: {  	[tilespmem:s13+$0x2260] =	vst.add.f32.msk $0xffff, v7  }
0x177: {  	[tilespmem:s13+$0x4260] =	vst.add.f32.msk $0xffff, v7  }
.Ltmp4:
0x178: {  	[tilespmem:s13+$0x6260] =	vst.add.f32.msk $0xffff, v7;
	(pc) =	sbr.rel @p0 .LBB2_10-.Ltmp4, $4  }
0x179: {  	[tilespmem:s13+$0x8260] =	vst.add.f32.msk $0xffff, v7  }
0x17a: {  	[tilespmem:s13+$0x2270] =	vst.add.f32.msk $0xffff, v0  }
0x17b: {  	[tilespmem:s13+$0x4270] =	vst.add.f32.msk $0xffff, v0  }
0x17c: {  	[tilespmem:s13+$0x6270] =	vst.add.f32.msk $0xffff, v0;
	s13 =	sshra.s32 s14, $0x2;
	s14 =	sadd.s32 $0x1000, s14  }
0x17d: {  	v0 =	vld [tilespmem:s13+$0x270]  }
0x17e: {  	v1 =	vld [tilespmem:s13+$0x200]  }
0x17f: {  	v2 =	vld [tilespmem:s13+$0x210]  }
0x180: {  	v3 =	vld [tilespmem:s13+$0x220]  }
0x181: {  	v4 =	vld [tilespmem:s13+$0x230]  }
0x182: {  	v5 =	vld [tilespmem:s13+$0x240]  }
0x183: {  	v6 =	vld [tilespmem:s13+$0x250]  }
0x184: {  	v7 =	vld [tilespmem:s13+$0x260]  }
0x185: {  	[tilespmem:s13+$0x8270] =	vst.add.f32.msk $0xffff, v0  }
0x186: {  	[tilespmem:s13+$0x2200] =	vst.add.f32.msk $0xffff, v1  }
0x187: {  	[tilespmem:s13+$0x4200] =	vst.add.f32.msk $0xffff, v1  }
0x188: {  	[tilespmem:s13+$0x6200] =	vst.add.f32.msk $0xffff, v1  }
0x189: {  	[tilespmem:s13+$0x8200] =	vst.add.f32.msk $0xffff, v1  }
0x18a: {  	[tilespmem:s13+$0x2210] =	vst.add.f32.msk $0xffff, v2  }
0x18b: {  	[tilespmem:s13+$0x4210] =	vst.add.f32.msk $0xffff, v2  }
0x18c: {  	[tilespmem:s13+$0x6210] =	vst.add.f32.msk $0xffff, v2  }
0x18d: {  	[tilespmem:s13+$0x8210] =	vst.add.f32.msk $0xffff, v2  }
0x18e: {  	[tilespmem:s13+$0x2220] =	vst.add.f32.msk $0xffff, v3  }
0x18f: {  	[tilespmem:s13+$0x4220] =	vst.add.f32.msk $0xffff, v3  }
0x190: {  	[tilespmem:s13+$0x6220] =	vst.add.f32.msk $0xffff, v3  }
0x191: {  	[tilespmem:s13+$0x8220] =	vst.add.f32.msk $0xffff, v3  }
0x192: {  	[tilespmem:s13+$0x2230] =	vst.add.f32.msk $0xffff, v4  }
0x193: {  	[tilespmem:s13+$0x4230] =	vst.add.f32.msk $0xffff, v4  }
0x194: {  	[tilespmem:s13+$0x6230] =	vst.add.f32.msk $0xffff, v4  }
0x195: {  	[tilespmem:s13+$0x8230] =	vst.add.f32.msk $0xffff, v4  }
0x196: {  	[tilespmem:s13+$0x2240] =	vst.add.f32.msk $0xffff, v5  }
0x197: {  	[tilespmem:s13+$0x4240] =	vst.add.f32.msk $0xffff, v5  }
0x198: {  	[tilespmem:s13+$0x6240] =	vst.add.f32.msk $0xffff, v5  }
0x199: {  	[tilespmem:s13+$0x8240] =	vst.add.f32.msk $0xffff, v5  }
0x19a: {  	[tilespmem:s13+$0x2250] =	vst.add.f32.msk $0xffff, v6  }
0x19b: {  	[tilespmem:s13+$0x4250] =	vst.add.f32.msk $0xffff, v6  }
0x19c: {  	[tilespmem:s13+$0x6250] =	vst.add.f32.msk $0xffff, v6  }
0x19d: {  	[tilespmem:s13+$0x8250] =	vst.add.f32.msk $0xffff, v6  }
0x19e: {  	[tilespmem:s13+$0x2260] =	vst.add.f32.msk $0xffff, v7  }
0x19f: {  	[tilespmem:s13+$0x4260] =	vst.add.f32.msk $0xffff, v7  }
0x1a0: {  	[tilespmem:s13+$0x6260] =	vst.add.f32.msk $0xffff, v7  }
0x1a1: {  	[tilespmem:s13+$0x8260] =	vst.add.f32.msk $0xffff, v7  }
0x1a2: {  	[tilespmem:s13+$0x2270] =	vst.add.f32.msk $0xffff, v0  }
0x1a3: {  	[tilespmem:s13+$0x4270] =	vst.add.f32.msk $0xffff, v0  }
0x1a4: {  	s14 =	simm.s32 $0x1000;
	[tilespmem:s13+$0x6270] =	vst.add.f32.msk $0xffff, v0;
	s13 =	simm.s32 $0x0  }
.LBB2_12:
0x1a5: {  	p0 =	sne.s32 s14, $0x7000;
	v0 =	vld [tilespmem:s13+$0x2F0]  }
0x1a6: {  	v1 =	vld [tilespmem:s13+$0x280]  }
0x1a7: {  	v2 =	vld [tilespmem:s13+$0x290]  }
0x1a8: {  	v3 =	vld [tilespmem:s13+$0x2A0]  }
0x1a9: {  	v4 =	vld [tilespmem:s13+$0x2B0]  }
0x1aa: {  	[tilespmem:s13+$0x82F0] =	vst.add.f32.msk $0xffff, v0  }
0x1ab: {  	v5 =	vld [tilespmem:s13+$0x2C0]  }
0x1ac: {  	v6 =	vld [tilespmem:s13+$0x2D0]  }
0x1ad: {  	v7 =	vld [tilespmem:s13+$0x2E0]  }
0x1ae: {  	[tilespmem:s13+$0x2280] =	vst.add.f32.msk $0xffff, v1  }
0x1af: {  	[tilespmem:s13+$0x4280] =	vst.add.f32.msk $0xffff, v1  }
0x1b0: {  	[tilespmem:s13+$0x6280] =	vst.add.f32.msk $0xffff, v1  }
0x1b1: {  	[tilespmem:s13+$0x8280] =	vst.add.f32.msk $0xffff, v1  }
0x1b2: {  	[tilespmem:s13+$0x2290] =	vst.add.f32.msk $0xffff, v2  }
0x1b3: {  	[tilespmem:s13+$0x4290] =	vst.add.f32.msk $0xffff, v2  }
0x1b4: {  	[tilespmem:s13+$0x6290] =	vst.add.f32.msk $0xffff, v2  }
0x1b5: {  	[tilespmem:s13+$0x8290] =	vst.add.f32.msk $0xffff, v2  }
0x1b6: {  	[tilespmem:s13+$0x22A0] =	vst.add.f32.msk $0xffff, v3  }
0x1b7: {  	[tilespmem:s13+$0x42A0] =	vst.add.f32.msk $0xffff, v3  }
0x1b8: {  	[tilespmem:s13+$0x62A0] =	vst.add.f32.msk $0xffff, v3  }
0x1b9: {  	[tilespmem:s13+$0x82A0] =	vst.add.f32.msk $0xffff, v3  }
0x1ba: {  	[tilespmem:s13+$0x22B0] =	vst.add.f32.msk $0xffff, v4  }
0x1bb: {  	[tilespmem:s13+$0x42B0] =	vst.add.f32.msk $0xffff, v4  }
0x1bc: {  	[tilespmem:s13+$0x62B0] =	vst.add.f32.msk $0xffff, v4  }
0x1bd: {  	[tilespmem:s13+$0x82B0] =	vst.add.f32.msk $0xffff, v4  }
0x1be: {  	[tilespmem:s13+$0x22C0] =	vst.add.f32.msk $0xffff, v5  }
0x1bf: {  	[tilespmem:s13+$0x42C0] =	vst.add.f32.msk $0xffff, v5  }
0x1c0: {  	[tilespmem:s13+$0x62C0] =	vst.add.f32.msk $0xffff, v5  }
0x1c1: {  	[tilespmem:s13+$0x82C0] =	vst.add.f32.msk $0xffff, v5  }
0x1c2: {  	[tilespmem:s13+$0x22D0] =	vst.add.f32.msk $0xffff, v6  }
0x1c3: {  	[tilespmem:s13+$0x42D0] =	vst.add.f32.msk $0xffff, v6  }
0x1c4: {  	[tilespmem:s13+$0x62D0] =	vst.add.f32.msk $0xffff, v6  }
0x1c5: {  	[tilespmem:s13+$0x82D0] =	vst.add.f32.msk $0xffff, v6  }
0x1c6: {  	[tilespmem:s13+$0x22E0] =	vst.add.f32.msk $0xffff, v7  }
0x1c7: {  	[tilespmem:s13+$0x42E0] =	vst.add.f32.msk $0xffff, v7  }
.Ltmp5:
0x1c8: {  	[tilespmem:s13+$0x62E0] =	vst.add.f32.msk $0xffff, v7;
	(pc) =	sbr.rel @p0 .LBB2_12-.Ltmp5, $4  }
0x1c9: {  	[tilespmem:s13+$0x82E0] =	vst.add.f32.msk $0xffff, v7  }
0x1ca: {  	[tilespmem:s13+$0x22F0] =	vst.add.f32.msk $0xffff, v0  }
0x1cb: {  	[tilespmem:s13+$0x42F0] =	vst.add.f32.msk $0xffff, v0  }
0x1cc: {  	[tilespmem:s13+$0x62F0] =	vst.add.f32.msk $0xffff, v0;
	s13 =	sshra.s32 s14, $0x2;
	s14 =	sadd.s32 $0x1000, s14  }
0x1cd: {  	v0 =	vld [tilespmem:s13+$0x2F0]  }
0x1ce: {  	v1 =	vld [tilespmem:s13+$0x280]  }
0x1cf: {  	v2 =	vld [tilespmem:s13+$0x290]  }
0x1d0: {  	v3 =	vld [tilespmem:s13+$0x2A0]  }
0x1d1: {  	v4 =	vld [tilespmem:s13+$0x2B0]  }
0x1d2: {  	v5 =	vld [tilespmem:s13+$0x2C0]  }
0x1d3: {  	v6 =	vld [tilespmem:s13+$0x2D0]  }
0x1d4: {  	v7 =	vld [tilespmem:s13+$0x2E0]  }
0x1d5: {  	[tilespmem:s13+$0x82F0] =	vst.add.f32.msk $0xffff, v0  }
0x1d6: {  	[tilespmem:s13+$0x2280] =	vst.add.f32.msk $0xffff, v1  }
0x1d7: {  	[tilespmem:s13+$0x4280] =	vst.add.f32.msk $0xffff, v1  }
0x1d8: {  	[tilespmem:s13+$0x6280] =	vst.add.f32.msk $0xffff, v1  }
0x1d9: {  	[tilespmem:s13+$0x8280] =	vst.add.f32.msk $0xffff, v1  }
0x1da: {  	[tilespmem:s13+$0x2290] =	vst.add.f32.msk $0xffff, v2  }
0x1db: {  	[tilespmem:s13+$0x4290] =	vst.add.f32.msk $0xffff, v2  }
0x1dc: {  	[tilespmem:s13+$0x6290] =	vst.add.f32.msk $0xffff, v2  }
0x1dd: {  	[tilespmem:s13+$0x8290] =	vst.add.f32.msk $0xffff, v2  }
0x1de: {  	[tilespmem:s13+$0x22A0] =	vst.add.f32.msk $0xffff, v3  }
0x1df: {  	[tilespmem:s13+$0x42A0] =	vst.add.f32.msk $0xffff, v3  }
0x1e0: {  	[tilespmem:s13+$0x62A0] =	vst.add.f32.msk $0xffff, v3  }
0x1e1: {  	[tilespmem:s13+$0x82A0] =	vst.add.f32.msk $0xffff, v3  }
0x1e2: {  	[tilespmem:s13+$0x22B0] =	vst.add.f32.msk $0xffff, v4  }
0x1e3: {  	[tilespmem:s13+$0x42B0] =	vst.add.f32.msk $0xffff, v4  }
0x1e4: {  	[tilespmem:s13+$0x62B0] =	vst.add.f32.msk $0xffff, v4  }
0x1e5: {  	[tilespmem:s13+$0x82B0] =	vst.add.f32.msk $0xffff, v4  }
0x1e6: {  	[tilespmem:s13+$0x22C0] =	vst.add.f32.msk $0xffff, v5  }
0x1e7: {  	[tilespmem:s13+$0x42C0] =	vst.add.f32.msk $0xffff, v5  }
0x1e8: {  	[tilespmem:s13+$0x62C0] =	vst.add.f32.msk $0xffff, v5  }
0x1e9: {  	[tilespmem:s13+$0x82C0] =	vst.add.f32.msk $0xffff, v5  }
0x1ea: {  	[tilespmem:s13+$0x22D0] =	vst.add.f32.msk $0xffff, v6  }
0x1eb: {  	[tilespmem:s13+$0x42D0] =	vst.add.f32.msk $0xffff, v6  }
0x1ec: {  	[tilespmem:s13+$0x62D0] =	vst.add.f32.msk $0xffff, v6  }
0x1ed: {  	[tilespmem:s13+$0x82D0] =	vst.add.f32.msk $0xffff, v6  }
0x1ee: {  	[tilespmem:s13+$0x22E0] =	vst.add.f32.msk $0xffff, v7  }
0x1ef: {  	[tilespmem:s13+$0x42E0] =	vst.add.f32.msk $0xffff, v7  }
0x1f0: {  	[tilespmem:s13+$0x62E0] =	vst.add.f32.msk $0xffff, v7  }
0x1f1: {  	[tilespmem:s13+$0x82E0] =	vst.add.f32.msk $0xffff, v7  }
0x1f2: {  	[tilespmem:s13+$0x22F0] =	vst.add.f32.msk $0xffff, v0  }
0x1f3: {  	[tilespmem:s13+$0x42F0] =	vst.add.f32.msk $0xffff, v0  }
0x1f4: {  	s14 =	simm.s32 $0x1000;
	[tilespmem:s13+$0x62F0] =	vst.add.f32.msk $0xffff, v0;
	s13 =	simm.s32 $0x0  }
.LBB2_14:
0x1f5: {  	p0 =	sne.s32 s14, $0x7000;
	v0 =	vld [tilespmem:s13+$0x370]  }
0x1f6: {  	v1 =	vld [tilespmem:s13+$0x300]  }
0x1f7: {  	v2 =	vld [tilespmem:s13+$0x310]  }
0x1f8: {  	v3 =	vld [tilespmem:s13+$0x320]  }
0x1f9: {  	v4 =	vld [tilespmem:s13+$0x330]  }
0x1fa: {  	[tilespmem:s13+$0x8370] =	vst.add.f32.msk $0xffff, v0  }
0x1fb: {  	v5 =	vld [tilespmem:s13+$0x340]  }
0x1fc: {  	v6 =	vld [tilespmem:s13+$0x350]  }
0x1fd: {  	v7 =	vld [tilespmem:s13+$0x360]  }
0x1fe: {  	[tilespmem:s13+$0x2300] =	vst.add.f32.msk $0xffff, v1  }
0x1ff: {  	[tilespmem:s13+$0x4300] =	vst.add.f32.msk $0xffff, v1  }
0x200: {  	[tilespmem:s13+$0x6300] =	vst.add.f32.msk $0xffff, v1  }
0x201: {  	[tilespmem:s13+$0x8300] =	vst.add.f32.msk $0xffff, v1  }
0x202: {  	[tilespmem:s13+$0x2310] =	vst.add.f32.msk $0xffff, v2  }
0x203: {  	[tilespmem:s13+$0x4310] =	vst.add.f32.msk $0xffff, v2  }
0x204: {  	[tilespmem:s13+$0x6310] =	vst.add.f32.msk $0xffff, v2  }
0x205: {  	[tilespmem:s13+$0x8310] =	vst.add.f32.msk $0xffff, v2  }
0x206: {  	[tilespmem:s13+$0x2320] =	vst.add.f32.msk $0xffff, v3  }
0x207: {  	[tilespmem:s13+$0x4320] =	vst.add.f32.msk $0xffff, v3  }
0x208: {  	[tilespmem:s13+$0x6320] =	vst.add.f32.msk $0xffff, v3  }
0x209: {  	[tilespmem:s13+$0x8320] =	vst.add.f32.msk $0xffff, v3  }
0x20a: {  	[tilespmem:s13+$0x2330] =	vst.add.f32.msk $0xffff, v4  }
0x20b: {  	[tilespmem:s13+$0x4330] =	vst.add.f32.msk $0xffff, v4  }
0x20c: {  	[tilespmem:s13+$0x6330] =	vst.add.f32.msk $0xffff, v4  }
0x20d: {  	[tilespmem:s13+$0x8330] =	vst.add.f32.msk $0xffff, v4  }
0x20e: {  	[tilespmem:s13+$0x2340] =	vst.add.f32.msk $0xffff, v5  }
0x20f: {  	[tilespmem:s13+$0x4340] =	vst.add.f32.msk $0xffff, v5  }
0x210: {  	[tilespmem:s13+$0x6340] =	vst.add.f32.msk $0xffff, v5  }
0x211: {  	[tilespmem:s13+$0x8340] =	vst.add.f32.msk $0xffff, v5  }
0x212: {  	[tilespmem:s13+$0x2350] =	vst.add.f32.msk $0xffff, v6  }
0x213: {  	[tilespmem:s13+$0x4350] =	vst.add.f32.msk $0xffff, v6  }
0x214: {  	[tilespmem:s13+$0x6350] =	vst.add.f32.msk $0xffff, v6  }
0x215: {  	[tilespmem:s13+$0x8350] =	vst.add.f32.msk $0xffff, v6  }
0x216: {  	[tilespmem:s13+$0x2360] =	vst.add.f32.msk $0xffff, v7  }
0x217: {  	[tilespmem:s13+$0x4360] =	vst.add.f32.msk $0xffff, v7  }
.Ltmp6:
0x218: {  	[tilespmem:s13+$0x6360] =	vst.add.f32.msk $0xffff, v7;
	(pc) =	sbr.rel @p0 .LBB2_14-.Ltmp6, $4  }
0x219: {  	[tilespmem:s13+$0x8360] =	vst.add.f32.msk $0xffff, v7  }
0x21a: {  	[tilespmem:s13+$0x2370] =	vst.add.f32.msk $0xffff, v0  }
0x21b: {  	[tilespmem:s13+$0x4370] =	vst.add.f32.msk $0xffff, v0  }
0x21c: {  	[tilespmem:s13+$0x6370] =	vst.add.f32.msk $0xffff, v0;
	s13 =	sshra.s32 s14, $0x2;
	s14 =	sadd.s32 $0x1000, s14  }
0x21d: {  	v0 =	vld [tilespmem:s13+$0x370]  }
0x21e: {  	v1 =	vld [tilespmem:s13+$0x300]  }
0x21f: {  	v2 =	vld [tilespmem:s13+$0x310]  }
0x220: {  	v3 =	vld [tilespmem:s13+$0x320]  }
0x221: {  	v4 =	vld [tilespmem:s13+$0x330]  }
0x222: {  	v5 =	vld [tilespmem:s13+$0x340]  }
0x223: {  	v6 =	vld [tilespmem:s13+$0x350]  }
0x224: {  	v7 =	vld [tilespmem:s13+$0x360]  }
0x225: {  	[tilespmem:s13+$0x8370] =	vst.add.f32.msk $0xffff, v0  }
0x226: {  	[tilespmem:s13+$0x2300] =	vst.add.f32.msk $0xffff, v1  }
0x227: {  	[tilespmem:s13+$0x4300] =	vst.add.f32.msk $0xffff, v1  }
0x228: {  	[tilespmem:s13+$0x6300] =	vst.add.f32.msk $0xffff, v1  }
0x229: {  	[tilespmem:s13+$0x8300] =	vst.add.f32.msk $0xffff, v1  }
0x22a: {  	[tilespmem:s13+$0x2310] =	vst.add.f32.msk $0xffff, v2  }
0x22b: {  	[tilespmem:s13+$0x4310] =	vst.add.f32.msk $0xffff, v2  }
0x22c: {  	[tilespmem:s13+$0x6310] =	vst.add.f32.msk $0xffff, v2  }
0x22d: {  	[tilespmem:s13+$0x8310] =	vst.add.f32.msk $0xffff, v2  }
0x22e: {  	[tilespmem:s13+$0x2320] =	vst.add.f32.msk $0xffff, v3  }
0x22f: {  	[tilespmem:s13+$0x4320] =	vst.add.f32.msk $0xffff, v3  }
0x230: {  	[tilespmem:s13+$0x6320] =	vst.add.f32.msk $0xffff, v3  }
0x231: {  	[tilespmem:s13+$0x8320] =	vst.add.f32.msk $0xffff, v3  }
0x232: {  	[tilespmem:s13+$0x2330] =	vst.add.f32.msk $0xffff, v4  }
0x233: {  	[tilespmem:s13+$0x4330] =	vst.add.f32.msk $0xffff, v4  }
0x234: {  	[tilespmem:s13+$0x6330] =	vst.add.f32.msk $0xffff, v4  }
0x235: {  	[tilespmem:s13+$0x8330] =	vst.add.f32.msk $0xffff, v4  }
0x236: {  	[tilespmem:s13+$0x2340] =	vst.add.f32.msk $0xffff, v5  }
0x237: {  	[tilespmem:s13+$0x4340] =	vst.add.f32.msk $0xffff, v5  }
0x238: {  	[tilespmem:s13+$0x6340] =	vst.add.f32.msk $0xffff, v5  }
0x239: {  	[tilespmem:s13+$0x8340] =	vst.add.f32.msk $0xffff, v5  }
0x23a: {  	[tilespmem:s13+$0x2350] =	vst.add.f32.msk $0xffff, v6  }
0x23b: {  	[tilespmem:s13+$0x4350] =	vst.add.f32.msk $0xffff, v6  }
0x23c: {  	[tilespmem:s13+$0x6350] =	vst.add.f32.msk $0xffff, v6  }
0x23d: {  	[tilespmem:s13+$0x8350] =	vst.add.f32.msk $0xffff, v6  }
0x23e: {  	[tilespmem:s13+$0x2360] =	vst.add.f32.msk $0xffff, v7  }
0x23f: {  	[tilespmem:s13+$0x4360] =	vst.add.f32.msk $0xffff, v7  }
0x240: {  	[tilespmem:s13+$0x6360] =	vst.add.f32.msk $0xffff, v7  }
0x241: {  	[tilespmem:s13+$0x8360] =	vst.add.f32.msk $0xffff, v7  }
0x242: {  	[tilespmem:s13+$0x2370] =	vst.add.f32.msk $0xffff, v0  }
0x243: {  	[tilespmem:s13+$0x4370] =	vst.add.f32.msk $0xffff, v0  }
0x244: {  	s14 =	simm.s32 $0x1000;
	[tilespmem:s13+$0x6370] =	vst.add.f32.msk $0xffff, v0;
	s13 =	simm.s32 $0x0  }
.LBB2_16:
0x245: {  	p0 =	sne.s32 s14, $0x7000;
	v0 =	vld [tilespmem:s13+$0x3F0]  }
0x246: {  	v1 =	vld [tilespmem:s13+$0x380]  }
0x247: {  	v2 =	vld [tilespmem:s13+$0x390]  }
0x248: {  	v3 =	vld [tilespmem:s13+$0x3A0]  }
0x249: {  	v4 =	vld [tilespmem:s13+$0x3B0]  }
0x24a: {  	[tilespmem:s13+$0x83F0] =	vst.add.f32.msk $0xffff, v0  }
0x24b: {  	v5 =	vld [tilespmem:s13+$0x3C0]  }
0x24c: {  	v6 =	vld [tilespmem:s13+$0x3D0]  }
0x24d: {  	v7 =	vld [tilespmem:s13+$0x3E0]  }
0x24e: {  	[tilespmem:s13+$0x2380] =	vst.add.f32.msk $0xffff, v1  }
0x24f: {  	[tilespmem:s13+$0x4380] =	vst.add.f32.msk $0xffff, v1  }
0x250: {  	[tilespmem:s13+$0x6380] =	vst.add.f32.msk $0xffff, v1  }
0x251: {  	[tilespmem:s13+$0x8380] =	vst.add.f32.msk $0xffff, v1  }
0x252: {  	[tilespmem:s13+$0x2390] =	vst.add.f32.msk $0xffff, v2  }
0x253: {  	[tilespmem:s13+$0x4390] =	vst.add.f32.msk $0xffff, v2  }
0x254: {  	[tilespmem:s13+$0x6390] =	vst.add.f32.msk $0xffff, v2  }
0x255: {  	[tilespmem:s13+$0x8390] =	vst.add.f32.msk $0xffff, v2  }
0x256: {  	[tilespmem:s13+$0x23A0] =	vst.add.f32.msk $0xffff, v3  }
0x257: {  	[tilespmem:s13+$0x43A0] =	vst.add.f32.msk $0xffff, v3  }
0x258: {  	[tilespmem:s13+$0x63A0] =	vst.add.f32.msk $0xffff, v3  }
0x259: {  	[tilespmem:s13+$0x83A0] =	vst.add.f32.msk $0xffff, v3  }
0x25a: {  	[tilespmem:s13+$0x23B0] =	vst.add.f32.msk $0xffff, v4  }
0x25b: {  	[tilespmem:s13+$0x43B0] =	vst.add.f32.msk $0xffff, v4  }
0x25c: {  	[tilespmem:s13+$0x63B0] =	vst.add.f32.msk $0xffff, v4  }
0x25d: {  	[tilespmem:s13+$0x83B0] =	vst.add.f32.msk $0xffff, v4  }
0x25e: {  	[tilespmem:s13+$0x23C0] =	vst.add.f32.msk $0xffff, v5  }
0x25f: {  	[tilespmem:s13+$0x43C0] =	vst.add.f32.msk $0xffff, v5  }
0x260: {  	[tilespmem:s13+$0x63C0] =	vst.add.f32.msk $0xffff, v5  }
0x261: {  	[tilespmem:s13+$0x83C0] =	vst.add.f32.msk $0xffff, v5  }
0x262: {  	[tilespmem:s13+$0x23D0] =	vst.add.f32.msk $0xffff, v6  }
0x263: {  	[tilespmem:s13+$0x43D0] =	vst.add.f32.msk $0xffff, v6  }
0x264: {  	[tilespmem:s13+$0x63D0] =	vst.add.f32.msk $0xffff, v6  }
0x265: {  	[tilespmem:s13+$0x83D0] =	vst.add.f32.msk $0xffff, v6  }
0x266: {  	[tilespmem:s13+$0x23E0] =	vst.add.f32.msk $0xffff, v7  }
0x267: {  	[tilespmem:s13+$0x43E0] =	vst.add.f32.msk $0xffff, v7  }
.Ltmp7:
0x268: {  	[tilespmem:s13+$0x63E0] =	vst.add.f32.msk $0xffff, v7;
	(pc) =	sbr.rel @p0 .LBB2_16-.Ltmp7, $4  }
0x269: {  	[tilespmem:s13+$0x83E0] =	vst.add.f32.msk $0xffff, v7  }
0x26a: {  	[tilespmem:s13+$0x23F0] =	vst.add.f32.msk $0xffff, v0  }
0x26b: {  	[tilespmem:s13+$0x43F0] =	vst.add.f32.msk $0xffff, v0  }
0x26c: {  	[tilespmem:s13+$0x63F0] =	vst.add.f32.msk $0xffff, v0;
	s13 =	sshra.s32 s14, $0x2;
	s14 =	sadd.s32 $0x1000, s14  }
0x26d: {  	v0 =	vld [tilespmem:s13+$0x3F0]  }
0x26e: {  	v1 =	vld [tilespmem:s13+$0x380]  }
0x26f: {  	v2 =	vld [tilespmem:s13+$0x390]  }
0x270: {  	v3 =	vld [tilespmem:s13+$0x3A0]  }
0x271: {  	v4 =	vld [tilespmem:s13+$0x3B0]  }
0x272: {  	v5 =	vld [tilespmem:s13+$0x3C0]  }
0x273: {  	v6 =	vld [tilespmem:s13+$0x3D0]  }
0x274: {  	v7 =	vld [tilespmem:s13+$0x3E0]  }
0x275: {  	[tilespmem:s13+$0x83F0] =	vst.add.f32.msk $0xffff, v0  }
0x276: {  	[tilespmem:s13+$0x2380] =	vst.add.f32.msk $0xffff, v1  }
0x277: {  	[tilespmem:s13+$0x4380] =	vst.add.f32.msk $0xffff, v1  }
0x278: {  	[tilespmem:s13+$0x6380] =	vst.add.f32.msk $0xffff, v1  }
0x279: {  	[tilespmem:s13+$0x8380] =	vst.add.f32.msk $0xffff, v1  }
0x27a: {  	[tilespmem:s13+$0x2390] =	vst.add.f32.msk $0xffff, v2  }
0x27b: {  	[tilespmem:s13+$0x4390] =	vst.add.f32.msk $0xffff, v2  }
0x27c: {  	[tilespmem:s13+$0x6390] =	vst.add.f32.msk $0xffff, v2  }
0x27d: {  	[tilespmem:s13+$0x8390] =	vst.add.f32.msk $0xffff, v2  }
0x27e: {  	[tilespmem:s13+$0x23A0] =	vst.add.f32.msk $0xffff, v3  }
0x27f: {  	[tilespmem:s13+$0x43A0] =	vst.add.f32.msk $0xffff, v3  }
0x280: {  	[tilespmem:s13+$0x63A0] =	vst.add.f32.msk $0xffff, v3  }
0x281: {  	[tilespmem:s13+$0x83A0] =	vst.add.f32.msk $0xffff, v3  }
0x282: {  	[tilespmem:s13+$0x23B0] =	vst.add.f32.msk $0xffff, v4  }
0x283: {  	[tilespmem:s13+$0x43B0] =	vst.add.f32.msk $0xffff, v4  }
0x284: {  	[tilespmem:s13+$0x63B0] =	vst.add.f32.msk $0xffff, v4  }
0x285: {  	[tilespmem:s13+$0x83B0] =	vst.add.f32.msk $0xffff, v4  }
0x286: {  	[tilespmem:s13+$0x23C0] =	vst.add.f32.msk $0xffff, v5  }
0x287: {  	[tilespmem:s13+$0x43C0] =	vst.add.f32.msk $0xffff, v5  }
0x288: {  	[tilespmem:s13+$0x63C0] =	vst.add.f32.msk $0xffff, v5  }
0x289: {  	[tilespmem:s13+$0x83C0] =	vst.add.f32.msk $0xffff, v5  }
0x28a: {  	[tilespmem:s13+$0x23D0] =	vst.add.f32.msk $0xffff, v6  }
0x28b: {  	[tilespmem:s13+$0x43D0] =	vst.add.f32.msk $0xffff, v6  }
0x28c: {  	[tilespmem:s13+$0x63D0] =	vst.add.f32.msk $0xffff, v6  }
0x28d: {  	[tilespmem:s13+$0x83D0] =	vst.add.f32.msk $0xffff, v6  }
0x28e: {  	[tilespmem:s13+$0x23E0] =	vst.add.f32.msk $0xffff, v7  }
0x28f: {  	[tilespmem:s13+$0x43E0] =	vst.add.f32.msk $0xffff, v7  }
0x290: {  	[tilespmem:s13+$0x63E0] =	vst.add.f32.msk $0xffff, v7  }
0x291: {  	[tilespmem:s13+$0x83E0] =	vst.add.f32.msk $0xffff, v7  }
0x292: {  	s12 =	sadd.s32 $0x1, s12;
	[tilespmem:s13+$0x23F0] =	vst.add.f32.msk $0xffff, v0  }
0x293: {  	p0 =	sne.s32 s12, s6;
	[tilespmem:s13+$0x43F0] =	vst.add.f32.msk $0xffff, v0  }
.Ltmp8:
0x294: {  	[tilespmem:s13+$0x63F0] =	vst.add.f32.msk $0xffff, v0;
	(pc) =	sbr.rel @p0 .LBB2_1-.Ltmp8, $4  }
0x295: {  	[hbm4b:s5+s8] =	stream.strided.scatter [tilespmem:s8], [sflag:$0x2], $0x8000, s10, s8, $0x38;
	[tilespmem:$0xA000] =	vst v63  }
0x296: {  	_ =	swait.ge [sflag:s11], $0x8000  }
0x297: {  	[sflag:s11] =	ssyncset.done $0x0  }
0x298: {  	[sflag:s11] =	ssyncadd.s32 $0xFFFF8000  }
0x299: {  	_ =	sfence.sel $0x180000  }
0x29a: {  	[bflag:$0x0] =	sbarrier.arrive $0xFFFF  }
0x29b: {  	p0 =	sne.s32 s1, $0x0;
	_ =	strace $0x90000047  }
0x29c: {  	s0 =	sadd.s32 @!p0 $0x100000, s0;
	[bflag:$0x2] =	sbarrier.arrive $0xFFFF  }
0x29d: {  	[sflag:s0] =	ssyncadd.tile.s32 @!p0 $0x1;
	_ =	shalt  }
.Lfunc_end2:
_tile_overlayer_lowered:
.L_overlay_start_2:
0x29e: {  	(tag) =	ssettag $0x2  }
0x29f: {  	s0 =	rddreg [dreg:$0x0];
	s2 =	stileid.u32  }
0x2a0: {  	s1 =	rddreg [dreg:$0x1];
	p0 =	sne.s32 s2, $0x0  }
0x2a1: {  	s3 =	rddreg [dreg:$0x2];
	[bflag:$0x3] =	sbarrier.arrive $0xFFFF;
	s2 =	simm.s32 @!p0 $0x1C02  }
0x2a2: {  	[timem:s3], [sflag:s2] =	dma.local @!p0 [hbm:s0], s1  }
0x2a3: {  	s0 =	simm.s32 @!p0 $0x2  }
0x2a4: {  	_ =	swait.ge @!p0 [sflag:s0], s1  }
0x2a5: {  	s1 =	ssub.s32 @!p0 $0x0, s1;
	[sflag:s0] =	ssyncset.done @!p0 $0x0  }
0x2a6: {  	[sflag:s0] =	ssyncadd.s32 @!p0 s1  }
0x2a7: {  	[bflag:$0x3] =	sbarrier.arrive $0xFFFF  }
0x2a8: {  	_ =	shalt  }

</sc_bundles>
